<compile_context>
chip_gen: v7x
topology: tpu7x:2x2x1
jax: 0.10.2.dev20260603
libtpu: 0.0.44.dev20260713+nightly
codegen_flags: <defaults>
</compile_context>

<pallas_src>
import functools

import jax
import jax.numpy as jnp
from jax import lax
from jax.experimental import pallas as pl
from jax.experimental.pallas import tpu as pltpu
from jax.experimental.pallas import tpu_sc as plsc

N_GRAPHS = 64
EB = 256
WN = EB + 8
NC, NS = 2, 16
NW = NC * NS
CH = 120


def _mm_kernel(x_ref, w_ref, o_ref):
    o_ref[...] = jnp.dot(x_ref[...], w_ref[...],
                         preferred_element_type=jnp.float32)


def _matmul(x, w, bn):
    n, k = x.shape
    m = w.shape[1]
    assert n % bn == 0
    return pl.pallas_call(
        _mm_kernel,
        grid=(n // bn,),
        in_specs=[pl.BlockSpec((bn, k), lambda i: (i, 0)),
                  pl.BlockSpec((k, m), lambda i: (0, 0))],
        out_specs=pl.BlockSpec((bn, m), lambda i: (i, 0)),
        out_shape=jax.ShapeDtypeStruct((n, m), jnp.float32),
    )(x, w)


def _mm_bias_kernel(x_ref, w_ref, b_ref, o_ref):
    o_ref[...] = jnp.dot(x_ref[...], w_ref[...],
                         preferred_element_type=jnp.float32) + b_ref[...]


def _matmul_bias(x, w, b):
    n, k = x.shape
    m = w.shape[1]
    return pl.pallas_call(
        _mm_bias_kernel,
        in_specs=[pl.BlockSpec((n, k), lambda: (0, 0)),
                  pl.BlockSpec((k, m), lambda: (0, 0)),
                  pl.BlockSpec((1, m), lambda: (0, 0))],
        out_specs=pl.BlockSpec((n, m), lambda: (0, 0)),
        out_shape=jax.ShapeDtypeStruct((n, m), jnp.float32),
    )(x, w, b.reshape(1, m))


def _sc_gather_body(xl_hbm, src_hbm, gl_hbm, idx_v, rows0, rows1,
                    gsem0, gsem1, *, iters):
    wid = lax.axis_index("s") * NC + lax.axis_index("c")
    per_w = iters * CH
    base0 = wid * per_w
    pltpu.sync_copy(src_hbm.at[pl.ds(base0, per_w)], idx_v)

    def pair(i2, carry):
        i0 = 2 * i2
        i1 = i0 + 1
        a0 = pltpu.async_copy(xl_hbm.at[idx_v.at[pl.ds(i0 * CH, CH)]],
                              rows0, gsem0)
        a1 = pltpu.async_copy(xl_hbm.at[idx_v.at[pl.ds(i1 * CH, CH)]],
                              rows1, gsem1)
        a0.wait()
        pltpu.sync_copy(rows0, gl_hbm.at[pl.ds(base0 + i0 * CH, CH)])
        a1.wait()
        pltpu.sync_copy(rows1, gl_hbm.at[pl.ds(base0 + i1 * CH, CH)])
        return carry

    lax.fori_loop(0, iters // 2, pair, 0)


def _sc_gather(xl, src):
    e_pad = src.shape[0]
    d = xl.shape[1]
    assert e_pad % (NW * CH) == 0
    iters = e_pad // (NW * CH)
    assert iters % 2 == 0
    mesh = plsc.VectorSubcoreMesh(core_axis_name="c", subcore_axis_name="s",
                                  num_cores=NC, num_subcores=NS)
    fn = pl.kernel(
        functools.partial(_sc_gather_body, iters=iters),
        out_type=jax.ShapeDtypeStruct((e_pad, d), jnp.float32),
        mesh=mesh,
        scratch_types=[pltpu.VMEM((iters * CH,), jnp.int32),
                       pltpu.VMEM((CH, d), jnp.float32),
                       pltpu.VMEM((CH, d), jnp.float32),
                       pltpu.SemaphoreType.DMA,
                       pltpu.SemaphoreType.DMA],
    )
    return fn(xl, src)


KB = 6


def _att_agg_kernel(dmin_ref, gxl_ref, xr_ref, dst_ref, dstc_ref, att_ref,
                    out_ref, *, heads, e_tot):
    hc = heads * 64
    b = pl.program_id(0)

    @pl.when(b == 0)
    def _init():
        out_ref[...] = jnp.zeros_like(out_ref)

    for j in range(KB):
        blk = b * KB + j
        dmin = pl.multiple_of(dmin_ref[blk], 8)
        xrw = xr_ref[pl.ds(dmin, WN), :]
        relc = dstc_ref[j, :, :] - dmin
        cols = lax.broadcasted_iota(jnp.int32, (EB, WN), 1)
        q = (cols == relc).astype(jnp.float32)
        gxr = jnp.dot(q, xrw, preferred_element_type=jnp.float32)

        gxl = gxl_ref[pl.ds(j * EB, EB), :]
        e = gxl + gxr
        e = jnp.where(e >= 0.0, e, 0.2 * e)
        ea = e * att_ref[...]

        eid = blk * EB + lax.broadcasted_iota(jnp.int32, (EB, 1), 0)
        valid = (eid < e_tot).astype(jnp.float32)
        ws = []
        for h in range(heads):
            lg = jnp.sum(ea[:, h * 64:(h + 1) * 64], axis=1, keepdims=True)
            ws.append(jnp.exp(lg) * valid)
        wrep = jnp.concatenate(
            [jnp.broadcast_to(w, (EB, 64)) for w in ws], axis=1)
        wcat = jnp.concatenate(
            ws + [jnp.zeros((EB, 128 - heads), jnp.float32)], axis=1)
        m = jnp.concatenate([gxl * wrep, wcat], axis=1)

        rel = dst_ref[0, :, pl.ds(j * EB, EB)] - dmin
        rows = lax.broadcasted_iota(jnp.int32, (WN, EB), 0)
        p = (rows == rel).astype(jnp.float32)
        contrib = jnp.dot(p, m, preferred_element_type=jnp.float32)
        cur = out_ref[pl.ds(dmin, WN), :]
        out_ref[pl.ds(dmin, WN), :] = cur + contrib


def _att_agg_call(gxl, xr_pad, dst3, dst4, dmin, att, heads, n_pad, e_tot):
    e_pad, hc = gxl.shape
    nb = e_pad // EB
    assert nb % KB == 0
    return pl.pallas_call(
        functools.partial(_att_agg_kernel, heads=heads, e_tot=e_tot),
        grid=(nb // KB,),
        in_specs=[
            pl.BlockSpec(memory_space=pltpu.SMEM),
            pl.BlockSpec((KB * EB, hc), lambda b: (b, 0)),
            pl.BlockSpec((n_pad, hc), lambda b: (0, 0)),
            pl.BlockSpec((1, 1, KB * EB), lambda b: (b, 0, 0)),
            pl.BlockSpec((KB, EB, 1), lambda b: (b, 0, 0)),
            pl.BlockSpec((1, hc), lambda b: (0, 0)),
        ],
        out_specs=pl.BlockSpec((n_pad, hc + 128), lambda b: (0, 0)),
        out_shape=jax.ShapeDtypeStruct((n_pad, hc + 128), jnp.float32),
    )(dmin, gxl, xr_pad, dst3, dst4, att.reshape(1, hc))


def _norm_kernel(acc_ref, b_ref, o_ref, *, heads, hcg, relu):
    hc = heads * 64
    acc = acc_ref[...]
    bn = acc.shape[0]
    div = jnp.concatenate(
        [jnp.broadcast_to(acc[:, hcg + h:hcg + h + 1], (bn, 64))
         for h in range(heads)], axis=1)
    h = acc[:, :hc] / (div + 1e-16) + b_ref[...]
    if relu:
        h = jnp.maximum(h, 0.0)
    o_ref[...] = h


def _normalize(acc, bias, heads, hcg, relu, n):
    hc = heads * 64
    bn = 1000
    return pl.pallas_call(
        functools.partial(_norm_kernel, heads=heads, hcg=hcg, relu=relu),
        grid=(n // bn,),
        in_specs=[pl.BlockSpec((bn, hcg + 128), lambda i: (i, 0)),
                  pl.BlockSpec((1, hc), lambda i: (0, 0))],
        out_specs=pl.BlockSpec((bn, hc), lambda i: (i, 0)),
        out_shape=jax.ShapeDtypeStruct((n, hc), jnp.float32),
    )(acc, bias.reshape(1, hc))


def _pool_kernel(h_ref, batch_ref, o_ref, *, n, d, win, gpb):
    gbase = pl.program_id(0) * gpb
    nwin = n // win

    def step(k, carry):
        s, mx, cnt = carry
        rows = h_ref[pl.ds(k * win, win), :]
        bb = batch_ref[pl.ds(k * win, win), :]
        ss, mm, cc = [], [], []
        for gg in range(gpb):
            msk = bb == (gbase + gg)
            ss.append(jnp.sum(jnp.where(msk, rows, 0.0), axis=0,
                              keepdims=True))
            mm.append(jnp.max(jnp.where(msk, rows, -3.4e38), axis=0,
                              keepdims=True))
            cc.append(jnp.sum(msk.astype(jnp.float32)).reshape(1, 1))
        s = s + jnp.concatenate(ss, axis=0)
        mx = jnp.maximum(mx, jnp.concatenate(mm, axis=0))
        cnt = cnt + jnp.concatenate(cc, axis=0)
        return s, mx, cnt

    s0 = jnp.zeros((gpb, d), jnp.float32)
    mx0 = jnp.full((gpb, d), -3.4e38, jnp.float32)
    c0 = jnp.zeros((gpb, 1), jnp.float32)
    s, mx, cnt = lax.fori_loop(0, nwin, step, (s0, mx0, c0))
    mean = s / jnp.maximum(cnt, 1.0)
    mxf = jnp.where(cnt > 0.0, mx, 0.0)
    o_ref[...] = jnp.concatenate([mean, mxf], axis=1)


def _pool(h, batch2d):
    n, d = h.shape
    win = 500
    gpb = 8
    assert n % win == 0 and N_GRAPHS % gpb == 0
    return pl.pallas_call(
        functools.partial(_pool_kernel, n=n, d=d, win=win, gpb=gpb),
        grid=(N_GRAPHS // gpb,),
        in_specs=[pl.BlockSpec((n, d), lambda g: (0, 0)),
                  pl.BlockSpec((n, 1), lambda g: (0, 0))],
        out_specs=pl.BlockSpec((gpb, 2 * d), lambda g: (g, 0)),
        out_shape=jax.ShapeDtypeStruct((N_GRAPHS, 2 * d), jnp.float32),
    )(h, batch2d)


def kernel(x, edge_index, edge_attr, batch, W1l, W1r, att1, b1, W2l, W2r,
           att2, b2, W3l, W3r, att3, b3, Wlin, blin):
    n = x.shape[0]
    e = edge_index.shape[1]
    e_tot = e + n
    e_pad = ((e_tot + NW * CH - 1) // (NW * CH)) * (NW * CH)
    assert e_pad % EB == 0
    n_pad = n + WN

    loop = jnp.arange(n, dtype=edge_index.dtype)
    src = jnp.concatenate([edge_index[0], loop])
    dst = jnp.concatenate([edge_index[1], loop])
    perm = jnp.argsort(dst)
    src_s = src[perm]
    dst_s = dst[perm]
    pad = jnp.full((e_pad - e_tot,), n - 1, dtype=src_s.dtype)
    src_p = jnp.concatenate([src_s, pad])
    dst_p = jnp.concatenate([dst_s, pad])
    assert e_pad % (EB * KB) == 0
    dmin = (dst_p[::EB] // 8) * 8
    dst3 = dst_p.reshape(e_pad // (EB * KB), 1, EB * KB)
    dst4 = dst_p.reshape(e_pad // EB, EB, 1)
    batch2d = batch.reshape(n, 1)

    W3l_p = jnp.pad(W3l, ((0, 0), (0, 64)))
    W3r_p = jnp.pad(W3r, ((0, 0), (0, 64)))
    att3_p = jnp.pad(att3.reshape(64), (0, 64))

    h = x
    for (Wl, Wr, attf, bias, heads_agg, heads_out, relu) in (
            (W1l, W1r, att1.reshape(256), b1, 4, 4, True),
            (W2l, W2r, att2.reshape(128), b2, 2, 2, True),
            (W3l_p, W3r_p, att3_p, b3, 2, 1, False)):
        hcg = heads_agg * 64
        xl = _matmul(h, Wl, 1000)
        xr = _matmul(h, Wr, 1000)
        gxl = _sc_gather(xl, src_p)
        xr_pad = jnp.pad(xr, ((0, n_pad - n), (0, 0)))
        acc = _att_agg_call(gxl, xr_pad, dst3, dst4, dmin, attf,
                            heads_agg, n_pad, e_tot)
        h = _normalize(acc, bias, heads_out, hcg, relu, n)

    pooled = _pool(h, batch2d)
    return _matmul_bias(pooled, Wlin, blin)

# --- scband reference (transcript-rebuilt; emitter-appended) ---
"""Pipeline reference for scband-cbretriever-86449101734463 (READ-ONLY COPY).

The authoritative reference and input builder live on the scoring server;
editing this copy changes nothing except your own understanding.
"""

import jax, jax.numpy as jnp
import numpy as np

N = 10000
E = 320000
D_IN = 128
N_GRAPHS = 64
D_OUT = 128


def setup_inputs(seed: int = 0) -> dict:
    key = jax.random.key(seed)
    ks = jax.random.split(key, 20)

    def w(k, shape, fan_in):
        return jax.random.normal(k, shape, dtype=jnp.float32) * (1.0 / np.sqrt(fan_in))

    inp = {}
    inp["x"] = jax.random.normal(ks[0], (N, D_IN), dtype=jnp.float32)
    inp["edge_index"] = jax.random.randint(ks[1], (2, E), 0, N, dtype=jnp.int32)
    inp["edge_attr"] = jax.random.normal(ks[2], (E, 4), dtype=jnp.float32)
    inp["batch"] = jnp.sort(jax.random.randint(ks[3], (N,), 0, N_GRAPHS, dtype=jnp.int32))
    # conv1: GATv2Conv(128 -> 64, heads=4), concat -> 256
    inp["W1l"] = w(ks[4], (128, 256), 128)
    inp["W1r"] = w(ks[5], (128, 256), 128)
    inp["att1"] = w(ks[6], (4, 64), 64)
    inp["b1"] = jnp.zeros((256,), jnp.float32)
    # conv2: GATv2Conv(256 -> 64, heads=2), concat -> 128
    inp["W2l"] = w(ks[7], (256, 128), 256)
    inp["W2r"] = w(ks[8], (256, 128), 256)
    inp["att2"] = w(ks[9], (2, 64), 64)
    inp["b2"] = jnp.zeros((128,), jnp.float32)
    # conv3: GATv2Conv(128 -> 64, heads=1) -> 64
    inp["W3l"] = w(ks[10], (128, 64), 128)
    inp["W3r"] = w(ks[11], (128, 64), 128)
    inp["att3"] = w(ks[12], (1, 64), 64)
    inp["b3"] = jnp.zeros((64,), jnp.float32)
    # final linear: 2*64 -> 128
    inp["Wlin"] = w(ks[13], (128, D_OUT), 128)
    inp["blin"] = jnp.zeros((D_OUT,), jnp.float32)
    return inp


def _gatv2(x, src, dst, Wl, Wr, att, bias, heads, C):
    # PyG GATv2Conv (eval mode, dropout off), add_self_loops handled by caller,
    # share_weights=False, negative_slope=0.2, concat=True.
    n = x.shape[0]
    xl = (x @ Wl).reshape(n, heads, C)  # source transform
    xr = (x @ Wr).reshape(n, heads, C)  # target transform
    e = jax.nn.leaky_relu(xl[src] + xr[dst], negative_slope=0.2)  # [E,H,C]
    logits = (e * att[None, :, :]).sum(-1)  # [E,H]
    lmax = jax.ops.segment_max(logits, dst, num_segments=n)
    lmax = jnp.where(jnp.isfinite(lmax), lmax, 0.0)
    a = jnp.exp(logits - lmax[dst])
    denom = jax.ops.segment_sum(a, dst, num_segments=n)
    a = a / (denom[dst] + 1e-16)
    out = jax.ops.segment_sum(xl[src] * a[..., None], dst, num_segments=n)  # [N,H,C]
    return out.reshape(n, heads * C) + bias


def reference(x, edge_index, edge_attr, batch, W1l, W1r, att1, b1, W2l, W2r, att2, b2, W3l, W3r, att3, b3, Wlin, blin):
    n = x.shape[0]
    edge_attr = edge_attr.astype(jnp.float32)  # extracted but unused by the convs, as in the torch code
    loop = jnp.arange(n, dtype=edge_index.dtype)
    src = jnp.concatenate([edge_index[0], loop])  # GATv2Conv default add_self_loops=True
    dst = jnp.concatenate([edge_index[1], loop])
    h = _gatv2(x, src, dst, W1l, W1r, att1, b1, 4, 64)
    h = jax.nn.relu(h)
    h = _gatv2(h, src, dst, W2l, W2r, att2, b2, 2, 64)
    h = jax.nn.relu(h)
    h = _gatv2(h, src, dst, W3l, W3r, att3, b3, 1, 64)
    counts = jax.ops.segment_sum(jnp.ones((n,), jnp.float32), batch, num_segments=N_GRAPHS)
    mean = jax.ops.segment_sum(h, batch, num_segments=N_GRAPHS) / jnp.maximum(counts, 1.0)[:, None]
    mx = jax.ops.segment_max(h, batch, num_segments=N_GRAPHS)
    mx = jnp.where(counts[:, None] > 0, mx, 0.0)
    pooled = jnp.concatenate([mean, mx], axis=1)  # [N_GRAPHS, 128]
    return pooled @ Wlin + blin

if __name__ == "__main__":
    import jax
    _d = setup_inputs()
    print(jax.jit(kernel)(*tuple(_d.values())))

</pallas_src>

<mosaic_0001>
#map = affine_map<(d0, d1) -> (0, 0)>
#map1 = affine_map<(d0, d1) -> (0)>
module attributes {stable_mosaic.version = 14 : i64} {
  func.func @_sc_gather_body(%arg0: i32, %arg1: i32, %arg2: memref<10000x128xf32, #tpu.memory_space<hbm>>, %arg3: memref<330240xi32, #tpu.memory_space<hbm>>, %arg4: memref<330240x128xf32, #tpu.memory_space<hbm>>, %arg5: memref<10320xi32, #tpu.memory_space<vmem>>, %arg6: memref<120x128xf32, #tpu.memory_space<vmem>>, %arg7: memref<120x128xf32, #tpu.memory_space<vmem>>, %arg8: memref<!tpu.dma_semaphore, #tpu.memory_space<semaphore_mem>>, %arg9: memref<!tpu.dma_semaphore, #tpu.memory_space<semaphore_mem>>) attributes {dimension_semantics = [#tpu.dimension_semantics<core_parallel>, #tpu.dimension_semantics<subcore_parallel>], iteration_bounds = array<i64: 2, 16>, scalar_prefetch = 0 : i64, scratch_operands = 5 : i64, tpu.core_type = #tpu.core_type<sc_vector_subcore>, window_params = [{transform_indices = #map}, {transform_indices = #map1}, {transform_indices = #map}]} {
    %mul3A = arith.constant 2 : i32
    %mul3A_0 = arith.muli %arg1, %mul3A : i32
    %add3A = arith.addi %mul3A_0, %arg0 : i32
    %mul3A_1 = arith.constant 10320 : i32
    %mul3A_2 = arith.muli %add3A, %mul3A_1 : i32
    "tpu.region"() ({
      %run_scoped3A = tpu.sem_alloc : memref<!tpu.dma_semaphore, #tpu.memory_space<semaphore_mem>>
      %dma_start3A = tpu.memref_slice %arg3[%mul3A_2] : memref<330240xi32, #tpu.memory_space<hbm>> -> memref<10320xi32, #tpu.memory_space<hbm>>
      %dma_start3A_8 = tpu.memref_slice %arg3[%mul3A_2] : memref<330240xi32, #tpu.memory_space<hbm>> -> memref<10320xi32, #tpu.memory_space<hbm>>
      tpu.enqueue_dma source(%dma_start3A_8 : memref<10320xi32, #tpu.memory_space<hbm>>) target(%arg5 : memref<10320xi32, #tpu.memory_space<vmem>>) target_semaphore(%run_scoped3A : memref<!tpu.dma_semaphore, #tpu.memory_space<semaphore_mem>>)
      %dma_wait3A = tpu.memref_slice %arg3[%mul3A_2] : memref<330240xi32, #tpu.memory_space<hbm>> -> memref<10320xi32, #tpu.memory_space<hbm>>
      %dma_wait3A_9 = tpu.memref_slice %arg3[%mul3A_2] : memref<330240xi32, #tpu.memory_space<hbm>> -> memref<10320xi32, #tpu.memory_space<hbm>>
      tpu.wait_dma2 semaphore(%run_scoped3A : memref<!tpu.dma_semaphore, #tpu.memory_space<semaphore_mem>>) src(%dma_wait3A_9 : memref<10320xi32, #tpu.memory_space<hbm>>) dst(%arg5 : memref<10320xi32, #tpu.memory_space<vmem>>)
      tpu.yield
    }) : () -> ()
    %scan3A = arith.constant 0 : i32
    %scan3A_3 = arith.constant 0 : i32
    %scan3A_4 = arith.constant 43 : i32
    %scan3A_5 = arith.addi %scan3A_3, %scan3A_4 : i32
    %scan3A_6 = arith.constant 1 : i32
    scf.for %scan3A_8 = %scan3A_3 to %scan3A_5 step %scan3A_6  : i32 {
      %mul3A_9 = arith.constant 2 : i32
      %mul3A_10 = arith.muli %mul3A_9, %scan3A_8 : i32
      %add3A_11 = arith.constant 1 : i32
      %add3A_12 = arith.addi %mul3A_10, %add3A_11 : i32
      %mul3A_13 = arith.constant 120 : i32
      %mul3A_14 = arith.muli %mul3A_10, %mul3A_13 : i32
      %dma_start3A = tpu.memref_slice %arg5[%mul3A_14] : memref<10320xi32, #tpu.memory_space<vmem>> -> memref<120xi32, #tpu.memory_space<vmem>>
      %dma_start3A_15 = arith.constant 0 : i32
      %dma_start3A_16 = arith.constant 0 : i32
      %dma_start3A_17 = tpu.memref_slice %arg2[%dma_start3A_15, %dma_start3A_16] : memref<10000x128xf32, #tpu.memory_space<hbm>> -> memref<10000x128xf32, #tpu.memory_space<hbm>>
      tpu.enqueue_indirect_dma source(%dma_start3A_17 : memref<10000x128xf32, #tpu.memory_space<hbm>>) target(%arg6 : memref<120x128xf32, #tpu.memory_space<vmem>>) offsets(%dma_start3A : memref<120xi32, #tpu.memory_space<vmem>>) semaphore(%arg8 : memref<!tpu.dma_semaphore, #tpu.memory_space<semaphore_mem>>)
      %mul3A_18 = arith.constant 120 : i32
      %mul3A_19 = arith.muli %add3A_12, %mul3A_18 : i32
      %dma_start3A_20 = tpu.memref_slice %arg5[%mul3A_19] : memref<10320xi32, #tpu.memory_space<vmem>> -> memref<120xi32, #tpu.memory_space<vmem>>
      %dma_start3A_21 = arith.constant 0 : i32
      %dma_start3A_22 = arith.constant 0 : i32
      %dma_start3A_23 = tpu.memref_slice %arg2[%dma_start3A_21, %dma_start3A_22] : memref<10000x128xf32, #tpu.memory_space<hbm>> -> memref<10000x128xf32, #tpu.memory_space<hbm>>
      tpu.enqueue_indirect_dma source(%dma_start3A_23 : memref<10000x128xf32, #tpu.memory_space<hbm>>) target(%arg7 : memref<120x128xf32, #tpu.memory_space<vmem>>) offsets(%dma_start3A_20 : memref<120xi32, #tpu.memory_space<vmem>>) semaphore(%arg9 : memref<!tpu.dma_semaphore, #tpu.memory_space<semaphore_mem>>)
      %dma_wait3A = tpu.memref_slice %arg5[%mul3A_14] : memref<10320xi32, #tpu.memory_space<vmem>> -> memref<120xi32, #tpu.memory_space<vmem>>
      %dma_wait3A_24 = arith.constant 0 : i32
      %dma_wait3A_25 = arith.constant 0 : i32
      %dma_wait3A_26 = tpu.memref_slice %arg2[%dma_wait3A_24, %dma_wait3A_25] : memref<10000x128xf32, #tpu.memory_space<hbm>> -> memref<10000x128xf32, #tpu.memory_space<hbm>>
      tpu.wait_indirect_dma semaphore(%arg8 : memref<!tpu.dma_semaphore, #tpu.memory_space<semaphore_mem>>) src(%dma_wait3A_26 : memref<10000x128xf32, #tpu.memory_space<hbm>>) dst(%arg6 : memref<120x128xf32, #tpu.memory_space<vmem>>)
      %mul3A_27 = arith.constant 120 : i32
      %mul3A_28 = arith.muli %mul3A_10, %mul3A_27 : i32
      %add3A_29 = arith.addi %mul3A_2, %mul3A_28 : i32
      "tpu.region"() ({
        %run_scoped3A = tpu.sem_alloc : memref<!tpu.dma_semaphore, #tpu.memory_space<semaphore_mem>>
        %dma_start3A_37 = arith.constant 0 : i32
        %dma_start3A_38 = tpu.memref_slice %arg4[%add3A_29, %dma_start3A_37] : memref<330240x128xf32, #tpu.memory_space<hbm>> -> memref<120x128xf32, #tpu.memory_space<hbm>>
        %dma_start3A_39 = arith.constant 0 : i32
        %dma_start3A_40 = tpu.memref_slice %arg4[%add3A_29, %dma_start3A_39] : memref<330240x128xf32, #tpu.memory_space<hbm>> -> memref<120x128xf32, #tpu.memory_space<hbm>>
        tpu.enqueue_dma source(%arg6 : memref<120x128xf32, #tpu.memory_space<vmem>>) target(%dma_start3A_40 : memref<120x128xf32, #tpu.memory_space<hbm>>) target_semaphore(%run_scoped3A : memref<!tpu.dma_semaphore, #tpu.memory_space<semaphore_mem>>)
        %dma_wait3A_41 = arith.constant 0 : i32
        %dma_wait3A_42 = tpu.memref_slice %arg4[%add3A_29, %dma_wait3A_41] : memref<330240x128xf32, #tpu.memory_space<hbm>> -> memref<120x128xf32, #tpu.memory_space<hbm>>
        %dma_wait3A_43 = arith.constant 0 : i32
        %dma_wait3A_44 = tpu.memref_slice %arg4[%add3A_29, %dma_wait3A_43] : memref<330240x128xf32, #tpu.memory_space<hbm>> -> memref<120x128xf32, #tpu.memory_space<hbm>>
        tpu.wait_dma2 semaphore(%run_scoped3A : memref<!tpu.dma_semaphore, #tpu.memory_space<semaphore_mem>>) src(%arg6 : memref<120x128xf32, #tpu.memory_space<vmem>>) dst(%dma_wait3A_44 : memref<120x128xf32, #tpu.memory_space<hbm>>)
        tpu.yield
      }) : () -> ()
      %dma_wait3A_30 = tpu.memref_slice %arg5[%mul3A_19] : memref<10320xi32, #tpu.memory_space<vmem>> -> memref<120xi32, #tpu.memory_space<vmem>>
      %dma_wait3A_31 = arith.constant 0 : i32
      %dma_wait3A_32 = arith.constant 0 : i32
      %dma_wait3A_33 = tpu.memref_slice %arg2[%dma_wait3A_31, %dma_wait3A_32] : memref<10000x128xf32, #tpu.memory_space<hbm>> -> memref<10000x128xf32, #tpu.memory_space<hbm>>
      tpu.wait_indirect_dma semaphore(%arg9 : memref<!tpu.dma_semaphore, #tpu.memory_space<semaphore_mem>>) src(%dma_wait3A_33 : memref<10000x128xf32, #tpu.memory_space<hbm>>) dst(%arg7 : memref<120x128xf32, #tpu.memory_space<vmem>>)
      %mul3A_34 = arith.constant 120 : i32
      %mul3A_35 = arith.muli %add3A_12, %mul3A_34 : i32
      %add3A_36 = arith.addi %mul3A_2, %mul3A_35 : i32
      "tpu.region"() ({
        %run_scoped3A = tpu.sem_alloc : memref<!tpu.dma_semaphore, #tpu.memory_space<semaphore_mem>>
        %dma_start3A_37 = arith.constant 0 : i32
        %dma_start3A_38 = tpu.memref_slice %arg4[%add3A_36, %dma_start3A_37] : memref<330240x128xf32, #tpu.memory_space<hbm>> -> memref<120x128xf32, #tpu.memory_space<hbm>>
        %dma_start3A_39 = arith.constant 0 : i32
        %dma_start3A_40 = tpu.memref_slice %arg4[%add3A_36, %dma_start3A_39] : memref<330240x128xf32, #tpu.memory_space<hbm>> -> memref<120x128xf32, #tpu.memory_space<hbm>>
        tpu.enqueue_dma source(%arg7 : memref<120x128xf32, #tpu.memory_space<vmem>>) target(%dma_start3A_40 : memref<120x128xf32, #tpu.memory_space<hbm>>) target_semaphore(%run_scoped3A : memref<!tpu.dma_semaphore, #tpu.memory_space<semaphore_mem>>)
        %dma_wait3A_41 = arith.constant 0 : i32
        %dma_wait3A_42 = tpu.memref_slice %arg4[%add3A_36, %dma_wait3A_41] : memref<330240x128xf32, #tpu.memory_space<hbm>> -> memref<120x128xf32, #tpu.memory_space<hbm>>
        %dma_wait3A_43 = arith.constant 0 : i32
        %dma_wait3A_44 = tpu.memref_slice %arg4[%add3A_36, %dma_wait3A_43] : memref<330240x128xf32, #tpu.memory_space<hbm>> -> memref<120x128xf32, #tpu.memory_space<hbm>>
        tpu.wait_dma2 semaphore(%run_scoped3A : memref<!tpu.dma_semaphore, #tpu.memory_space<semaphore_mem>>) src(%arg7 : memref<120x128xf32, #tpu.memory_space<vmem>>) dst(%dma_wait3A_44 : memref<120x128xf32, #tpu.memory_space<hbm>>)
        tpu.yield
      }) : () -> ()
    }
    %scan3A_7 = arith.constant 43 : i32
    return
  }
}

#map = affine_map<(d0, d1) -> (0, 0)>
#map1 = affine_map<(d0, d1) -> (0)>
module attributes {stable_mosaic.version = 14 : i64} {
  func.func @_sc_gather_body(%arg0: i32, %arg1: i32, %arg2: memref<10000x256xf32, #tpu.memory_space<hbm>>, %arg3: memref<330240xi32, #tpu.memory_space<hbm>>, %arg4: memref<330240x256xf32, #tpu.memory_space<hbm>>, %arg5: memref<10320xi32, #tpu.memory_space<vmem>>, %arg6: memref<120x256xf32, #tpu.memory_space<vmem>>, %arg7: memref<120x256xf32, #tpu.memory_space<vmem>>, %arg8: memref<!tpu.dma_semaphore, #tpu.memory_space<semaphore_mem>>, %arg9: memref<!tpu.dma_semaphore, #tpu.memory_space<semaphore_mem>>) attributes {dimension_semantics = [#tpu.dimension_semantics<core_parallel>, #tpu.dimension_semantics<subcore_parallel>], iteration_bounds = array<i64: 2, 16>, scalar_prefetch = 0 : i64, scratch_operands = 5 : i64, tpu.core_type = #tpu.core_type<sc_vector_subcore>, window_params = [{transform_indices = #map}, {transform_indices = #map1}, {transform_indices = #map}]} {
    %mul3A = arith.constant 2 : i32
    %mul3A_0 = arith.muli %arg1, %mul3A : i32
    %add3A = arith.addi %mul3A_0, %arg0 : i32
    %mul3A_1 = arith.constant 10320 : i32
    %mul3A_2 = arith.muli %add3A, %mul3A_1 : i32
    "tpu.region"() ({
      %run_scoped3A = tpu.sem_alloc : memref<!tpu.dma_semaphore, #tpu.memory_space<semaphore_mem>>
      %dma_start3A = tpu.memref_slice %arg3[%mul3A_2] : memref<330240xi32, #tpu.memory_space<hbm>> -> memref<10320xi32, #tpu.memory_space<hbm>>
      %dma_start3A_8 = tpu.memref_slice %arg3[%mul3A_2] : memref<330240xi32, #tpu.memory_space<hbm>> -> memref<10320xi32, #tpu.memory_space<hbm>>
      tpu.enqueue_dma source(%dma_start3A_8 : memref<10320xi32, #tpu.memory_space<hbm>>) target(%arg5 : memref<10320xi32, #tpu.memory_space<vmem>>) target_semaphore(%run_scoped3A : memref<!tpu.dma_semaphore, #tpu.memory_space<semaphore_mem>>)
      %dma_wait3A = tpu.memref_slice %arg3[%mul3A_2] : memref<330240xi32, #tpu.memory_space<hbm>> -> memref<10320xi32, #tpu.memory_space<hbm>>
      %dma_wait3A_9 = tpu.memref_slice %arg3[%mul3A_2] : memref<330240xi32, #tpu.memory_space<hbm>> -> memref<10320xi32, #tpu.memory_space<hbm>>
      tpu.wait_dma2 semaphore(%run_scoped3A : memref<!tpu.dma_semaphore, #tpu.memory_space<semaphore_mem>>) src(%dma_wait3A_9 : memref<10320xi32, #tpu.memory_space<hbm>>) dst(%arg5 : memref<10320xi32, #tpu.memory_space<vmem>>)
      tpu.yield
    }) : () -> ()
    %scan3A = arith.constant 0 : i32
    %scan3A_3 = arith.constant 0 : i32
    %scan3A_4 = arith.constant 43 : i32
    %scan3A_5 = arith.addi %scan3A_3, %scan3A_4 : i32
    %scan3A_6 = arith.constant 1 : i32
    scf.for %scan3A_8 = %scan3A_3 to %scan3A_5 step %scan3A_6  : i32 {
      %mul3A_9 = arith.constant 2 : i32
      %mul3A_10 = arith.muli %mul3A_9, %scan3A_8 : i32
      %add3A_11 = arith.constant 1 : i32
      %add3A_12 = arith.addi %mul3A_10, %add3A_11 : i32
      %mul3A_13 = arith.constant 120 : i32
      %mul3A_14 = arith.muli %mul3A_10, %mul3A_13 : i32
      %dma_start3A = tpu.memref_slice %arg5[%mul3A_14] : memref<10320xi32, #tpu.memory_space<vmem>> -> memref<120xi32, #tpu.memory_space<vmem>>
      %dma_start3A_15 = arith.constant 0 : i32
      %dma_start3A_16 = arith.constant 0 : i32
      %dma_start3A_17 = tpu.memref_slice %arg2[%dma_start3A_15, %dma_start3A_16] : memref<10000x256xf32, #tpu.memory_space<hbm>> -> memref<10000x256xf32, #tpu.memory_space<hbm>>
      tpu.enqueue_indirect_dma source(%dma_start3A_17 : memref<10000x256xf32, #tpu.memory_space<hbm>>) target(%arg6 : memref<120x256xf32, #tpu.memory_space<vmem>>) offsets(%dma_start3A : memref<120xi32, #tpu.memory_space<vmem>>) semaphore(%arg8 : memref<!tpu.dma_semaphore, #tpu.memory_space<semaphore_mem>>)
      %mul3A_18 = arith.constant 120 : i32
      %mul3A_19 = arith.muli %add3A_12, %mul3A_18 : i32
      %dma_start3A_20 = tpu.memref_slice %arg5[%mul3A_19] : memref<10320xi32, #tpu.memory_space<vmem>> -> memref<120xi32, #tpu.memory_space<vmem>>
      %dma_start3A_21 = arith.constant 0 : i32
      %dma_start3A_22 = arith.constant 0 : i32
      %dma_start3A_23 = tpu.memref_slice %arg2[%dma_start3A_21, %dma_start3A_22] : memref<10000x256xf32, #tpu.memory_space<hbm>> -> memref<10000x256xf32, #tpu.memory_space<hbm>>
      tpu.enqueue_indirect_dma source(%dma_start3A_23 : memref<10000x256xf32, #tpu.memory_space<hbm>>) target(%arg7 : memref<120x256xf32, #tpu.memory_space<vmem>>) offsets(%dma_start3A_20 : memref<120xi32, #tpu.memory_space<vmem>>) semaphore(%arg9 : memref<!tpu.dma_semaphore, #tpu.memory_space<semaphore_mem>>)
      %dma_wait3A = tpu.memref_slice %arg5[%mul3A_14] : memref<10320xi32, #tpu.memory_space<vmem>> -> memref<120xi32, #tpu.memory_space<vmem>>
      %dma_wait3A_24 = arith.constant 0 : i32
      %dma_wait3A_25 = arith.constant 0 : i32
      %dma_wait3A_26 = tpu.memref_slice %arg2[%dma_wait3A_24, %dma_wait3A_25] : memref<10000x256xf32, #tpu.memory_space<hbm>> -> memref<10000x256xf32, #tpu.memory_space<hbm>>
      tpu.wait_indirect_dma semaphore(%arg8 : memref<!tpu.dma_semaphore, #tpu.memory_space<semaphore_mem>>) src(%dma_wait3A_26 : memref<10000x256xf32, #tpu.memory_space<hbm>>) dst(%arg6 : memref<120x256xf32, #tpu.memory_space<vmem>>)
      %mul3A_27 = arith.constant 120 : i32
      %mul3A_28 = arith.muli %mul3A_10, %mul3A_27 : i32
      %add3A_29 = arith.addi %mul3A_2, %mul3A_28 : i32
      "tpu.region"() ({
        %run_scoped3A = tpu.sem_alloc : memref<!tpu.dma_semaphore, #tpu.memory_space<semaphore_mem>>
        %dma_start3A_37 = arith.constant 0 : i32
        %dma_start3A_38 = tpu.memref_slice %arg4[%add3A_29, %dma_start3A_37] : memref<330240x256xf32, #tpu.memory_space<hbm>> -> memref<120x256xf32, #tpu.memory_space<hbm>>
        %dma_start3A_39 = arith.constant 0 : i32
        %dma_start3A_40 = tpu.memref_slice %arg4[%add3A_29, %dma_start3A_39] : memref<330240x256xf32, #tpu.memory_space<hbm>> -> memref<120x256xf32, #tpu.memory_space<hbm>>
        tpu.enqueue_dma source(%arg6 : memref<120x256xf32, #tpu.memory_space<vmem>>) target(%dma_start3A_40 : memref<120x256xf32, #tpu.memory_space<hbm>>) target_semaphore(%run_scoped3A : memref<!tpu.dma_semaphore, #tpu.memory_space<semaphore_mem>>)
        %dma_wait3A_41 = arith.constant 0 : i32
        %dma_wait3A_42 = tpu.memref_slice %arg4[%add3A_29, %dma_wait3A_41] : memref<330240x256xf32, #tpu.memory_space<hbm>> -> memref<120x256xf32, #tpu.memory_space<hbm>>
        %dma_wait3A_43 = arith.constant 0 : i32
        %dma_wait3A_44 = tpu.memref_slice %arg4[%add3A_29, %dma_wait3A_43] : memref<330240x256xf32, #tpu.memory_space<hbm>> -> memref<120x256xf32, #tpu.memory_space<hbm>>
        tpu.wait_dma2 semaphore(%run_scoped3A : memref<!tpu.dma_semaphore, #tpu.memory_space<semaphore_mem>>) src(%arg6 : memref<120x256xf32, #tpu.memory_space<vmem>>) dst(%dma_wait3A_44 : memref<120x256xf32, #tpu.memory_space<hbm>>)
        tpu.yield
      }) : () -> ()
      %dma_wait3A_30 = tpu.memref_slice %arg5[%mul3A_19] : memref<10320xi32, #tpu.memory_space<vmem>> -> memref<120xi32, #tpu.memory_space<vmem>>
      %dma_wait3A_31 = arith.constant 0 : i32
      %dma_wait3A_32 = arith.constant 0 : i32
      %dma_wait3A_33 = tpu.memref_slice %arg2[%dma_wait3A_31, %dma_wait3A_32] : memref<10000x256xf32, #tpu.memory_space<hbm>> -> memref<10000x256xf32, #tpu.memory_space<hbm>>
      tpu.wait_indirect_dma semaphore(%arg9 : memref<!tpu.dma_semaphore, #tpu.memory_space<semaphore_mem>>) src(%dma_wait3A_33 : memref<10000x256xf32, #tpu.memory_space<hbm>>) dst(%arg7 : memref<120x256xf32, #tpu.memory_space<vmem>>)
      %mul3A_34 = arith.constant 120 : i32
      %mul3A_35 = arith.muli %add3A_12, %mul3A_34 : i32
      %add3A_36 = arith.addi %mul3A_2, %mul3A_35 : i32
      "tpu.region"() ({
        %run_scoped3A = tpu.sem_alloc : memref<!tpu.dma_semaphore, #tpu.memory_space<semaphore_mem>>
        %dma_start3A_37 = arith.constant 0 : i32
        %dma_start3A_38 = tpu.memref_slice %arg4[%add3A_36, %dma_start3A_37] : memref<330240x256xf32, #tpu.memory_space<hbm>> -> memref<120x256xf32, #tpu.memory_space<hbm>>
        %dma_start3A_39 = arith.constant 0 : i32
        %dma_start3A_40 = tpu.memref_slice %arg4[%add3A_36, %dma_start3A_39] : memref<330240x256xf32, #tpu.memory_space<hbm>> -> memref<120x256xf32, #tpu.memory_space<hbm>>
        tpu.enqueue_dma source(%arg7 : memref<120x256xf32, #tpu.memory_space<vmem>>) target(%dma_start3A_40 : memref<120x256xf32, #tpu.memory_space<hbm>>) target_semaphore(%run_scoped3A : memref<!tpu.dma_semaphore, #tpu.memory_space<semaphore_mem>>)
        %dma_wait3A_41 = arith.constant 0 : i32
        %dma_wait3A_42 = tpu.memref_slice %arg4[%add3A_36, %dma_wait3A_41] : memref<330240x256xf32, #tpu.memory_space<hbm>> -> memref<120x256xf32, #tpu.memory_space<hbm>>
        %dma_wait3A_43 = arith.constant 0 : i32
        %dma_wait3A_44 = tpu.memref_slice %arg4[%add3A_36, %dma_wait3A_43] : memref<330240x256xf32, #tpu.memory_space<hbm>> -> memref<120x256xf32, #tpu.memory_space<hbm>>
        tpu.wait_dma2 semaphore(%run_scoped3A : memref<!tpu.dma_semaphore, #tpu.memory_space<semaphore_mem>>) src(%arg7 : memref<120x256xf32, #tpu.memory_space<vmem>>) dst(%dma_wait3A_44 : memref<120x256xf32, #tpu.memory_space<hbm>>)
        tpu.yield
      }) : () -> ()
    }
    %scan3A_7 = arith.constant 43 : i32
    return
  }
}

#map = affine_map<(d0, d1) -> (0, 0)>
#map1 = affine_map<(d0, d1) -> (0)>
module attributes {stable_mosaic.version = 14 : i64} {
  func.func @_sc_gather_body(%arg0: i32, %arg1: i32, %arg2: memref<10000x128xf32, #tpu.memory_space<hbm>>, %arg3: memref<330240xi32, #tpu.memory_space<hbm>>, %arg4: memref<330240x128xf32, #tpu.memory_space<hbm>>, %arg5: memref<10320xi32, #tpu.memory_space<vmem>>, %arg6: memref<120x128xf32, #tpu.memory_space<vmem>>, %arg7: memref<120x128xf32, #tpu.memory_space<vmem>>, %arg8: memref<!tpu.dma_semaphore, #tpu.memory_space<semaphore_mem>>, %arg9: memref<!tpu.dma_semaphore, #tpu.memory_space<semaphore_mem>>) attributes {dimension_semantics = [#tpu.dimension_semantics<core_parallel>, #tpu.dimension_semantics<subcore_parallel>], iteration_bounds = array<i64: 2, 16>, scalar_prefetch = 0 : i64, scratch_operands = 5 : i64, tpu.core_type = #tpu.core_type<sc_vector_subcore>, window_params = [{transform_indices = #map}, {transform_indices = #map1}, {transform_indices = #map}]} {
    %mul3A = arith.constant 2 : i32
    %mul3A_0 = arith.muli %arg1, %mul3A : i32
    %add3A = arith.addi %mul3A_0, %arg0 : i32
    %mul3A_1 = arith.constant 10320 : i32
    %mul3A_2 = arith.muli %add3A, %mul3A_1 : i32
    "tpu.region"() ({
      %run_scoped3A = tpu.sem_alloc : memref<!tpu.dma_semaphore, #tpu.memory_space<semaphore_mem>>
      %dma_start3A = tpu.memref_slice %arg3[%mul3A_2] : memref<330240xi32, #tpu.memory_space<hbm>> -> memref<10320xi32, #tpu.memory_space<hbm>>
      %dma_start3A_8 = tpu.memref_slice %arg3[%mul3A_2] : memref<330240xi32, #tpu.memory_space<hbm>> -> memref<10320xi32, #tpu.memory_space<hbm>>
      tpu.enqueue_dma source(%dma_start3A_8 : memref<10320xi32, #tpu.memory_space<hbm>>) target(%arg5 : memref<10320xi32, #tpu.memory_space<vmem>>) target_semaphore(%run_scoped3A : memref<!tpu.dma_semaphore, #tpu.memory_space<semaphore_mem>>)
      %dma_wait3A = tpu.memref_slice %arg3[%mul3A_2] : memref<330240xi32, #tpu.memory_space<hbm>> -> memref<10320xi32, #tpu.memory_space<hbm>>
      %dma_wait3A_9 = tpu.memref_slice %arg3[%mul3A_2] : memref<330240xi32, #tpu.memory_space<hbm>> -> memref<10320xi32, #tpu.memory_space<hbm>>
      tpu.wait_dma2 semaphore(%run_scoped3A : memref<!tpu.dma_semaphore, #tpu.memory_space<semaphore_mem>>) src(%dma_wait3A_9 : memref<10320xi32, #tpu.memory_space<hbm>>) dst(%arg5 : memref<10320xi32, #tpu.memory_space<vmem>>)
      tpu.yield
    }) : () -> ()
    %scan3A = arith.constant 0 : i32
    %scan3A_3 = arith.constant 0 : i32
    %scan3A_4 = arith.constant 43 : i32
    %scan3A_5 = arith.addi %scan3A_3, %scan3A_4 : i32
    %scan3A_6 = arith.constant 1 : i32
    scf.for %scan3A_8 = %scan3A_3 to %scan3A_5 step %scan3A_6  : i32 {
      %mul3A_9 = arith.constant 2 : i32
      %mul3A_10 = arith.muli %mul3A_9, %scan3A_8 : i32
      %add3A_11 = arith.constant 1 : i32
      %add3A_12 = arith.addi %mul3A_10, %add3A_11 : i32
      %mul3A_13 = arith.constant 120 : i32
      %mul3A_14 = arith.muli %mul3A_10, %mul3A_13 : i32
      %dma_start3A = tpu.memref_slice %arg5[%mul3A_14] : memref<10320xi32, #tpu.memory_space<vmem>> -> memref<120xi32, #tpu.memory_space<vmem>>
      %dma_start3A_15 = arith.constant 0 : i32
      %dma_start3A_16 = arith.constant 0 : i32
      %dma_start3A_17 = tpu.memref_slice %arg2[%dma_start3A_15, %dma_start3A_16] : memref<10000x128xf32, #tpu.memory_space<hbm>> -> memref<10000x128xf32, #tpu.memory_space<hbm>>
      tpu.enqueue_indirect_dma source(%dma_start3A_17 : memref<10000x128xf32, #tpu.memory_space<hbm>>) target(%arg6 : memref<120x128xf32, #tpu.memory_space<vmem>>) offsets(%dma_start3A : memref<120xi32, #tpu.memory_space<vmem>>) semaphore(%arg8 : memref<!tpu.dma_semaphore, #tpu.memory_space<semaphore_mem>>)
      %mul3A_18 = arith.constant 120 : i32
      %mul3A_19 = arith.muli %add3A_12, %mul3A_18 : i32
      %dma_start3A_20 = tpu.memref_slice %arg5[%mul3A_19] : memref<10320xi32, #tpu.memory_space<vmem>> -> memref<120xi32, #tpu.memory_space<vmem>>
      %dma_start3A_21 = arith.constant 0 : i32
      %dma_start3A_22 = arith.constant 0 : i32
      %dma_start3A_23 = tpu.memref_slice %arg2[%dma_start3A_21, %dma_start3A_22] : memref<10000x128xf32, #tpu.memory_space<hbm>> -> memref<10000x128xf32, #tpu.memory_space<hbm>>
      tpu.enqueue_indirect_dma source(%dma_start3A_23 : memref<10000x128xf32, #tpu.memory_space<hbm>>) target(%arg7 : memref<120x128xf32, #tpu.memory_space<vmem>>) offsets(%dma_start3A_20 : memref<120xi32, #tpu.memory_space<vmem>>) semaphore(%arg9 : memref<!tpu.dma_semaphore, #tpu.memory_space<semaphore_mem>>)
      %dma_wait3A = tpu.memref_slice %arg5[%mul3A_14] : memref<10320xi32, #tpu.memory_space<vmem>> -> memref<120xi32, #tpu.memory_space<vmem>>
      %dma_wait3A_24 = arith.constant 0 : i32
      %dma_wait3A_25 = arith.constant 0 : i32
      %dma_wait3A_26 = tpu.memref_slice %arg2[%dma_wait3A_24, %dma_wait3A_25] : memref<10000x128xf32, #tpu.memory_space<hbm>> -> memref<10000x128xf32, #tpu.memory_space<hbm>>
      tpu.wait_indirect_dma semaphore(%arg8 : memref<!tpu.dma_semaphore, #tpu.memory_space<semaphore_mem>>) src(%dma_wait3A_26 : memref<10000x128xf32, #tpu.memory_space<hbm>>) dst(%arg6 : memref<120x128xf32, #tpu.memory_space<vmem>>)
      %mul3A_27 = arith.constant 120 : i32
      %mul3A_28 = arith.muli %mul3A_10, %mul3A_27 : i32
      %add3A_29 = arith.addi %mul3A_2, %mul3A_28 : i32
      "tpu.region"() ({
        %run_scoped3A = tpu.sem_alloc : memref<!tpu.dma_semaphore, #tpu.memory_space<semaphore_mem>>
        %dma_start3A_37 = arith.constant 0 : i32
        %dma_start3A_38 = tpu.memref_slice %arg4[%add3A_29, %dma_start3A_37] : memref<330240x128xf32, #tpu.memory_space<hbm>> -> memref<120x128xf32, #tpu.memory_space<hbm>>
        %dma_start3A_39 = arith.constant 0 : i32
        %dma_start3A_40 = tpu.memref_slice %arg4[%add3A_29, %dma_start3A_39] : memref<330240x128xf32, #tpu.memory_space<hbm>> -> memref<120x128xf32, #tpu.memory_space<hbm>>
        tpu.enqueue_dma source(%arg6 : memref<120x128xf32, #tpu.memory_space<vmem>>) target(%dma_start3A_40 : memref<120x128xf32, #tpu.memory_space<hbm>>) target_semaphore(%run_scoped3A : memref<!tpu.dma_semaphore, #tpu.memory_space<semaphore_mem>>)
        %dma_wait3A_41 = arith.constant 0 : i32
        %dma_wait3A_42 = tpu.memref_slice %arg4[%add3A_29, %dma_wait3A_41] : memref<330240x128xf32, #tpu.memory_space<hbm>> -> memref<120x128xf32, #tpu.memory_space<hbm>>
        %dma_wait3A_43 = arith.constant 0 : i32
        %dma_wait3A_44 = tpu.memref_slice %arg4[%add3A_29, %dma_wait3A_43] : memref<330240x128xf32, #tpu.memory_space<hbm>> -> memref<120x128xf32, #tpu.memory_space<hbm>>
        tpu.wait_dma2 semaphore(%run_scoped3A : memref<!tpu.dma_semaphore, #tpu.memory_space<semaphore_mem>>) src(%arg6 : memref<120x128xf32, #tpu.memory_space<vmem>>) dst(%dma_wait3A_44 : memref<120x128xf32, #tpu.memory_space<hbm>>)
        tpu.yield
      }) : () -> ()
      %dma_wait3A_30 = tpu.memref_slice %arg5[%mul3A_19] : memref<10320xi32, #tpu.memory_space<vmem>> -> memref<120xi32, #tpu.memory_space<vmem>>
      %dma_wait3A_31 = arith.constant 0 : i32
      %dma_wait3A_32 = arith.constant 0 : i32
      %dma_wait3A_33 = tpu.memref_slice %arg2[%dma_wait3A_31, %dma_wait3A_32] : memref<10000x128xf32, #tpu.memory_space<hbm>> -> memref<10000x128xf32, #tpu.memory_space<hbm>>
      tpu.wait_indirect_dma semaphore(%arg9 : memref<!tpu.dma_semaphore, #tpu.memory_space<semaphore_mem>>) src(%dma_wait3A_33 : memref<10000x128xf32, #tpu.memory_space<hbm>>) dst(%arg7 : memref<120x128xf32, #tpu.memory_space<vmem>>)
      %mul3A_34 = arith.constant 120 : i32
      %mul3A_35 = arith.muli %add3A_12, %mul3A_34 : i32
      %add3A_36 = arith.addi %mul3A_2, %mul3A_35 : i32
      "tpu.region"() ({
        %run_scoped3A = tpu.sem_alloc : memref<!tpu.dma_semaphore, #tpu.memory_space<semaphore_mem>>
        %dma_start3A_37 = arith.constant 0 : i32
        %dma_start3A_38 = tpu.memref_slice %arg4[%add3A_36, %dma_start3A_37] : memref<330240x128xf32, #tpu.memory_space<hbm>> -> memref<120x128xf32, #tpu.memory_space<hbm>>
        %dma_start3A_39 = arith.constant 0 : i32
        %dma_start3A_40 = tpu.memref_slice %arg4[%add3A_36, %dma_start3A_39] : memref<330240x128xf32, #tpu.memory_space<hbm>> -> memref<120x128xf32, #tpu.memory_space<hbm>>
        tpu.enqueue_dma source(%arg7 : memref<120x128xf32, #tpu.memory_space<vmem>>) target(%dma_start3A_40 : memref<120x128xf32, #tpu.memory_space<hbm>>) target_semaphore(%run_scoped3A : memref<!tpu.dma_semaphore, #tpu.memory_space<semaphore_mem>>)
        %dma_wait3A_41 = arith.constant 0 : i32
        %dma_wait3A_42 = tpu.memref_slice %arg4[%add3A_36, %dma_wait3A_41] : memref<330240x128xf32, #tpu.memory_space<hbm>> -> memref<120x128xf32, #tpu.memory_space<hbm>>
        %dma_wait3A_43 = arith.constant 0 : i32
        %dma_wait3A_44 = tpu.memref_slice %arg4[%add3A_36, %dma_wait3A_43] : memref<330240x128xf32, #tpu.memory_space<hbm>> -> memref<120x128xf32, #tpu.memory_space<hbm>>
        tpu.wait_dma2 semaphore(%run_scoped3A : memref<!tpu.dma_semaphore, #tpu.memory_space<semaphore_mem>>) src(%arg7 : memref<120x128xf32, #tpu.memory_space<vmem>>) dst(%dma_wait3A_44 : memref<120x128xf32, #tpu.memory_space<hbm>>)
        tpu.yield
      }) : () -> ()
    }
    %scan3A_7 = arith.constant 43 : i32
    return
  }
}

module attributes {stable_mosaic.version = 14 : i64} {
  func.func @_mm_kernel(%arg0: i32, %arg1: memref<1000x128xf32, #tpu.memory_space<vmem>>, %arg2: memref<128x256xf32, #tpu.memory_space<vmem>>, %arg3: memref<1000x256xf32, #tpu.memory_space<vmem>>) attributes {dimension_semantics = [#tpu.dimension_semantics<arbitrary>], iteration_bounds = array<i64: 10>, scalar_prefetch = 0 : i64, scratch_operands = 0 : i64, tpu.core_type = #tpu.core_type<tc>, window_params = [{transform_indices = @transform_0, window_bounds = array<i64: 1000, 128>}, {pipeline_mode = #tpu.pipeline_mode<synchronous>, transform_indices = @transform_1, window_bounds = array<i64: 128, 256>}, {transform_indices = @transform_2, window_bounds = array<i64: 1000, 256>}]} {
    %get3A = arith.constant 0 : index
    %get3A_0 = arith.constant 0 : index
    %get3A_1 = vector.load %arg1[%get3A, %get3A_0] : memref<1000x128xf32, #tpu.memory_space<vmem>>, vector<1000x128xf32>
    %get3A_2 = arith.constant 0 : index
    %get3A_3 = arith.constant 0 : index
    %get3A_4 = vector.load %arg2[%get3A_2, %get3A_3] : memref<128x256xf32, #tpu.memory_space<vmem>>, vector<128x256xf32>
    %dot_general3A = arith.constant dense<0.000000e+00> : vector<1000x256xf32>
    %dot_general3A_5 = tpu.matmul %get3A_1, %get3A_4, %dot_general3A {dimension_numbers = #tpu.dot_dimension_numbers<[1], [0], [0], [1], [0, 0, 1, 1], [], []>, transpose_lhs_hint = false} : vector<1000x128xf32>, vector<128x256xf32>, vector<1000x256xf32> -> vector<1000x256xf32>
    %swap3A = arith.constant 0 : index
    %swap3A_6 = arith.constant 0 : index
    %swap3A_7 = vector.load %arg3[%swap3A, %swap3A_6] : memref<1000x256xf32, #tpu.memory_space<vmem>>, vector<1000x256xf32>
    tpu.vector_store %arg3[%swap3A, %swap3A_6], %dot_general3A_5 {strides = array<i32>} : memref<1000x256xf32, #tpu.memory_space<vmem>>, vector<1000x256xf32>,
    return
  }
  func.func @transform_0(%arg0: i32) -> (i32, i32) {
    %c0_i32 = arith.constant 0 : i32
    %c0_i32_0 = arith.constant 0 : i32
    return %arg0, %c0_i32 : i32, i32
  }
  func.func @transform_1(%arg0: i32) -> (i32, i32) {
    %c0_i32 = arith.constant 0 : i32
    %c0_i32_0 = arith.constant 0 : i32
    %c0_i32_1 = arith.constant 0 : i32
    return %c0_i32, %c0_i32_0 : i32, i32
  }
  func.func @transform_2(%arg0: i32) -> (i32, i32) {
    %c0_i32 = arith.constant 0 : i32
    %c0_i32_0 = arith.constant 0 : i32
    return %arg0, %c0_i32 : i32, i32
  }
}

module attributes {stable_mosaic.version = 14 : i64} {
  func.func @_att_agg_kernel(%arg0: i32, %arg1: memref<1290xi32, #tpu.memory_space<smem>>, %arg2: memref<1536x256xf32, #tpu.memory_space<vmem>>, %arg3: memref<10264x256xf32, #tpu.memory_space<vmem>>, %arg4: memref<1x1x1536xi32, #tpu.memory_space<vmem>>, %arg5: memref<6x256x1xi32, #tpu.memory_space<vmem>>, %arg6: memref<1x256xf32, #tpu.memory_space<vmem>>, %arg7: memref<10264x384xf32, #tpu.memory_space<vmem>>) attributes {dimension_semantics = [#tpu.dimension_semantics<arbitrary>], iteration_bounds = array<i64: 215>, scalar_prefetch = 0 : i64, scratch_operands = 0 : i64, tpu.core_type = #tpu.core_type<tc>, window_params = [{transform_indices = @transform_0, window_bounds = array<i64: 1290>}, {transform_indices = @transform_1, window_bounds = array<i64: 1536, 256>}, {pipeline_mode = #tpu.pipeline_mode<synchronous>, transform_indices = @transform_2, window_bounds = array<i64: 10264, 256>}, {transform_indices = @transform_3, window_bounds = array<i64: 1, 1, 1536>}, {transform_indices = @transform_4, window_bounds = array<i64: 6, 256, 1>}, {pipeline_mode = #tpu.pipeline_mode<synchronous>, transform_indices = @transform_5, window_bounds = array<i64: 1, 256>}, {pipeline_mode = #tpu.pipeline_mode<synchronous>, transform_indices = @transform_6, window_bounds = array<i64: 10264, 384>}]} {
    %eq3A = arith.constant 0 : i32
    %eq3A_0 = arith.cmpi eq, %arg0, %eq3A : i32
    %convert_element_type3A = arith.extui %eq3A_0 : i1 to i32
    %cond3A = arith.constant 0 : i32
    %cond3A_1 = arith.cmpi ne, %convert_element_type3A, %cond3A : i32
    scf.if %cond3A_1 {
      %broadcast_in_dim3A_640 = arith.constant 0.000000e+00 : f32
      %broadcast_in_dim3A_641 = vector.broadcast %broadcast_in_dim3A_640 : f32 to vector<10264x384xf32>
      %swap3A_642 = arith.constant 0 : index
      %swap3A_643 = arith.constant 0 : index
      %swap3A_644 = vector.load %arg7[%swap3A_642, %swap3A_643] : memref<10264x384xf32, #tpu.memory_space<vmem>>, vector<10264x384xf32>
      tpu.vector_store %arg7[%swap3A_642, %swap3A_643], %broadcast_in_dim3A_641 {strides = array<i32>} : memref<10264x384xf32, #tpu.memory_space<vmem>>, vector<10264x384xf32>,
    } else {
    }
    %mul3A = arith.constant 6 : i32
    %mul3A_2 = arith.muli %arg0, %mul3A : i32
    %add3A = arith.constant 0 : i32
    %add3A_3 = arith.addi %mul3A_2, %add3A : i32
    %get3A = arith.index_cast %add3A_3 : i32 to index
    %get3A_4 = memref.load %arg1[%get3A] : memref<1290xi32, #tpu.memory_space<smem>>
    %multiple_of3A = tpu.assume_multiple %get3A_4, 8 : i32
    %get3A_5 = arith.index_cast %multiple_of3A : i32 to index
    %get3A_6 = arith.constant 0 : index
    %get3A_7 = vector.load %arg3[%get3A_5, %get3A_6] : memref<10264x256xf32, #tpu.memory_space<vmem>>, vector<264x256xf32>
    %get3A_8 = arith.constant 0 : index
    %get3A_9 = arith.constant 0 : index
    %get3A_10 = arith.constant 0 : index
    %get3A_11 = vector.load %arg5[%get3A_8, %get3A_9, %get3A_10] : memref<6x256x1xi32, #tpu.memory_space<vmem>>, vector<1x256x1xi32>
    %get3A_12 = vector.shape_cast %get3A_11 : vector<1x256x1xi32> to vector<256x1xi32>
    %sub3A = vector.broadcast %multiple_of3A : i32 to vector<256x1xi32>
    %sub3A_13 = arith.subi %get3A_12, %sub3A : vector<256x1xi32>
    %iota3A = tpu.iota {dimensions = array<i32: 1>} : vector<256x264xi32>
    %eq3A_14 = vector.broadcast %sub3A_13 : vector<256x1xi32> to vector<256x264xi32>
    %eq3A_15 = arith.cmpi eq, %iota3A, %eq3A_14 : vector<256x264xi32>
    %convert_element_type3A_16 = arith.extui %eq3A_15 : vector<256x264xi1> to vector<256x264xi32>
    %convert_element_type3A_17 = arith.sitofp %convert_element_type3A_16 : vector<256x264xi32> to vector<256x264xf32>
    %dot_general3A = arith.constant dense<0.000000e+00> : vector<256x256xf32>
    %dot_general3A_18 = tpu.matmul %convert_element_type3A_17, %get3A_7, %dot_general3A {dimension_numbers = #tpu.dot_dimension_numbers<[1], [0], [0], [1], [0, 0, 1, 1], [], []>, transpose_lhs_hint = false} : vector<256x264xf32>, vector<264x256xf32>, vector<256x256xf32> -> vector<256x256xf32>
    %get3A_19 = arith.constant 0 : index
    %get3A_20 = arith.constant 0 : index
    %get3A_21 = vector.load %arg2[%get3A_19, %get3A_20] : memref<1536x256xf32, #tpu.memory_space<vmem>>, vector<256x256xf32>
    %add3A_22 = arith.addf %get3A_21, %dot_general3A_18 : vector<256x256xf32>
    %ge3A = arith.constant 0.000000e+00 : f32
    %ge3A_23 = vector.broadcast %ge3A : f32 to vector<256x256xf32>
    %ge3A_24 = arith.cmpf oge, %add3A_22, %ge3A_23 : vector<256x256xf32>
    %mul3A_25 = arith.constant 2.000000e-01 : f32
    %mul3A_26 = vector.broadcast %mul3A_25 : f32 to vector<256x256xf32>
    %mul3A_27 = arith.mulf %mul3A_26, %add3A_22 : vector<256x256xf32>
    %select_n3A = arith.select %ge3A_24, %add3A_22, %mul3A_27 : vector<256x256xi1>, vector<256x256xf32>
    %get3A_28 = arith.constant 0 : index
    %get3A_29 = arith.constant 0 : index
    %get3A_30 = vector.load %arg6[%get3A_28, %get3A_29] : memref<1x256xf32, #tpu.memory_space<vmem>>, vector<1x256xf32>
    %mul3A_31 = vector.broadcast %get3A_30 : vector<1x256xf32> to vector<256x256xf32>
    %mul3A_32 = arith.mulf %select_n3A, %mul3A_31 : vector<256x256xf32>
    %mul3A_33 = arith.constant 256 : i32
    %mul3A_34 = arith.muli %add3A_3, %mul3A_33 : i32
    %iota3A_35 = tpu.iota {dimensions = array<i32: 0>} : vector<256x1xi32>
    %add3A_36 = vector.broadcast %mul3A_34 : i32 to vector<256x1xi32>
    %add3A_37 = arith.addi %add3A_36, %iota3A_35 : vector<256x1xi32>
    %lt3A = arith.constant 330000 : i32
    %lt3A_38 = vector.broadcast %lt3A : i32 to vector<256x1xi32>
    %lt3A_39 = arith.cmpi slt, %add3A_37, %lt3A_38 : vector<256x1xi32>
    %convert_element_type3A_40 = arith.extui %lt3A_39 : vector<256x1xi1> to vector<256x1xi32>
    %convert_element_type3A_41 = arith.sitofp %convert_element_type3A_40 : vector<256x1xi32> to vector<256x1xf32>
    %slice3A = vector.extract_strided_slice %mul3A_32 {offsets = [0, 0], sizes = [256, 64], strides = [1, 1]} : vector<256x256xf32> to vector<256x64xf32>
    %reduce_sum3A = arith.constant dense<0.000000e+00> : vector<256xf32>
    %reduce_sum3A_42 = vector.multi_reduction <add>, %slice3A, %reduce_sum3A [1] : vector<256x64xf32> to vector<256xf32>
    %broadcast_in_dim3A = vector.shape_cast %reduce_sum3A_42 : vector<256xf32> to vector<256x1xf32>
    %exp3A = math.exp %broadcast_in_dim3A : vector<256x1xf32>
    %mul3A_43 = arith.mulf %exp3A, %convert_element_type3A_41 : vector<256x1xf32>
    %slice3A_44 = vector.extract_strided_slice %mul3A_32 {offsets = [0, 64], sizes = [256, 64], strides = [1, 1]} : vector<256x256xf32> to vector<256x64xf32>
    %reduce_sum3A_45 = arith.constant dense<0.000000e+00> : vector<256xf32>
    %reduce_sum3A_46 = vector.multi_reduction <add>, %slice3A_44, %reduce_sum3A_45 [1] : vector<256x64xf32> to vector<256xf32>
    %broadcast_in_dim3A_47 = vector.shape_cast %reduce_sum3A_46 : vector<256xf32> to vector<256x1xf32>
    %exp3A_48 = math.exp %broadcast_in_dim3A_47 : vector<256x1xf32>
    %mul3A_49 = arith.mulf %exp3A_48, %convert_element_type3A_41 : vector<256x1xf32>
    %slice3A_50 = vector.extract_strided_slice %mul3A_32 {offsets = [0, 128], sizes = [256, 64], strides = [1, 1]} : vector<256x256xf32> to vector<256x64xf32>
    %reduce_sum3A_51 = arith.constant dense<0.000000e+00> : vector<256xf32>
    %reduce_sum3A_52 = vector.multi_reduction <add>, %slice3A_50, %reduce_sum3A_51 [1] : vector<256x64xf32> to vector<256xf32>
    %broadcast_in_dim3A_53 = vector.shape_cast %reduce_sum3A_52 : vector<256xf32> to vector<256x1xf32>
    %exp3A_54 = math.exp %broadcast_in_dim3A_53 : vector<256x1xf32>
    %mul3A_55 = arith.mulf %exp3A_54, %convert_element_type3A_41 : vector<256x1xf32>
    %slice3A_56 = vector.extract_strided_slice %mul3A_32 {offsets = [0, 192], sizes = [256, 64], strides = [1, 1]} : vector<256x256xf32> to vector<256x64xf32>
    %reduce_sum3A_57 = arith.constant dense<0.000000e+00> : vector<256xf32>
    %reduce_sum3A_58 = vector.multi_reduction <add>, %slice3A_56, %reduce_sum3A_57 [1] : vector<256x64xf32> to vector<256xf32>
    %broadcast_in_dim3A_59 = vector.shape_cast %reduce_sum3A_58 : vector<256xf32> to vector<256x1xf32>
    %exp3A_60 = math.exp %broadcast_in_dim3A_59 : vector<256x1xf32>
    %mul3A_61 = arith.mulf %exp3A_60, %convert_element_type3A_41 : vector<256x1xf32>
    %broadcast_in_dim3A_62 = vector.shape_cast %mul3A_43 : vector<256x1xf32> to vector<256x1xf32>
    %broadcast_in_dim3A_63 = vector.broadcast %broadcast_in_dim3A_62 : vector<256x1xf32> to vector<256x64xf32>
    %broadcast_in_dim3A_64 = vector.shape_cast %mul3A_49 : vector<256x1xf32> to vector<256x1xf32>
    %broadcast_in_dim3A_65 = vector.broadcast %broadcast_in_dim3A_64 : vector<256x1xf32> to vector<256x64xf32>
    %broadcast_in_dim3A_66 = vector.shape_cast %mul3A_55 : vector<256x1xf32> to vector<256x1xf32>
    %broadcast_in_dim3A_67 = vector.broadcast %broadcast_in_dim3A_66 : vector<256x1xf32> to vector<256x64xf32>
    %broadcast_in_dim3A_68 = vector.shape_cast %mul3A_61 : vector<256x1xf32> to vector<256x1xf32>
    %broadcast_in_dim3A_69 = vector.broadcast %broadcast_in_dim3A_68 : vector<256x1xf32> to vector<256x64xf32>
    %concatenate3A = tpu.concatenate %broadcast_in_dim3A_63, %broadcast_in_dim3A_65, %broadcast_in_dim3A_67, %broadcast_in_dim3A_69 in 1 : vector<256x64xf32>, vector<256x64xf32>, vector<256x64xf32>, vector<256x64xf32> -> vector<256x256xf32>
    %broadcast_in_dim3A_70 = arith.constant 0.000000e+00 : f32
    %broadcast_in_dim3A_71 = vector.broadcast %broadcast_in_dim3A_70 : f32 to vector<256x124xf32>
    %concatenate3A_72 = tpu.concatenate %mul3A_43, %mul3A_49, %mul3A_55, %mul3A_61, %broadcast_in_dim3A_71 in 1 : vector<256x1xf32>, vector<256x1xf32>, vector<256x1xf32>, vector<256x1xf32>, vector<256x124xf32> -> vector<256x128xf32>
    %mul3A_73 = arith.mulf %get3A_21, %concatenate3A : vector<256x256xf32>
    %concatenate3A_74 = tpu.concatenate %mul3A_73, %concatenate3A_72 in 1 : vector<256x256xf32>, vector<256x128xf32> -> vector<256x384xf32>
    %get3A_75 = arith.constant 0 : index
    %get3A_76 = arith.constant 0 : index
    %get3A_77 = arith.constant 0 : index
    %get3A_78 = vector.load %arg4[%get3A_75, %get3A_76, %get3A_77] : memref<1x1x1536xi32, #tpu.memory_space<vmem>>, vector<1x1x256xi32>
    %get3A_79 = vector.shape_cast %get3A_78 : vector<1x1x256xi32> to vector<1x256xi32>
    %sub3A_80 = vector.broadcast %multiple_of3A : i32 to vector<1x256xi32>
    %sub3A_81 = arith.subi %get3A_79, %sub3A_80 : vector<1x256xi32>
    %iota3A_82 = tpu.iota {dimensions = array<i32: 0>} : vector<264x256xi32>
    %eq3A_83 = vector.broadcast %sub3A_81 : vector<1x256xi32> to vector<264x256xi32>
    %eq3A_84 = arith.cmpi eq, %iota3A_82, %eq3A_83 : vector<264x256xi32>
    %convert_element_type3A_85 = arith.extui %eq3A_84 : vector<264x256xi1> to vector<264x256xi32>
    %convert_element_type3A_86 = arith.sitofp %convert_element_type3A_85 : vector<264x256xi32> to vector<264x256xf32>
    %dot_general3A_87 = arith.constant dense<0.000000e+00> : vector<264x384xf32>
    %dot_general3A_88 = tpu.matmul %convert_element_type3A_86, %concatenate3A_74, %dot_general3A_87 {dimension_numbers = #tpu.dot_dimension_numbers<[1], [0], [0], [1], [0, 0, 1, 1], [], []>, transpose_lhs_hint = false} : vector<264x256xf32>, vector<256x384xf32>, vector<264x384xf32> -> vector<264x384xf32>
    %get3A_89 = arith.index_cast %multiple_of3A : i32 to index
    %get3A_90 = arith.constant 0 : index
    %get3A_91 = vector.load %arg7[%get3A_89, %get3A_90] : memref<10264x384xf32, #tpu.memory_space<vmem>>, vector<264x384xf32>
    %add3A_92 = arith.addf %get3A_91, %dot_general3A_88 : vector<264x384xf32>
    %swap3A = arith.index_cast %multiple_of3A : i32 to index
    %swap3A_93 = arith.constant 0 : index
    %swap3A_94 = vector.load %arg7[%swap3A, %swap3A_93] : memref<10264x384xf32, #tpu.memory_space<vmem>>, vector<264x384xf32>
    tpu.vector_store %arg7[%swap3A, %swap3A_93], %add3A_92 {strides = array<i32>} : memref<10264x384xf32, #tpu.memory_space<vmem>>, vector<264x384xf32>,
    %mul3A_95 = arith.constant 6 : i32
    %mul3A_96 = arith.muli %arg0, %mul3A_95 : i32
    %add3A_97 = arith.constant 1 : i32
    %add3A_98 = arith.addi %mul3A_96, %add3A_97 : i32
    %get3A_99 = arith.index_cast %add3A_98 : i32 to index
    %get3A_100 = memref.load %arg1[%get3A_99] : memref<1290xi32, #tpu.memory_space<smem>>
    %multiple_of3A_101 = tpu.assume_multiple %get3A_100, 8 : i32
    %get3A_102 = arith.index_cast %multiple_of3A_101 : i32 to index
    %get3A_103 = arith.constant 0 : index
    %get3A_104 = vector.load %arg3[%get3A_102, %get3A_103] : memref<10264x256xf32, #tpu.memory_space<vmem>>, vector<264x256xf32>
    %get3A_105 = arith.constant 1 : index
    %get3A_106 = arith.constant 0 : index
    %get3A_107 = arith.constant 0 : index
    %get3A_108 = vector.load %arg5[%get3A_105, %get3A_106, %get3A_107] : memref<6x256x1xi32, #tpu.memory_space<vmem>>, vector<1x256x1xi32>
    %get3A_109 = vector.shape_cast %get3A_108 : vector<1x256x1xi32> to vector<256x1xi32>
    %sub3A_110 = vector.broadcast %multiple_of3A_101 : i32 to vector<256x1xi32>
    %sub3A_111 = arith.subi %get3A_109, %sub3A_110 : vector<256x1xi32>
    %iota3A_112 = tpu.iota {dimensions = array<i32: 1>} : vector<256x264xi32>
    %eq3A_113 = vector.broadcast %sub3A_111 : vector<256x1xi32> to vector<256x264xi32>
    %eq3A_114 = arith.cmpi eq, %iota3A_112, %eq3A_113 : vector<256x264xi32>
    %convert_element_type3A_115 = arith.extui %eq3A_114 : vector<256x264xi1> to vector<256x264xi32>
    %convert_element_type3A_116 = arith.sitofp %convert_element_type3A_115 : vector<256x264xi32> to vector<256x264xf32>
    %dot_general3A_117 = arith.constant dense<0.000000e+00> : vector<256x256xf32>
    %dot_general3A_118 = tpu.matmul %convert_element_type3A_116, %get3A_104, %dot_general3A_117 {dimension_numbers = #tpu.dot_dimension_numbers<[1], [0], [0], [1], [0, 0, 1, 1], [], []>, transpose_lhs_hint = false} : vector<256x264xf32>, vector<264x256xf32>, vector<256x256xf32> -> vector<256x256xf32>
    %get3A_119 = arith.constant 256 : index
    %get3A_120 = arith.constant 0 : index
    %get3A_121 = vector.load %arg2[%get3A_119, %get3A_120] : memref<1536x256xf32, #tpu.memory_space<vmem>>, vector<256x256xf32>
    %add3A_122 = arith.addf %get3A_121, %dot_general3A_118 : vector<256x256xf32>
    %ge3A_123 = arith.constant 0.000000e+00 : f32
    %ge3A_124 = vector.broadcast %ge3A_123 : f32 to vector<256x256xf32>
    %ge3A_125 = arith.cmpf oge, %add3A_122, %ge3A_124 : vector<256x256xf32>
    %mul3A_126 = arith.constant 2.000000e-01 : f32
    %mul3A_127 = vector.broadcast %mul3A_126 : f32 to vector<256x256xf32>
    %mul3A_128 = arith.mulf %mul3A_127, %add3A_122 : vector<256x256xf32>
    %select_n3A_129 = arith.select %ge3A_125, %add3A_122, %mul3A_128 : vector<256x256xi1>, vector<256x256xf32>
    %get3A_130 = arith.constant 0 : index
    %get3A_131 = arith.constant 0 : index
    %get3A_132 = vector.load %arg6[%get3A_130, %get3A_131] : memref<1x256xf32, #tpu.memory_space<vmem>>, vector<1x256xf32>
    %mul3A_133 = vector.broadcast %get3A_132 : vector<1x256xf32> to vector<256x256xf32>
    %mul3A_134 = arith.mulf %select_n3A_129, %mul3A_133 : vector<256x256xf32>
    %mul3A_135 = arith.constant 256 : i32
    %mul3A_136 = arith.muli %add3A_98, %mul3A_135 : i32
    %iota3A_137 = tpu.iota {dimensions = array<i32: 0>} : vector<256x1xi32>
    %add3A_138 = vector.broadcast %mul3A_136 : i32 to vector<256x1xi32>
    %add3A_139 = arith.addi %add3A_138, %iota3A_137 : vector<256x1xi32>
    %lt3A_140 = arith.constant 330000 : i32
    %lt3A_141 = vector.broadcast %lt3A_140 : i32 to vector<256x1xi32>
    %lt3A_142 = arith.cmpi slt, %add3A_139, %lt3A_141 : vector<256x1xi32>
    %convert_element_type3A_143 = arith.extui %lt3A_142 : vector<256x1xi1> to vector<256x1xi32>
    %convert_element_type3A_144 = arith.sitofp %convert_element_type3A_143 : vector<256x1xi32> to vector<256x1xf32>
    %slice3A_145 = vector.extract_strided_slice %mul3A_134 {offsets = [0, 0], sizes = [256, 64], strides = [1, 1]} : vector<256x256xf32> to vector<256x64xf32>
    %reduce_sum3A_146 = arith.constant dense<0.000000e+00> : vector<256xf32>
    %reduce_sum3A_147 = vector.multi_reduction <add>, %slice3A_145, %reduce_sum3A_146 [1] : vector<256x64xf32> to vector<256xf32>
    %broadcast_in_dim3A_148 = vector.shape_cast %reduce_sum3A_147 : vector<256xf32> to vector<256x1xf32>
    %exp3A_149 = math.exp %broadcast_in_dim3A_148 : vector<256x1xf32>
    %mul3A_150 = arith.mulf %exp3A_149, %convert_element_type3A_144 : vector<256x1xf32>
    %slice3A_151 = vector.extract_strided_slice %mul3A_134 {offsets = [0, 64], sizes = [256, 64], strides = [1, 1]} : vector<256x256xf32> to vector<256x64xf32>
    %reduce_sum3A_152 = arith.constant dense<0.000000e+00> : vector<256xf32>
    %reduce_sum3A_153 = vector.multi_reduction <add>, %slice3A_151, %reduce_sum3A_152 [1] : vector<256x64xf32> to vector<256xf32>
    %broadcast_in_dim3A_154 = vector.shape_cast %reduce_sum3A_153 : vector<256xf32> to vector<256x1xf32>
    %exp3A_155 = math.exp %broadcast_in_dim3A_154 : vector<256x1xf32>
    %mul3A_156 = arith.mulf %exp3A_155, %convert_element_type3A_144 : vector<256x1xf32>
    %slice3A_157 = vector.extract_strided_slice %mul3A_134 {offsets = [0, 128], sizes = [256, 64], strides = [1, 1]} : vector<256x256xf32> to vector<256x64xf32>
    %reduce_sum3A_158 = arith.constant dense<0.000000e+00> : vector<256xf32>
    %reduce_sum3A_159 = vector.multi_reduction <add>, %slice3A_157, %reduce_sum3A_158 [1] : vector<256x64xf32> to vector<256xf32>
    %broadcast_in_dim3A_160 = vector.shape_cast %reduce_sum3A_159 : vector<256xf32> to vector<256x1xf32>
    %exp3A_161 = math.exp %broadcast_in_dim3A_160 : vector<256x1xf32>
    %mul3A_162 = arith.mulf %exp3A_161, %convert_element_type3A_144 : vector<256x1xf32>
    %slice3A_163 = vector.extract_strided_slice %mul3A_134 {offsets = [0, 192], sizes = [256, 64], strides = [1, 1]} : vector<256x256xf32> to vector<256x64xf32>
    %reduce_sum3A_164 = arith.constant dense<0.000000e+00> : vector<256xf32>
    %reduce_sum3A_165 = vector.multi_reduction <add>, %slice3A_163, %reduce_sum3A_164 [1] : vector<256x64xf32> to vector<256xf32>
    %broadcast_in_dim3A_166 = vector.shape_cast %reduce_sum3A_165 : vector<256xf32> to vector<256x1xf32>
    %exp3A_167 = math.exp %broadcast_in_dim3A_166 : vector<256x1xf32>
    %mul3A_168 = arith.mulf %exp3A_167, %convert_element_type3A_144 : vector<256x1xf32>
    %broadcast_in_dim3A_169 = vector.shape_cast %mul3A_150 : vector<256x1xf32> to vector<256x1xf32>
    %broadcast_in_dim3A_170 = vector.broadcast %broadcast_in_dim3A_169 : vector<256x1xf32> to vector<256x64xf32>
    %broadcast_in_dim3A_171 = vector.shape_cast %mul3A_156 : vector<256x1xf32> to vector<256x1xf32>
    %broadcast_in_dim3A_172 = vector.broadcast %broadcast_in_dim3A_171 : vector<256x1xf32> to vector<256x64xf32>
    %broadcast_in_dim3A_173 = vector.shape_cast %mul3A_162 : vector<256x1xf32> to vector<256x1xf32>
    %broadcast_in_dim3A_174 = vector.broadcast %broadcast_in_dim3A_173 : vector<256x1xf32> to vector<256x64xf32>
    %broadcast_in_dim3A_175 = vector.shape_cast %mul3A_168 : vector<256x1xf32> to vector<256x1xf32>
    %broadcast_in_dim3A_176 = vector.broadcast %broadcast_in_dim3A_175 : vector<256x1xf32> to vector<256x64xf32>
    %concatenate3A_177 = tpu.concatenate %broadcast_in_dim3A_170, %broadcast_in_dim3A_172, %broadcast_in_dim3A_174, %broadcast_in_dim3A_176 in 1 : vector<256x64xf32>, vector<256x64xf32>, vector<256x64xf32>, vector<256x64xf32> -> vector<256x256xf32>
    %broadcast_in_dim3A_178 = arith.constant 0.000000e+00 : f32
    %broadcast_in_dim3A_179 = vector.broadcast %broadcast_in_dim3A_178 : f32 to vector<256x124xf32>
    %concatenate3A_180 = tpu.concatenate %mul3A_150, %mul3A_156, %mul3A_162, %mul3A_168, %broadcast_in_dim3A_179 in 1 : vector<256x1xf32>, vector<256x1xf32>, vector<256x1xf32>, vector<256x1xf32>, vector<256x124xf32> -> vector<256x128xf32>
    %mul3A_181 = arith.mulf %get3A_121, %concatenate3A_177 : vector<256x256xf32>
    %concatenate3A_182 = tpu.concatenate %mul3A_181, %concatenate3A_180 in 1 : vector<256x256xf32>, vector<256x128xf32> -> vector<256x384xf32>
    %get3A_183 = arith.constant 0 : index
    %get3A_184 = arith.constant 0 : index
    %get3A_185 = arith.constant 256 : index
    %get3A_186 = vector.load %arg4[%get3A_183, %get3A_184, %get3A_185] : memref<1x1x1536xi32, #tpu.memory_space<vmem>>, vector<1x1x256xi32>
    %get3A_187 = vector.shape_cast %get3A_186 : vector<1x1x256xi32> to vector<1x256xi32>
    %sub3A_188 = vector.broadcast %multiple_of3A_101 : i32 to vector<1x256xi32>
    %sub3A_189 = arith.subi %get3A_187, %sub3A_188 : vector<1x256xi32>
    %iota3A_190 = tpu.iota {dimensions = array<i32: 0>} : vector<264x256xi32>
    %eq3A_191 = vector.broadcast %sub3A_189 : vector<1x256xi32> to vector<264x256xi32>
    %eq3A_192 = arith.cmpi eq, %iota3A_190, %eq3A_191 : vector<264x256xi32>
    %convert_element_type3A_193 = arith.extui %eq3A_192 : vector<264x256xi1> to vector<264x256xi32>
    %convert_element_type3A_194 = arith.sitofp %convert_element_type3A_193 : vector<264x256xi32> to vector<264x256xf32>
    %dot_general3A_195 = arith.constant dense<0.000000e+00> : vector<264x384xf32>
    %dot_general3A_196 = tpu.matmul %convert_element_type3A_194, %concatenate3A_182, %dot_general3A_195 {dimension_numbers = #tpu.dot_dimension_numbers<[1], [0], [0], [1], [0, 0, 1, 1], [], []>, transpose_lhs_hint = false} : vector<264x256xf32>, vector<256x384xf32>, vector<264x384xf32> -> vector<264x384xf32>
    %get3A_197 = arith.index_cast %multiple_of3A_101 : i32 to index
    %get3A_198 = arith.constant 0 : index
    %get3A_199 = vector.load %arg7[%get3A_197, %get3A_198] : memref<10264x384xf32, #tpu.memory_space<vmem>>, vector<264x384xf32>
    %add3A_200 = arith.addf %get3A_199, %dot_general3A_196 : vector<264x384xf32>
    %swap3A_201 = arith.index_cast %multiple_of3A_101 : i32 to index
    %swap3A_202 = arith.constant 0 : index
    %swap3A_203 = vector.load %arg7[%swap3A_201, %swap3A_202] : memref<10264x384xf32, #tpu.memory_space<vmem>>, vector<264x384xf32>
    tpu.vector_store %arg7[%swap3A_201, %swap3A_202], %add3A_200 {strides = array<i32>} : memref<10264x384xf32, #tpu.memory_space<vmem>>, vector<264x384xf32>,
    %mul3A_204 = arith.constant 6 : i32
    %mul3A_205 = arith.muli %arg0, %mul3A_204 : i32
    %add3A_206 = arith.constant 2 : i32
    %add3A_207 = arith.addi %mul3A_205, %add3A_206 : i32
    %get3A_208 = arith.index_cast %add3A_207 : i32 to index
    %get3A_209 = memref.load %arg1[%get3A_208] : memref<1290xi32, #tpu.memory_space<smem>>
    %multiple_of3A_210 = tpu.assume_multiple %get3A_209, 8 : i32
    %get3A_211 = arith.index_cast %multiple_of3A_210 : i32 to index
    %get3A_212 = arith.constant 0 : index
    %get3A_213 = vector.load %arg3[%get3A_211, %get3A_212] : memref<10264x256xf32, #tpu.memory_space<vmem>>, vector<264x256xf32>
    %get3A_214 = arith.constant 2 : index
    %get3A_215 = arith.constant 0 : index
    %get3A_216 = arith.constant 0 : index
    %get3A_217 = vector.load %arg5[%get3A_214, %get3A_215, %get3A_216] : memref<6x256x1xi32, #tpu.memory_space<vmem>>, vector<1x256x1xi32>
    %get3A_218 = vector.shape_cast %get3A_217 : vector<1x256x1xi32> to vector<256x1xi32>
    %sub3A_219 = vector.broadcast %multiple_of3A_210 : i32 to vector<256x1xi32>
    %sub3A_220 = arith.subi %get3A_218, %sub3A_219 : vector<256x1xi32>
    %iota3A_221 = tpu.iota {dimensions = array<i32: 1>} : vector<256x264xi32>
    %eq3A_222 = vector.broadcast %sub3A_220 : vector<256x1xi32> to vector<256x264xi32>
    %eq3A_223 = arith.cmpi eq, %iota3A_221, %eq3A_222 : vector<256x264xi32>
    %convert_element_type3A_224 = arith.extui %eq3A_223 : vector<256x264xi1> to vector<256x264xi32>
    %convert_element_type3A_225 = arith.sitofp %convert_element_type3A_224 : vector<256x264xi32> to vector<256x264xf32>
    %dot_general3A_226 = arith.constant dense<0.000000e+00> : vector<256x256xf32>
    %dot_general3A_227 = tpu.matmul %convert_element_type3A_225, %get3A_213, %dot_general3A_226 {dimension_numbers = #tpu.dot_dimension_numbers<[1], [0], [0], [1], [0, 0, 1, 1], [], []>, transpose_lhs_hint = false} : vector<256x264xf32>, vector<264x256xf32>, vector<256x256xf32> -> vector<256x256xf32>
    %get3A_228 = arith.constant 512 : index
    %get3A_229 = arith.constant 0 : index
    %get3A_230 = vector.load %arg2[%get3A_228, %get3A_229] : memref<1536x256xf32, #tpu.memory_space<vmem>>, vector<256x256xf32>
    %add3A_231 = arith.addf %get3A_230, %dot_general3A_227 : vector<256x256xf32>
    %ge3A_232 = arith.constant 0.000000e+00 : f32
    %ge3A_233 = vector.broadcast %ge3A_232 : f32 to vector<256x256xf32>
    %ge3A_234 = arith.cmpf oge, %add3A_231, %ge3A_233 : vector<256x256xf32>
    %mul3A_235 = arith.constant 2.000000e-01 : f32
    %mul3A_236 = vector.broadcast %mul3A_235 : f32 to vector<256x256xf32>
    %mul3A_237 = arith.mulf %mul3A_236, %add3A_231 : vector<256x256xf32>
    %select_n3A_238 = arith.select %ge3A_234, %add3A_231, %mul3A_237 : vector<256x256xi1>, vector<256x256xf32>
    %get3A_239 = arith.constant 0 : index
    %get3A_240 = arith.constant 0 : index
    %get3A_241 = vector.load %arg6[%get3A_239, %get3A_240] : memref<1x256xf32, #tpu.memory_space<vmem>>, vector<1x256xf32>
    %mul3A_242 = vector.broadcast %get3A_241 : vector<1x256xf32> to vector<256x256xf32>
    %mul3A_243 = arith.mulf %select_n3A_238, %mul3A_242 : vector<256x256xf32>
    %mul3A_244 = arith.constant 256 : i32
    %mul3A_245 = arith.muli %add3A_207, %mul3A_244 : i32
    %iota3A_246 = tpu.iota {dimensions = array<i32: 0>} : vector<256x1xi32>
    %add3A_247 = vector.broadcast %mul3A_245 : i32 to vector<256x1xi32>
    %add3A_248 = arith.addi %add3A_247, %iota3A_246 : vector<256x1xi32>
    %lt3A_249 = arith.constant 330000 : i32
    %lt3A_250 = vector.broadcast %lt3A_249 : i32 to vector<256x1xi32>
    %lt3A_251 = arith.cmpi slt, %add3A_248, %lt3A_250 : vector<256x1xi32>
    %convert_element_type3A_252 = arith.extui %lt3A_251 : vector<256x1xi1> to vector<256x1xi32>
    %convert_element_type3A_253 = arith.sitofp %convert_element_type3A_252 : vector<256x1xi32> to vector<256x1xf32>
    %slice3A_254 = vector.extract_strided_slice %mul3A_243 {offsets = [0, 0], sizes = [256, 64], strides = [1, 1]} : vector<256x256xf32> to vector<256x64xf32>
    %reduce_sum3A_255 = arith.constant dense<0.000000e+00> : vector<256xf32>
    %reduce_sum3A_256 = vector.multi_reduction <add>, %slice3A_254, %reduce_sum3A_255 [1] : vector<256x64xf32> to vector<256xf32>
    %broadcast_in_dim3A_257 = vector.shape_cast %reduce_sum3A_256 : vector<256xf32> to vector<256x1xf32>
    %exp3A_258 = math.exp %broadcast_in_dim3A_257 : vector<256x1xf32>
    %mul3A_259 = arith.mulf %exp3A_258, %convert_element_type3A_253 : vector<256x1xf32>
    %slice3A_260 = vector.extract_strided_slice %mul3A_243 {offsets = [0, 64], sizes = [256, 64], strides = [1, 1]} : vector<256x256xf32> to vector<256x64xf32>
    %reduce_sum3A_261 = arith.constant dense<0.000000e+00> : vector<256xf32>
    %reduce_sum3A_262 = vector.multi_reduction <add>, %slice3A_260, %reduce_sum3A_261 [1] : vector<256x64xf32> to vector<256xf32>
    %broadcast_in_dim3A_263 = vector.shape_cast %reduce_sum3A_262 : vector<256xf32> to vector<256x1xf32>
    %exp3A_264 = math.exp %broadcast_in_dim3A_263 : vector<256x1xf32>
    %mul3A_265 = arith.mulf %exp3A_264, %convert_element_type3A_253 : vector<256x1xf32>
    %slice3A_266 = vector.extract_strided_slice %mul3A_243 {offsets = [0, 128], sizes = [256, 64], strides = [1, 1]} : vector<256x256xf32> to vector<256x64xf32>
    %reduce_sum3A_267 = arith.constant dense<0.000000e+00> : vector<256xf32>
    %reduce_sum3A_268 = vector.multi_reduction <add>, %slice3A_266, %reduce_sum3A_267 [1] : vector<256x64xf32> to vector<256xf32>
    %broadcast_in_dim3A_269 = vector.shape_cast %reduce_sum3A_268 : vector<256xf32> to vector<256x1xf32>
    %exp3A_270 = math.exp %broadcast_in_dim3A_269 : vector<256x1xf32>
    %mul3A_271 = arith.mulf %exp3A_270, %convert_element_type3A_253 : vector<256x1xf32>
    %slice3A_272 = vector.extract_strided_slice %mul3A_243 {offsets = [0, 192], sizes = [256, 64], strides = [1, 1]} : vector<256x256xf32> to vector<256x64xf32>
    %reduce_sum3A_273 = arith.constant dense<0.000000e+00> : vector<256xf32>
    %reduce_sum3A_274 = vector.multi_reduction <add>, %slice3A_272, %reduce_sum3A_273 [1] : vector<256x64xf32> to vector<256xf32>
    %broadcast_in_dim3A_275 = vector.shape_cast %reduce_sum3A_274 : vector<256xf32> to vector<256x1xf32>
    %exp3A_276 = math.exp %broadcast_in_dim3A_275 : vector<256x1xf32>
    %mul3A_277 = arith.mulf %exp3A_276, %convert_element_type3A_253 : vector<256x1xf32>
    %broadcast_in_dim3A_278 = vector.shape_cast %mul3A_259 : vector<256x1xf32> to vector<256x1xf32>
    %broadcast_in_dim3A_279 = vector.broadcast %broadcast_in_dim3A_278 : vector<256x1xf32> to vector<256x64xf32>
    %broadcast_in_dim3A_280 = vector.shape_cast %mul3A_265 : vector<256x1xf32> to vector<256x1xf32>
    %broadcast_in_dim3A_281 = vector.broadcast %broadcast_in_dim3A_280 : vector<256x1xf32> to vector<256x64xf32>
    %broadcast_in_dim3A_282 = vector.shape_cast %mul3A_271 : vector<256x1xf32> to vector<256x1xf32>
    %broadcast_in_dim3A_283 = vector.broadcast %broadcast_in_dim3A_282 : vector<256x1xf32> to vector<256x64xf32>
    %broadcast_in_dim3A_284 = vector.shape_cast %mul3A_277 : vector<256x1xf32> to vector<256x1xf32>
    %broadcast_in_dim3A_285 = vector.broadcast %broadcast_in_dim3A_284 : vector<256x1xf32> to vector<256x64xf32>
    %concatenate3A_286 = tpu.concatenate %broadcast_in_dim3A_279, %broadcast_in_dim3A_281, %broadcast_in_dim3A_283, %broadcast_in_dim3A_285 in 1 : vector<256x64xf32>, vector<256x64xf32>, vector<256x64xf32>, vector<256x64xf32> -> vector<256x256xf32>
    %broadcast_in_dim3A_287 = arith.constant 0.000000e+00 : f32
    %broadcast_in_dim3A_288 = vector.broadcast %broadcast_in_dim3A_287 : f32 to vector<256x124xf32>
    %concatenate3A_289 = tpu.concatenate %mul3A_259, %mul3A_265, %mul3A_271, %mul3A_277, %broadcast_in_dim3A_288 in 1 : vector<256x1xf32>, vector<256x1xf32>, vector<256x1xf32>, vector<256x1xf32>, vector<256x124xf32> -> vector<256x128xf32>
    %mul3A_290 = arith.mulf %get3A_230, %concatenate3A_286 : vector<256x256xf32>
    %concatenate3A_291 = tpu.concatenate %mul3A_290, %concatenate3A_289 in 1 : vector<256x256xf32>, vector<256x128xf32> -> vector<256x384xf32>
    %get3A_292 = arith.constant 0 : index
    %get3A_293 = arith.constant 0 : index
    %get3A_294 = arith.constant 512 : index
    %get3A_295 = vector.load %arg4[%get3A_292, %get3A_293, %get3A_294] : memref<1x1x1536xi32, #tpu.memory_space<vmem>>, vector<1x1x256xi32>
    %get3A_296 = vector.shape_cast %get3A_295 : vector<1x1x256xi32> to vector<1x256xi32>
    %sub3A_297 = vector.broadcast %multiple_of3A_210 : i32 to vector<1x256xi32>
    %sub3A_298 = arith.subi %get3A_296, %sub3A_297 : vector<1x256xi32>
    %iota3A_299 = tpu.iota {dimensions = array<i32: 0>} : vector<264x256xi32>
    %eq3A_300 = vector.broadcast %sub3A_298 : vector<1x256xi32> to vector<264x256xi32>
    %eq3A_301 = arith.cmpi eq, %iota3A_299, %eq3A_300 : vector<264x256xi32>
    %convert_element_type3A_302 = arith.extui %eq3A_301 : vector<264x256xi1> to vector<264x256xi32>
    %convert_element_type3A_303 = arith.sitofp %convert_element_type3A_302 : vector<264x256xi32> to vector<264x256xf32>
    %dot_general3A_304 = arith.constant dense<0.000000e+00> : vector<264x384xf32>
    %dot_general3A_305 = tpu.matmul %convert_element_type3A_303, %concatenate3A_291, %dot_general3A_304 {dimension_numbers = #tpu.dot_dimension_numbers<[1], [0], [0], [1], [0, 0, 1, 1], [], []>, transpose_lhs_hint = false} : vector<264x256xf32>, vector<256x384xf32>, vector<264x384xf32> -> vector<264x384xf32>
    %get3A_306 = arith.index_cast %multiple_of3A_210 : i32 to index
    %get3A_307 = arith.constant 0 : index
    %get3A_308 = vector.load %arg7[%get3A_306, %get3A_307] : memref<10264x384xf32, #tpu.memory_space<vmem>>, vector<264x384xf32>
    %add3A_309 = arith.addf %get3A_308, %dot_general3A_305 : vector<264x384xf32>
    %swap3A_310 = arith.index_cast %multiple_of3A_210 : i32 to index
    %swap3A_311 = arith.constant 0 : index
    %swap3A_312 = vector.load %arg7[%swap3A_310, %swap3A_311] : memref<10264x384xf32, #tpu.memory_space<vmem>>, vector<264x384xf32>
    tpu.vector_store %arg7[%swap3A_310, %swap3A_311], %add3A_309 {strides = array<i32>} : memref<10264x384xf32, #tpu.memory_space<vmem>>, vector<264x384xf32>,
    %mul3A_313 = arith.constant 6 : i32
    %mul3A_314 = arith.muli %arg0, %mul3A_313 : i32
    %add3A_315 = arith.constant 3 : i32
    %add3A_316 = arith.addi %mul3A_314, %add3A_315 : i32
    %get3A_317 = arith.index_cast %add3A_316 : i32 to index
    %get3A_318 = memref.load %arg1[%get3A_317] : memref<1290xi32, #tpu.memory_space<smem>>
    %multiple_of3A_319 = tpu.assume_multiple %get3A_318, 8 : i32
    %get3A_320 = arith.index_cast %multiple_of3A_319 : i32 to index
    %get3A_321 = arith.constant 0 : index
    %get3A_322 = vector.load %arg3[%get3A_320, %get3A_321] : memref<10264x256xf32, #tpu.memory_space<vmem>>, vector<264x256xf32>
    %get3A_323 = arith.constant 3 : index
    %get3A_324 = arith.constant 0 : index
    %get3A_325 = arith.constant 0 : index
    %get3A_326 = vector.load %arg5[%get3A_323, %get3A_324, %get3A_325] : memref<6x256x1xi32, #tpu.memory_space<vmem>>, vector<1x256x1xi32>
    %get3A_327 = vector.shape_cast %get3A_326 : vector<1x256x1xi32> to vector<256x1xi32>
    %sub3A_328 = vector.broadcast %multiple_of3A_319 : i32 to vector<256x1xi32>
    %sub3A_329 = arith.subi %get3A_327, %sub3A_328 : vector<256x1xi32>
    %iota3A_330 = tpu.iota {dimensions = array<i32: 1>} : vector<256x264xi32>
    %eq3A_331 = vector.broadcast %sub3A_329 : vector<256x1xi32> to vector<256x264xi32>
    %eq3A_332 = arith.cmpi eq, %iota3A_330, %eq3A_331 : vector<256x264xi32>
    %convert_element_type3A_333 = arith.extui %eq3A_332 : vector<256x264xi1> to vector<256x264xi32>
    %convert_element_type3A_334 = arith.sitofp %convert_element_type3A_333 : vector<256x264xi32> to vector<256x264xf32>
    %dot_general3A_335 = arith.constant dense<0.000000e+00> : vector<256x256xf32>
    %dot_general3A_336 = tpu.matmul %convert_element_type3A_334, %get3A_322, %dot_general3A_335 {dimension_numbers = #tpu.dot_dimension_numbers<[1], [0], [0], [1], [0, 0, 1, 1], [], []>, transpose_lhs_hint = false} : vector<256x264xf32>, vector<264x256xf32>, vector<256x256xf32> -> vector<256x256xf32>
    %get3A_337 = arith.constant 768 : index
    %get3A_338 = arith.constant 0 : index
    %get3A_339 = vector.load %arg2[%get3A_337, %get3A_338] : memref<1536x256xf32, #tpu.memory_space<vmem>>, vector<256x256xf32>
    %add3A_340 = arith.addf %get3A_339, %dot_general3A_336 : vector<256x256xf32>
    %ge3A_341 = arith.constant 0.000000e+00 : f32
    %ge3A_342 = vector.broadcast %ge3A_341 : f32 to vector<256x256xf32>
    %ge3A_343 = arith.cmpf oge, %add3A_340, %ge3A_342 : vector<256x256xf32>
    %mul3A_344 = arith.constant 2.000000e-01 : f32
    %mul3A_345 = vector.broadcast %mul3A_344 : f32 to vector<256x256xf32>
    %mul3A_346 = arith.mulf %mul3A_345, %add3A_340 : vector<256x256xf32>
    %select_n3A_347 = arith.select %ge3A_343, %add3A_340, %mul3A_346 : vector<256x256xi1>, vector<256x256xf32>
    %get3A_348 = arith.constant 0 : index
    %get3A_349 = arith.constant 0 : index
    %get3A_350 = vector.load %arg6[%get3A_348, %get3A_349] : memref<1x256xf32, #tpu.memory_space<vmem>>, vector<1x256xf32>
    %mul3A_351 = vector.broadcast %get3A_350 : vector<1x256xf32> to vector<256x256xf32>
    %mul3A_352 = arith.mulf %select_n3A_347, %mul3A_351 : vector<256x256xf32>
    %mul3A_353 = arith.constant 256 : i32
    %mul3A_354 = arith.muli %add3A_316, %mul3A_353 : i32
    %iota3A_355 = tpu.iota {dimensions = array<i32: 0>} : vector<256x1xi32>
    %add3A_356 = vector.broadcast %mul3A_354 : i32 to vector<256x1xi32>
    %add3A_357 = arith.addi %add3A_356, %iota3A_355 : vector<256x1xi32>
    %lt3A_358 = arith.constant 330000 : i32
    %lt3A_359 = vector.broadcast %lt3A_358 : i32 to vector<256x1xi32>
    %lt3A_360 = arith.cmpi slt, %add3A_357, %lt3A_359 : vector<256x1xi32>
    %convert_element_type3A_361 = arith.extui %lt3A_360 : vector<256x1xi1> to vector<256x1xi32>
    %convert_element_type3A_362 = arith.sitofp %convert_element_type3A_361 : vector<256x1xi32> to vector<256x1xf32>
    %slice3A_363 = vector.extract_strided_slice %mul3A_352 {offsets = [0, 0], sizes = [256, 64], strides = [1, 1]} : vector<256x256xf32> to vector<256x64xf32>
    %reduce_sum3A_364 = arith.constant dense<0.000000e+00> : vector<256xf32>
    %reduce_sum3A_365 = vector.multi_reduction <add>, %slice3A_363, %reduce_sum3A_364 [1] : vector<256x64xf32> to vector<256xf32>
    %broadcast_in_dim3A_366 = vector.shape_cast %reduce_sum3A_365 : vector<256xf32> to vector<256x1xf32>
    %exp3A_367 = math.exp %broadcast_in_dim3A_366 : vector<256x1xf32>
    %mul3A_368 = arith.mulf %exp3A_367, %convert_element_type3A_362 : vector<256x1xf32>
    %slice3A_369 = vector.extract_strided_slice %mul3A_352 {offsets = [0, 64], sizes = [256, 64], strides = [1, 1]} : vector<256x256xf32> to vector<256x64xf32>
    %reduce_sum3A_370 = arith.constant dense<0.000000e+00> : vector<256xf32>
    %reduce_sum3A_371 = vector.multi_reduction <add>, %slice3A_369, %reduce_sum3A_370 [1] : vector<256x64xf32> to vector<256xf32>
    %broadcast_in_dim3A_372 = vector.shape_cast %reduce_sum3A_371 : vector<256xf32> to vector<256x1xf32>
    %exp3A_373 = math.exp %broadcast_in_dim3A_372 : vector<256x1xf32>
    %mul3A_374 = arith.mulf %exp3A_373, %convert_element_type3A_362 : vector<256x1xf32>
    %slice3A_375 = vector.extract_strided_slice %mul3A_352 {offsets = [0, 128], sizes = [256, 64], strides = [1, 1]} : vector<256x256xf32> to vector<256x64xf32>
    %reduce_sum3A_376 = arith.constant dense<0.000000e+00> : vector<256xf32>
    %reduce_sum3A_377 = vector.multi_reduction <add>, %slice3A_375, %reduce_sum3A_376 [1] : vector<256x64xf32> to vector<256xf32>
    %broadcast_in_dim3A_378 = vector.shape_cast %reduce_sum3A_377 : vector<256xf32> to vector<256x1xf32>
    %exp3A_379 = math.exp %broadcast_in_dim3A_378 : vector<256x1xf32>
    %mul3A_380 = arith.mulf %exp3A_379, %convert_element_type3A_362 : vector<256x1xf32>
    %slice3A_381 = vector.extract_strided_slice %mul3A_352 {offsets = [0, 192], sizes = [256, 64], strides = [1, 1]} : vector<256x256xf32> to vector<256x64xf32>
    %reduce_sum3A_382 = arith.constant dense<0.000000e+00> : vector<256xf32>
    %reduce_sum3A_383 = vector.multi_reduction <add>, %slice3A_381, %reduce_sum3A_382 [1] : vector<256x64xf32> to vector<256xf32>
    %broadcast_in_dim3A_384 = vector.shape_cast %reduce_sum3A_383 : vector<256xf32> to vector<256x1xf32>
    %exp3A_385 = math.exp %broadcast_in_dim3A_384 : vector<256x1xf32>
    %mul3A_386 = arith.mulf %exp3A_385, %convert_element_type3A_362 : vector<256x1xf32>
    %broadcast_in_dim3A_387 = vector.shape_cast %mul3A_368 : vector<256x1xf32> to vector<256x1xf32>
    %broadcast_in_dim3A_388 = vector.broadcast %broadcast_in_dim3A_387 : vector<256x1xf32> to vector<256x64xf32>
    %broadcast_in_dim3A_389 = vector.shape_cast %mul3A_374 : vector<256x1xf32> to vector<256x1xf32>
    %broadcast_in_dim3A_390 = vector.broadcast %broadcast_in_dim3A_389 : vector<256x1xf32> to vector<256x64xf32>
    %broadcast_in_dim3A_391 = vector.shape_cast %mul3A_380 : vector<256x1xf32> to vector<256x1xf32>
    %broadcast_in_dim3A_392 = vector.broadcast %broadcast_in_dim3A_391 : vector<256x1xf32> to vector<256x64xf32>
    %broadcast_in_dim3A_393 = vector.shape_cast %mul3A_386 : vector<256x1xf32> to vector<256x1xf32>
    %broadcast_in_dim3A_394 = vector.broadcast %broadcast_in_dim3A_393 : vector<256x1xf32> to vector<256x64xf32>
    %concatenate3A_395 = tpu.concatenate %broadcast_in_dim3A_388, %broadcast_in_dim3A_390, %broadcast_in_dim3A_392, %broadcast_in_dim3A_394 in 1 : vector<256x64xf32>, vector<256x64xf32>, vector<256x64xf32>, vector<256x64xf32> -> vector<256x256xf32>
    %broadcast_in_dim3A_396 = arith.constant 0.000000e+00 : f32
    %broadcast_in_dim3A_397 = vector.broadcast %broadcast_in_dim3A_396 : f32 to vector<256x124xf32>
    %concatenate3A_398 = tpu.concatenate %mul3A_368, %mul3A_374, %mul3A_380, %mul3A_386, %broadcast_in_dim3A_397 in 1 : vector<256x1xf32>, vector<256x1xf32>, vector<256x1xf32>, vector<256x1xf32>, vector<256x124xf32> -> vector<256x128xf32>
    %mul3A_399 = arith.mulf %get3A_339, %concatenate3A_395 : vector<256x256xf32>
    %concatenate3A_400 = tpu.concatenate %mul3A_399, %concatenate3A_398 in 1 : vector<256x256xf32>, vector<256x128xf32> -> vector<256x384xf32>
    %get3A_401 = arith.constant 0 : index
    %get3A_402 = arith.constant 0 : index
    %get3A_403 = arith.constant 768 : index
    %get3A_404 = vector.load %arg4[%get3A_401, %get3A_402, %get3A_403] : memref<1x1x1536xi32, #tpu.memory_space<vmem>>, vector<1x1x256xi32>
    %get3A_405 = vector.shape_cast %get3A_404 : vector<1x1x256xi32> to vector<1x256xi32>
    %sub3A_406 = vector.broadcast %multiple_of3A_319 : i32 to vector<1x256xi32>
    %sub3A_407 = arith.subi %get3A_405, %sub3A_406 : vector<1x256xi32>
    %iota3A_408 = tpu.iota {dimensions = array<i32: 0>} : vector<264x256xi32>
    %eq3A_409 = vector.broadcast %sub3A_407 : vector<1x256xi32> to vector<264x256xi32>
    %eq3A_410 = arith.cmpi eq, %iota3A_408, %eq3A_409 : vector<264x256xi32>
    %convert_element_type3A_411 = arith.extui %eq3A_410 : vector<264x256xi1> to vector<264x256xi32>
    %convert_element_type3A_412 = arith.sitofp %convert_element_type3A_411 : vector<264x256xi32> to vector<264x256xf32>
    %dot_general3A_413 = arith.constant dense<0.000000e+00> : vector<264x384xf32>
    %dot_general3A_414 = tpu.matmul %convert_element_type3A_412, %concatenate3A_400, %dot_general3A_413 {dimension_numbers = #tpu.dot_dimension_numbers<[1], [0], [0], [1], [0, 0, 1, 1], [], []>, transpose_lhs_hint = false} : vector<264x256xf32>, vector<256x384xf32>, vector<264x384xf32> -> vector<264x384xf32>
    %get3A_415 = arith.index_cast %multiple_of3A_319 : i32 to index
    %get3A_416 = arith.constant 0 : index
    %get3A_417 = vector.load %arg7[%get3A_415, %get3A_416] : memref<10264x384xf32, #tpu.memory_space<vmem>>, vector<264x384xf32>
    %add3A_418 = arith.addf %get3A_417, %dot_general3A_414 : vector<264x384xf32>
    %swap3A_419 = arith.index_cast %multiple_of3A_319 : i32 to index
    %swap3A_420 = arith.constant 0 : index
    %swap3A_421 = vector.load %arg7[%swap3A_419, %swap3A_420] : memref<10264x384xf32, #tpu.memory_space<vmem>>, vector<264x384xf32>
    tpu.vector_store %arg7[%swap3A_419, %swap3A_420], %add3A_418 {strides = array<i32>} : memref<10264x384xf32, #tpu.memory_space<vmem>>, vector<264x384xf32>,
    %mul3A_422 = arith.constant 6 : i32
    %mul3A_423 = arith.muli %arg0, %mul3A_422 : i32
    %add3A_424 = arith.constant 4 : i32
    %add3A_425 = arith.addi %mul3A_423, %add3A_424 : i32
    %get3A_426 = arith.index_cast %add3A_425 : i32 to index
    %get3A_427 = memref.load %arg1[%get3A_426] : memref<1290xi32, #tpu.memory_space<smem>>
    %multiple_of3A_428 = tpu.assume_multiple %get3A_427, 8 : i32
    %get3A_429 = arith.index_cast %multiple_of3A_428 : i32 to index
    %get3A_430 = arith.constant 0 : index
    %get3A_431 = vector.load %arg3[%get3A_429, %get3A_430] : memref<10264x256xf32, #tpu.memory_space<vmem>>, vector<264x256xf32>
    %get3A_432 = arith.constant 4 : index
    %get3A_433 = arith.constant 0 : index
    %get3A_434 = arith.constant 0 : index
    %get3A_435 = vector.load %arg5[%get3A_432, %get3A_433, %get3A_434] : memref<6x256x1xi32, #tpu.memory_space<vmem>>, vector<1x256x1xi32>
    %get3A_436 = vector.shape_cast %get3A_435 : vector<1x256x1xi32> to vector<256x1xi32>
    %sub3A_437 = vector.broadcast %multiple_of3A_428 : i32 to vector<256x1xi32>
    %sub3A_438 = arith.subi %get3A_436, %sub3A_437 : vector<256x1xi32>
    %iota3A_439 = tpu.iota {dimensions = array<i32: 1>} : vector<256x264xi32>
    %eq3A_440 = vector.broadcast %sub3A_438 : vector<256x1xi32> to vector<256x264xi32>
    %eq3A_441 = arith.cmpi eq, %iota3A_439, %eq3A_440 : vector<256x264xi32>
    %convert_element_type3A_442 = arith.extui %eq3A_441 : vector<256x264xi1> to vector<256x264xi32>
    %convert_element_type3A_443 = arith.sitofp %convert_element_type3A_442 : vector<256x264xi32> to vector<256x264xf32>
    %dot_general3A_444 = arith.constant dense<0.000000e+00> : vector<256x256xf32>
    %dot_general3A_445 = tpu.matmul %convert_element_type3A_443, %get3A_431, %dot_general3A_444 {dimension_numbers = #tpu.dot_dimension_numbers<[1], [0], [0], [1], [0, 0, 1, 1], [], []>, transpose_lhs_hint = false} : vector<256x264xf32>, vector<264x256xf32>, vector<256x256xf32> -> vector<256x256xf32>
    %get3A_446 = arith.constant 1024 : index
    %get3A_447 = arith.constant 0 : index
    %get3A_448 = vector.load %arg2[%get3A_446, %get3A_447] : memref<1536x256xf32, #tpu.memory_space<vmem>>, vector<256x256xf32>
    %add3A_449 = arith.addf %get3A_448, %dot_general3A_445 : vector<256x256xf32>
    %ge3A_450 = arith.constant 0.000000e+00 : f32
    %ge3A_451 = vector.broadcast %ge3A_450 : f32 to vector<256x256xf32>
    %ge3A_452 = arith.cmpf oge, %add3A_449, %ge3A_451 : vector<256x256xf32>
    %mul3A_453 = arith.constant 2.000000e-01 : f32
    %mul3A_454 = vector.broadcast %mul3A_453 : f32 to vector<256x256xf32>
    %mul3A_455 = arith.mulf %mul3A_454, %add3A_449 : vector<256x256xf32>
    %select_n3A_456 = arith.select %ge3A_452, %add3A_449, %mul3A_455 : vector<256x256xi1>, vector<256x256xf32>
    %get3A_457 = arith.constant 0 : index
    %get3A_458 = arith.constant 0 : index
    %get3A_459 = vector.load %arg6[%get3A_457, %get3A_458] : memref<1x256xf32, #tpu.memory_space<vmem>>, vector<1x256xf32>
    %mul3A_460 = vector.broadcast %get3A_459 : vector<1x256xf32> to vector<256x256xf32>
    %mul3A_461 = arith.mulf %select_n3A_456, %mul3A_460 : vector<256x256xf32>
    %mul3A_462 = arith.constant 256 : i32
    %mul3A_463 = arith.muli %add3A_425, %mul3A_462 : i32
    %iota3A_464 = tpu.iota {dimensions = array<i32: 0>} : vector<256x1xi32>
    %add3A_465 = vector.broadcast %mul3A_463 : i32 to vector<256x1xi32>
    %add3A_466 = arith.addi %add3A_465, %iota3A_464 : vector<256x1xi32>
    %lt3A_467 = arith.constant 330000 : i32
    %lt3A_468 = vector.broadcast %lt3A_467 : i32 to vector<256x1xi32>
    %lt3A_469 = arith.cmpi slt, %add3A_466, %lt3A_468 : vector<256x1xi32>
    %convert_element_type3A_470 = arith.extui %lt3A_469 : vector<256x1xi1> to vector<256x1xi32>
    %convert_element_type3A_471 = arith.sitofp %convert_element_type3A_470 : vector<256x1xi32> to vector<256x1xf32>
    %slice3A_472 = vector.extract_strided_slice %mul3A_461 {offsets = [0, 0], sizes = [256, 64], strides = [1, 1]} : vector<256x256xf32> to vector<256x64xf32>
    %reduce_sum3A_473 = arith.constant dense<0.000000e+00> : vector<256xf32>
    %reduce_sum3A_474 = vector.multi_reduction <add>, %slice3A_472, %reduce_sum3A_473 [1] : vector<256x64xf32> to vector<256xf32>
    %broadcast_in_dim3A_475 = vector.shape_cast %reduce_sum3A_474 : vector<256xf32> to vector<256x1xf32>
    %exp3A_476 = math.exp %broadcast_in_dim3A_475 : vector<256x1xf32>
    %mul3A_477 = arith.mulf %exp3A_476, %convert_element_type3A_471 : vector<256x1xf32>
    %slice3A_478 = vector.extract_strided_slice %mul3A_461 {offsets = [0, 64], sizes = [256, 64], strides = [1, 1]} : vector<256x256xf32> to vector<256x64xf32>
    %reduce_sum3A_479 = arith.constant dense<0.000000e+00> : vector<256xf32>
    %reduce_sum3A_480 = vector.multi_reduction <add>, %slice3A_478, %reduce_sum3A_479 [1] : vector<256x64xf32> to vector<256xf32>
    %broadcast_in_dim3A_481 = vector.shape_cast %reduce_sum3A_480 : vector<256xf32> to vector<256x1xf32>
    %exp3A_482 = math.exp %broadcast_in_dim3A_481 : vector<256x1xf32>
    %mul3A_483 = arith.mulf %exp3A_482, %convert_element_type3A_471 : vector<256x1xf32>
    %slice3A_484 = vector.extract_strided_slice %mul3A_461 {offsets = [0, 128], sizes = [256, 64], strides = [1, 1]} : vector<256x256xf32> to vector<256x64xf32>
    %reduce_sum3A_485 = arith.constant dense<0.000000e+00> : vector<256xf32>
    %reduce_sum3A_486 = vector.multi_reduction <add>, %slice3A_484, %reduce_sum3A_485 [1] : vector<256x64xf32> to vector<256xf32>
    %broadcast_in_dim3A_487 = vector.shape_cast %reduce_sum3A_486 : vector<256xf32> to vector<256x1xf32>
    %exp3A_488 = math.exp %broadcast_in_dim3A_487 : vector<256x1xf32>
    %mul3A_489 = arith.mulf %exp3A_488, %convert_element_type3A_471 : vector<256x1xf32>
    %slice3A_490 = vector.extract_strided_slice %mul3A_461 {offsets = [0, 192], sizes = [256, 64], strides = [1, 1]} : vector<256x256xf32> to vector<256x64xf32>
    %reduce_sum3A_491 = arith.constant dense<0.000000e+00> : vector<256xf32>
    %reduce_sum3A_492 = vector.multi_reduction <add>, %slice3A_490, %reduce_sum3A_491 [1] : vector<256x64xf32> to vector<256xf32>
    %broadcast_in_dim3A_493 = vector.shape_cast %reduce_sum3A_492 : vector<256xf32> to vector<256x1xf32>
    %exp3A_494 = math.exp %broadcast_in_dim3A_493 : vector<256x1xf32>
    %mul3A_495 = arith.mulf %exp3A_494, %convert_element_type3A_471 : vector<256x1xf32>
    %broadcast_in_dim3A_496 = vector.shape_cast %mul3A_477 : vector<256x1xf32> to vector<256x1xf32>
    %broadcast_in_dim3A_497 = vector.broadcast %broadcast_in_dim3A_496 : vector<256x1xf32> to vector<256x64xf32>
    %broadcast_in_dim3A_498 = vector.shape_cast %mul3A_483 : vector<256x1xf32> to vector<256x1xf32>
    %broadcast_in_dim3A_499 = vector.broadcast %broadcast_in_dim3A_498 : vector<256x1xf32> to vector<256x64xf32>
    %broadcast_in_dim3A_500 = vector.shape_cast %mul3A_489 : vector<256x1xf32> to vector<256x1xf32>
    %broadcast_in_dim3A_501 = vector.broadcast %broadcast_in_dim3A_500 : vector<256x1xf32> to vector<256x64xf32>
    %broadcast_in_dim3A_502 = vector.shape_cast %mul3A_495 : vector<256x1xf32> to vector<256x1xf32>
    %broadcast_in_dim3A_503 = vector.broadcast %broadcast_in_dim3A_502 : vector<256x1xf32> to vector<256x64xf32>
    %concatenate3A_504 = tpu.concatenate %broadcast_in_dim3A_497, %broadcast_in_dim3A_499, %broadcast_in_dim3A_501, %broadcast_in_dim3A_503 in 1 : vector<256x64xf32>, vector<256x64xf32>, vector<256x64xf32>, vector<256x64xf32> -> vector<256x256xf32>
    %broadcast_in_dim3A_505 = arith.constant 0.000000e+00 : f32
    %broadcast_in_dim3A_506 = vector.broadcast %broadcast_in_dim3A_505 : f32 to vector<256x124xf32>
    %concatenate3A_507 = tpu.concatenate %mul3A_477, %mul3A_483, %mul3A_489, %mul3A_495, %broadcast_in_dim3A_506 in 1 : vector<256x1xf32>, vector<256x1xf32>, vector<256x1xf32>, vector<256x1xf32>, vector<256x124xf32> -> vector<256x128xf32>
    %mul3A_508 = arith.mulf %get3A_448, %concatenate3A_504 : vector<256x256xf32>
    %concatenate3A_509 = tpu.concatenate %mul3A_508, %concatenate3A_507 in 1 : vector<256x256xf32>, vector<256x128xf32> -> vector<256x384xf32>
    %get3A_510 = arith.constant 0 : index
    %get3A_511 = arith.constant 0 : index
    %get3A_512 = arith.constant 1024 : index
    %get3A_513 = vector.load %arg4[%get3A_510, %get3A_511, %get3A_512] : memref<1x1x1536xi32, #tpu.memory_space<vmem>>, vector<1x1x256xi32>
    %get3A_514 = vector.shape_cast %get3A_513 : vector<1x1x256xi32> to vector<1x256xi32>
    %sub3A_515 = vector.broadcast %multiple_of3A_428 : i32 to vector<1x256xi32>
    %sub3A_516 = arith.subi %get3A_514, %sub3A_515 : vector<1x256xi32>
    %iota3A_517 = tpu.iota {dimensions = array<i32: 0>} : vector<264x256xi32>
    %eq3A_518 = vector.broadcast %sub3A_516 : vector<1x256xi32> to vector<264x256xi32>
    %eq3A_519 = arith.cmpi eq, %iota3A_517, %eq3A_518 : vector<264x256xi32>
    %convert_element_type3A_520 = arith.extui %eq3A_519 : vector<264x256xi1> to vector<264x256xi32>
    %convert_element_type3A_521 = arith.sitofp %convert_element_type3A_520 : vector<264x256xi32> to vector<264x256xf32>
    %dot_general3A_522 = arith.constant dense<0.000000e+00> : vector<264x384xf32>
    %dot_general3A_523 = tpu.matmul %convert_element_type3A_521, %concatenate3A_509, %dot_general3A_522 {dimension_numbers = #tpu.dot_dimension_numbers<[1], [0], [0], [1], [0, 0, 1, 1], [], []>, transpose_lhs_hint = false} : vector<264x256xf32>, vector<256x384xf32>, vector<264x384xf32> -> vector<264x384xf32>
    %get3A_524 = arith.index_cast %multiple_of3A_428 : i32 to index
    %get3A_525 = arith.constant 0 : index
    %get3A_526 = vector.load %arg7[%get3A_524, %get3A_525] : memref<10264x384xf32, #tpu.memory_space<vmem>>, vector<264x384xf32>
    %add3A_527 = arith.addf %get3A_526, %dot_general3A_523 : vector<264x384xf32>
    %swap3A_528 = arith.index_cast %multiple_of3A_428 : i32 to index
    %swap3A_529 = arith.constant 0 : index
    %swap3A_530 = vector.load %arg7[%swap3A_528, %swap3A_529] : memref<10264x384xf32, #tpu.memory_space<vmem>>, vector<264x384xf32>
    tpu.vector_store %arg7[%swap3A_528, %swap3A_529], %add3A_527 {strides = array<i32>} : memref<10264x384xf32, #tpu.memory_space<vmem>>, vector<264x384xf32>,
    %mul3A_531 = arith.constant 6 : i32
    %mul3A_532 = arith.muli %arg0, %mul3A_531 : i32
    %add3A_533 = arith.constant 5 : i32
    %add3A_534 = arith.addi %mul3A_532, %add3A_533 : i32
    %get3A_535 = arith.index_cast %add3A_534 : i32 to index
    %get3A_536 = memref.load %arg1[%get3A_535] : memref<1290xi32, #tpu.memory_space<smem>>
    %multiple_of3A_537 = tpu.assume_multiple %get3A_536, 8 : i32
    %get3A_538 = arith.index_cast %multiple_of3A_537 : i32 to index
    %get3A_539 = arith.constant 0 : index
    %get3A_540 = vector.load %arg3[%get3A_538, %get3A_539] : memref<10264x256xf32, #tpu.memory_space<vmem>>, vector<264x256xf32>
    %get3A_541 = arith.constant 5 : index
    %get3A_542 = arith.constant 0 : index
    %get3A_543 = arith.constant 0 : index
    %get3A_544 = vector.load %arg5[%get3A_541, %get3A_542, %get3A_543] : memref<6x256x1xi32, #tpu.memory_space<vmem>>, vector<1x256x1xi32>
    %get3A_545 = vector.shape_cast %get3A_544 : vector<1x256x1xi32> to vector<256x1xi32>
    %sub3A_546 = vector.broadcast %multiple_of3A_537 : i32 to vector<256x1xi32>
    %sub3A_547 = arith.subi %get3A_545, %sub3A_546 : vector<256x1xi32>
    %iota3A_548 = tpu.iota {dimensions = array<i32: 1>} : vector<256x264xi32>
    %eq3A_549 = vector.broadcast %sub3A_547 : vector<256x1xi32> to vector<256x264xi32>
    %eq3A_550 = arith.cmpi eq, %iota3A_548, %eq3A_549 : vector<256x264xi32>
    %convert_element_type3A_551 = arith.extui %eq3A_550 : vector<256x264xi1> to vector<256x264xi32>
    %convert_element_type3A_552 = arith.sitofp %convert_element_type3A_551 : vector<256x264xi32> to vector<256x264xf32>
    %dot_general3A_553 = arith.constant dense<0.000000e+00> : vector<256x256xf32>
    %dot_general3A_554 = tpu.matmul %convert_element_type3A_552, %get3A_540, %dot_general3A_553 {dimension_numbers = #tpu.dot_dimension_numbers<[1], [0], [0], [1], [0, 0, 1, 1], [], []>, transpose_lhs_hint = false} : vector<256x264xf32>, vector<264x256xf32>, vector<256x256xf32> -> vector<256x256xf32>
    %get3A_555 = arith.constant 1280 : index
    %get3A_556 = arith.constant 0 : index
    %get3A_557 = vector.load %arg2[%get3A_555, %get3A_556] : memref<1536x256xf32, #tpu.memory_space<vmem>>, vector<256x256xf32>
    %add3A_558 = arith.addf %get3A_557, %dot_general3A_554 : vector<256x256xf32>
    %ge3A_559 = arith.constant 0.000000e+00 : f32
    %ge3A_560 = vector.broadcast %ge3A_559 : f32 to vector<256x256xf32>
    %ge3A_561 = arith.cmpf oge, %add3A_558, %ge3A_560 : vector<256x256xf32>
    %mul3A_562 = arith.constant 2.000000e-01 : f32
    %mul3A_563 = vector.broadcast %mul3A_562 : f32 to vector<256x256xf32>
    %mul3A_564 = arith.mulf %mul3A_563, %add3A_558 : vector<256x256xf32>
    %select_n3A_565 = arith.select %ge3A_561, %add3A_558, %mul3A_564 : vector<256x256xi1>, vector<256x256xf32>
    %get3A_566 = arith.constant 0 : index
    %get3A_567 = arith.constant 0 : index
    %get3A_568 = vector.load %arg6[%get3A_566, %get3A_567] : memref<1x256xf32, #tpu.memory_space<vmem>>, vector<1x256xf32>
    %mul3A_569 = vector.broadcast %get3A_568 : vector<1x256xf32> to vector<256x256xf32>
    %mul3A_570 = arith.mulf %select_n3A_565, %mul3A_569 : vector<256x256xf32>
    %mul3A_571 = arith.constant 256 : i32
    %mul3A_572 = arith.muli %add3A_534, %mul3A_571 : i32
    %iota3A_573 = tpu.iota {dimensions = array<i32: 0>} : vector<256x1xi32>
    %add3A_574 = vector.broadcast %mul3A_572 : i32 to vector<256x1xi32>
    %add3A_575 = arith.addi %add3A_574, %iota3A_573 : vector<256x1xi32>
    %lt3A_576 = arith.constant 330000 : i32
    %lt3A_577 = vector.broadcast %lt3A_576 : i32 to vector<256x1xi32>
    %lt3A_578 = arith.cmpi slt, %add3A_575, %lt3A_577 : vector<256x1xi32>
    %convert_element_type3A_579 = arith.extui %lt3A_578 : vector<256x1xi1> to vector<256x1xi32>
    %convert_element_type3A_580 = arith.sitofp %convert_element_type3A_579 : vector<256x1xi32> to vector<256x1xf32>
    %slice3A_581 = vector.extract_strided_slice %mul3A_570 {offsets = [0, 0], sizes = [256, 64], strides = [1, 1]} : vector<256x256xf32> to vector<256x64xf32>
    %reduce_sum3A_582 = arith.constant dense<0.000000e+00> : vector<256xf32>
    %reduce_sum3A_583 = vector.multi_reduction <add>, %slice3A_581, %reduce_sum3A_582 [1] : vector<256x64xf32> to vector<256xf32>
    %broadcast_in_dim3A_584 = vector.shape_cast %reduce_sum3A_583 : vector<256xf32> to vector<256x1xf32>
    %exp3A_585 = math.exp %broadcast_in_dim3A_584 : vector<256x1xf32>
    %mul3A_586 = arith.mulf %exp3A_585, %convert_element_type3A_580 : vector<256x1xf32>
    %slice3A_587 = vector.extract_strided_slice %mul3A_570 {offsets = [0, 64], sizes = [256, 64], strides = [1, 1]} : vector<256x256xf32> to vector<256x64xf32>
    %reduce_sum3A_588 = arith.constant dense<0.000000e+00> : vector<256xf32>
    %reduce_sum3A_589 = vector.multi_reduction <add>, %slice3A_587, %reduce_sum3A_588 [1] : vector<256x64xf32> to vector<256xf32>
    %broadcast_in_dim3A_590 = vector.shape_cast %reduce_sum3A_589 : vector<256xf32> to vector<256x1xf32>
    %exp3A_591 = math.exp %broadcast_in_dim3A_590 : vector<256x1xf32>
    %mul3A_592 = arith.mulf %exp3A_591, %convert_element_type3A_580 : vector<256x1xf32>
    %slice3A_593 = vector.extract_strided_slice %mul3A_570 {offsets = [0, 128], sizes = [256, 64], strides = [1, 1]} : vector<256x256xf32> to vector<256x64xf32>
    %reduce_sum3A_594 = arith.constant dense<0.000000e+00> : vector<256xf32>
    %reduce_sum3A_595 = vector.multi_reduction <add>, %slice3A_593, %reduce_sum3A_594 [1] : vector<256x64xf32> to vector<256xf32>
    %broadcast_in_dim3A_596 = vector.shape_cast %reduce_sum3A_595 : vector<256xf32> to vector<256x1xf32>
    %exp3A_597 = math.exp %broadcast_in_dim3A_596 : vector<256x1xf32>
    %mul3A_598 = arith.mulf %exp3A_597, %convert_element_type3A_580 : vector<256x1xf32>
    %slice3A_599 = vector.extract_strided_slice %mul3A_570 {offsets = [0, 192], sizes = [256, 64], strides = [1, 1]} : vector<256x256xf32> to vector<256x64xf32>
    %reduce_sum3A_600 = arith.constant dense<0.000000e+00> : vector<256xf32>
    %reduce_sum3A_601 = vector.multi_reduction <add>, %slice3A_599, %reduce_sum3A_600 [1] : vector<256x64xf32> to vector<256xf32>
    %broadcast_in_dim3A_602 = vector.shape_cast %reduce_sum3A_601 : vector<256xf32> to vector<256x1xf32>
    %exp3A_603 = math.exp %broadcast_in_dim3A_602 : vector<256x1xf32>
    %mul3A_604 = arith.mulf %exp3A_603, %convert_element_type3A_580 : vector<256x1xf32>
    %broadcast_in_dim3A_605 = vector.shape_cast %mul3A_586 : vector<256x1xf32> to vector<256x1xf32>
    %broadcast_in_dim3A_606 = vector.broadcast %broadcast_in_dim3A_605 : vector<256x1xf32> to vector<256x64xf32>
    %broadcast_in_dim3A_607 = vector.shape_cast %mul3A_592 : vector<256x1xf32> to vector<256x1xf32>
    %broadcast_in_dim3A_608 = vector.broadcast %broadcast_in_dim3A_607 : vector<256x1xf32> to vector<256x64xf32>
    %broadcast_in_dim3A_609 = vector.shape_cast %mul3A_598 : vector<256x1xf32> to vector<256x1xf32>
    %broadcast_in_dim3A_610 = vector.broadcast %broadcast_in_dim3A_609 : vector<256x1xf32> to vector<256x64xf32>
    %broadcast_in_dim3A_611 = vector.shape_cast %mul3A_604 : vector<256x1xf32> to vector<256x1xf32>
    %broadcast_in_dim3A_612 = vector.broadcast %broadcast_in_dim3A_611 : vector<256x1xf32> to vector<256x64xf32>
    %concatenate3A_613 = tpu.concatenate %broadcast_in_dim3A_606, %broadcast_in_dim3A_608, %broadcast_in_dim3A_610, %broadcast_in_dim3A_612 in 1 : vector<256x64xf32>, vector<256x64xf32>, vector<256x64xf32>, vector<256x64xf32> -> vector<256x256xf32>
    %broadcast_in_dim3A_614 = arith.constant 0.000000e+00 : f32
    %broadcast_in_dim3A_615 = vector.broadcast %broadcast_in_dim3A_614 : f32 to vector<256x124xf32>
    %concatenate3A_616 = tpu.concatenate %mul3A_586, %mul3A_592, %mul3A_598, %mul3A_604, %broadcast_in_dim3A_615 in 1 : vector<256x1xf32>, vector<256x1xf32>, vector<256x1xf32>, vector<256x1xf32>, vector<256x124xf32> -> vector<256x128xf32>
    %mul3A_617 = arith.mulf %get3A_557, %concatenate3A_613 : vector<256x256xf32>
    %concatenate3A_618 = tpu.concatenate %mul3A_617, %concatenate3A_616 in 1 : vector<256x256xf32>, vector<256x128xf32> -> vector<256x384xf32>
    %get3A_619 = arith.constant 0 : index
    %get3A_620 = arith.constant 0 : index
    %get3A_621 = arith.constant 1280 : index
    %get3A_622 = vector.load %arg4[%get3A_619, %get3A_620, %get3A_621] : memref<1x1x1536xi32, #tpu.memory_space<vmem>>, vector<1x1x256xi32>
    %get3A_623 = vector.shape_cast %get3A_622 : vector<1x1x256xi32> to vector<1x256xi32>
    %sub3A_624 = vector.broadcast %multiple_of3A_537 : i32 to vector<1x256xi32>
    %sub3A_625 = arith.subi %get3A_623, %sub3A_624 : vector<1x256xi32>
    %iota3A_626 = tpu.iota {dimensions = array<i32: 0>} : vector<264x256xi32>
    %eq3A_627 = vector.broadcast %sub3A_625 : vector<1x256xi32> to vector<264x256xi32>
    %eq3A_628 = arith.cmpi eq, %iota3A_626, %eq3A_627 : vector<264x256xi32>
    %convert_element_type3A_629 = arith.extui %eq3A_628 : vector<264x256xi1> to vector<264x256xi32>
    %convert_element_type3A_630 = arith.sitofp %convert_element_type3A_629 : vector<264x256xi32> to vector<264x256xf32>
    %dot_general3A_631 = arith.constant dense<0.000000e+00> : vector<264x384xf32>
    %dot_general3A_632 = tpu.matmul %convert_element_type3A_630, %concatenate3A_618, %dot_general3A_631 {dimension_numbers = #tpu.dot_dimension_numbers<[1], [0], [0], [1], [0, 0, 1, 1], [], []>, transpose_lhs_hint = false} : vector<264x256xf32>, vector<256x384xf32>, vector<264x384xf32> -> vector<264x384xf32>
    %get3A_633 = arith.index_cast %multiple_of3A_537 : i32 to index
    %get3A_634 = arith.constant 0 : index
    %get3A_635 = vector.load %arg7[%get3A_633, %get3A_634] : memref<10264x384xf32, #tpu.memory_space<vmem>>, vector<264x384xf32>
    %add3A_636 = arith.addf %get3A_635, %dot_general3A_632 : vector<264x384xf32>
    %swap3A_637 = arith.index_cast %multiple_of3A_537 : i32 to index
    %swap3A_638 = arith.constant 0 : index
    %swap3A_639 = vector.load %arg7[%swap3A_637, %swap3A_638] : memref<10264x384xf32, #tpu.memory_space<vmem>>, vector<264x384xf32>
    tpu.vector_store %arg7[%swap3A_637, %swap3A_638], %add3A_636 {strides = array<i32>} : memref<10264x384xf32, #tpu.memory_space<vmem>>, vector<264x384xf32>,
    return
  }
  func.func @transform_0(%arg0: i32) -> i32 {
    %c0_i32 = arith.constant 0 : i32
    %c0_i32_0 = arith.constant 0 : i32
    return %c0_i32 : i32
  }
  func.func @transform_1(%arg0: i32) -> (i32, i32) {
    %c0_i32 = arith.constant 0 : i32
    %c0_i32_0 = arith.constant 0 : i32
    return %arg0, %c0_i32 : i32, i32
  }
  func.func @transform_2(%arg0: i32) -> (i32, i32) {
    %c0_i32 = arith.constant 0 : i32
    %c0_i32_0 = arith.constant 0 : i32
    %c0_i32_1 = arith.constant 0 : i32
    return %c0_i32, %c0_i32_0 : i32, i32
  }
  func.func @transform_3(%arg0: i32) -> (i32, i32, i32) {
    %c0_i32 = arith.constant 0 : i32
    %c0_i32_0 = arith.constant 0 : i32
    %c0_i32_1 = arith.constant 0 : i32
    return %arg0, %c0_i32, %c0_i32_0 : i32, i32, i32
  }
  func.func @transform_4(%arg0: i32) -> (i32, i32, i32) {
    %c0_i32 = arith.constant 0 : i32
    %c0_i32_0 = arith.constant 0 : i32
    %c0_i32_1 = arith.constant 0 : i32
    return %arg0, %c0_i32, %c0_i32_0 : i32, i32, i32
  }
  func.func @transform_5(%arg0: i32) -> (i32, i32) {
    %c0_i32 = arith.constant 0 : i32
    %c0_i32_0 = arith.constant 0 : i32
    %c0_i32_1 = arith.constant 0 : i32
    return %c0_i32, %c0_i32_0 : i32, i32
  }
  func.func @transform_6(%arg0: i32) -> (i32, i32) {
    %c0_i32 = arith.constant 0 : i32
    %c0_i32_0 = arith.constant 0 : i32
    %c0_i32_1 = arith.constant 0 : i32
    return %c0_i32, %c0_i32_0 : i32, i32
  }
}

module attributes {stable_mosaic.version = 14 : i64} {
  func.func @_norm_kernel(%arg0: i32, %arg1: memref<1000x384xf32, #tpu.memory_space<vmem>>, %arg2: memref<1x256xf32, #tpu.memory_space<vmem>>, %arg3: memref<1000x256xf32, #tpu.memory_space<vmem>>) attributes {dimension_semantics = [#tpu.dimension_semantics<arbitrary>], iteration_bounds = array<i64: 10>, scalar_prefetch = 0 : i64, scratch_operands = 0 : i64, tpu.core_type = #tpu.core_type<tc>, window_params = [{transform_indices = @transform_0, window_bounds = array<i64: 1000, 384>}, {pipeline_mode = #tpu.pipeline_mode<synchronous>, transform_indices = @transform_1, window_bounds = array<i64: 1, 256>}, {transform_indices = @transform_2, window_bounds = array<i64: 1000, 256>}]} {
    %get3A = arith.constant 0 : index
    %get3A_0 = arith.constant 0 : index
    %get3A_1 = vector.load %arg1[%get3A, %get3A_0] : memref<1000x384xf32, #tpu.memory_space<vmem>>, vector<1000x384xf32>
    %slice3A = vector.extract_strided_slice %get3A_1 {offsets = [0, 256], sizes = [1000, 1], strides = [1, 1]} : vector<1000x384xf32> to vector<1000x1xf32>
    %broadcast_in_dim3A = vector.shape_cast %slice3A : vector<1000x1xf32> to vector<1000x1xf32>
    %broadcast_in_dim3A_2 = vector.broadcast %broadcast_in_dim3A : vector<1000x1xf32> to vector<1000x64xf32>
    %slice3A_3 = vector.extract_strided_slice %get3A_1 {offsets = [0, 257], sizes = [1000, 1], strides = [1, 1]} : vector<1000x384xf32> to vector<1000x1xf32>
    %broadcast_in_dim3A_4 = vector.shape_cast %slice3A_3 : vector<1000x1xf32> to vector<1000x1xf32>
    %broadcast_in_dim3A_5 = vector.broadcast %broadcast_in_dim3A_4 : vector<1000x1xf32> to vector<1000x64xf32>
    %slice3A_6 = vector.extract_strided_slice %get3A_1 {offsets = [0, 258], sizes = [1000, 1], strides = [1, 1]} : vector<1000x384xf32> to vector<1000x1xf32>
    %broadcast_in_dim3A_7 = vector.shape_cast %slice3A_6 : vector<1000x1xf32> to vector<1000x1xf32>
    %broadcast_in_dim3A_8 = vector.broadcast %broadcast_in_dim3A_7 : vector<1000x1xf32> to vector<1000x64xf32>
    %slice3A_9 = vector.extract_strided_slice %get3A_1 {offsets = [0, 259], sizes = [1000, 1], strides = [1, 1]} : vector<1000x384xf32> to vector<1000x1xf32>
    %broadcast_in_dim3A_10 = vector.shape_cast %slice3A_9 : vector<1000x1xf32> to vector<1000x1xf32>
    %broadcast_in_dim3A_11 = vector.broadcast %broadcast_in_dim3A_10 : vector<1000x1xf32> to vector<1000x64xf32>
    %concatenate3A = tpu.concatenate %broadcast_in_dim3A_2, %broadcast_in_dim3A_5, %broadcast_in_dim3A_8, %broadcast_in_dim3A_11 in 1 : vector<1000x64xf32>, vector<1000x64xf32>, vector<1000x64xf32>, vector<1000x64xf32> -> vector<1000x256xf32>
    %slice3A_12 = vector.extract_strided_slice %get3A_1 {offsets = [0, 0], sizes = [1000, 256], strides = [1, 1]} : vector<1000x384xf32> to vector<1000x256xf32>
    %add3A = arith.constant 1.000000e-16 : f32
    %add3A_13 = vector.broadcast %add3A : f32 to vector<1000x256xf32>
    %add3A_14 = arith.addf %concatenate3A, %add3A_13 : vector<1000x256xf32>
    %div3A = arith.divf %slice3A_12, %add3A_14 : vector<1000x256xf32>
    %get3A_15 = arith.constant 0 : index
    %get3A_16 = arith.constant 0 : index
    %get3A_17 = vector.load %arg2[%get3A_15, %get3A_16] : memref<1x256xf32, #tpu.memory_space<vmem>>, vector<1x256xf32>
    %add3A_18 = vector.broadcast %get3A_17 : vector<1x256xf32> to vector<1000x256xf32>
    %add3A_19 = arith.addf %div3A, %add3A_18 : vector<1000x256xf32>
    %max3A = arith.constant 0.000000e+00 : f32
    %max3A_20 = vector.broadcast %max3A : f32 to vector<1000x256xf32>
    %max3A_21 = arith.maximumf %add3A_19, %max3A_20 : vector<1000x256xf32>
    %swap3A = arith.constant 0 : index
    %swap3A_22 = arith.constant 0 : index
    %swap3A_23 = vector.load %arg3[%swap3A, %swap3A_22] : memref<1000x256xf32, #tpu.memory_space<vmem>>, vector<1000x256xf32>
    tpu.vector_store %arg3[%swap3A, %swap3A_22], %max3A_21 {strides = array<i32>} : memref<1000x256xf32, #tpu.memory_space<vmem>>, vector<1000x256xf32>,
    return
  }
  func.func @transform_0(%arg0: i32) -> (i32, i32) {
    %c0_i32 = arith.constant 0 : i32
    %c0_i32_0 = arith.constant 0 : i32
    return %arg0, %c0_i32 : i32, i32
  }
  func.func @transform_1(%arg0: i32) -> (i32, i32) {
    %c0_i32 = arith.constant 0 : i32
    %c0_i32_0 = arith.constant 0 : i32
    %c0_i32_1 = arith.constant 0 : i32
    return %c0_i32, %c0_i32_0 : i32, i32
  }
  func.func @transform_2(%arg0: i32) -> (i32, i32) {
    %c0_i32 = arith.constant 0 : i32
    %c0_i32_0 = arith.constant 0 : i32
    return %arg0, %c0_i32 : i32, i32
  }
}

module attributes {stable_mosaic.version = 14 : i64} {
  func.func @_mm_kernel(%arg0: i32, %arg1: memref<1000x256xf32, #tpu.memory_space<vmem>>, %arg2: memref<256x128xf32, #tpu.memory_space<vmem>>, %arg3: memref<1000x128xf32, #tpu.memory_space<vmem>>) attributes {dimension_semantics = [#tpu.dimension_semantics<arbitrary>], iteration_bounds = array<i64: 10>, scalar_prefetch = 0 : i64, scratch_operands = 0 : i64, tpu.core_type = #tpu.core_type<tc>, window_params = [{transform_indices = @transform_0, window_bounds = array<i64: 1000, 256>}, {pipeline_mode = #tpu.pipeline_mode<synchronous>, transform_indices = @transform_1, window_bounds = array<i64: 256, 128>}, {transform_indices = @transform_2, window_bounds = array<i64: 1000, 128>}]} {
    %get3A = arith.constant 0 : index
    %get3A_0 = arith.constant 0 : index
    %get3A_1 = vector.load %arg1[%get3A, %get3A_0] : memref<1000x256xf32, #tpu.memory_space<vmem>>, vector<1000x256xf32>
    %get3A_2 = arith.constant 0 : index
    %get3A_3 = arith.constant 0 : index
    %get3A_4 = vector.load %arg2[%get3A_2, %get3A_3] : memref<256x128xf32, #tpu.memory_space<vmem>>, vector<256x128xf32>
    %dot_general3A = arith.constant dense<0.000000e+00> : vector<1000x128xf32>
    %dot_general3A_5 = tpu.matmul %get3A_1, %get3A_4, %dot_general3A {dimension_numbers = #tpu.dot_dimension_numbers<[1], [0], [0], [1], [0, 0, 1, 1], [], []>, transpose_lhs_hint = false} : vector<1000x256xf32>, vector<256x128xf32>, vector<1000x128xf32> -> vector<1000x128xf32>
    %swap3A = arith.constant 0 : index
    %swap3A_6 = arith.constant 0 : index
    %swap3A_7 = vector.load %arg3[%swap3A, %swap3A_6] : memref<1000x128xf32, #tpu.memory_space<vmem>>, vector<1000x128xf32>
    tpu.vector_store %arg3[%swap3A, %swap3A_6], %dot_general3A_5 {strides = array<i32>} : memref<1000x128xf32, #tpu.memory_space<vmem>>, vector<1000x128xf32>,
    return
  }
  func.func @transform_0(%arg0: i32) -> (i32, i32) {
    %c0_i32 = arith.constant 0 : i32
    %c0_i32_0 = arith.constant 0 : i32
    return %arg0, %c0_i32 : i32, i32
  }
  func.func @transform_1(%arg0: i32) -> (i32, i32) {
    %c0_i32 = arith.constant 0 : i32
    %c0_i32_0 = arith.constant 0 : i32
    %c0_i32_1 = arith.constant 0 : i32
    return %c0_i32, %c0_i32_0 : i32, i32
  }
  func.func @transform_2(%arg0: i32) -> (i32, i32) {
    %c0_i32 = arith.constant 0 : i32
    %c0_i32_0 = arith.constant 0 : i32
    return %arg0, %c0_i32 : i32, i32
  }
}

module attributes {stable_mosaic.version = 14 : i64} {
  func.func @_att_agg_kernel(%arg0: i32, %arg1: memref<1290xi32, #tpu.memory_space<smem>>, %arg2: memref<1536x128xf32, #tpu.memory_space<vmem>>, %arg3: memref<10264x128xf32, #tpu.memory_space<vmem>>, %arg4: memref<1x1x1536xi32, #tpu.memory_space<vmem>>, %arg5: memref<6x256x1xi32, #tpu.memory_space<vmem>>, %arg6: memref<1x128xf32, #tpu.memory_space<vmem>>, %arg7: memref<10264x256xf32, #tpu.memory_space<vmem>>) attributes {dimension_semantics = [#tpu.dimension_semantics<arbitrary>], iteration_bounds = array<i64: 215>, scalar_prefetch = 0 : i64, scratch_operands = 0 : i64, tpu.core_type = #tpu.core_type<tc>, window_params = [{transform_indices = @transform_0, window_bounds = array<i64: 1290>}, {transform_indices = @transform_1, window_bounds = array<i64: 1536, 128>}, {pipeline_mode = #tpu.pipeline_mode<synchronous>, transform_indices = @transform_2, window_bounds = array<i64: 10264, 128>}, {transform_indices = @transform_3, window_bounds = array<i64: 1, 1, 1536>}, {transform_indices = @transform_4, window_bounds = array<i64: 6, 256, 1>}, {pipeline_mode = #tpu.pipeline_mode<synchronous>, transform_indices = @transform_5, window_bounds = array<i64: 1, 128>}, {pipeline_mode = #tpu.pipeline_mode<synchronous>, transform_indices = @transform_6, window_bounds = array<i64: 10264, 256>}]} {
    %eq3A = arith.constant 0 : i32
    %eq3A_0 = arith.cmpi eq, %arg0, %eq3A : i32
    %convert_element_type3A = arith.extui %eq3A_0 : i1 to i32
    %cond3A = arith.constant 0 : i32
    %cond3A_1 = arith.cmpi ne, %convert_element_type3A, %cond3A : i32
    scf.if %cond3A_1 {
      %broadcast_in_dim3A_544 = arith.constant 0.000000e+00 : f32
      %broadcast_in_dim3A_545 = vector.broadcast %broadcast_in_dim3A_544 : f32 to vector<10264x256xf32>
      %swap3A_546 = arith.constant 0 : index
      %swap3A_547 = arith.constant 0 : index
      %swap3A_548 = vector.load %arg7[%swap3A_546, %swap3A_547] : memref<10264x256xf32, #tpu.memory_space<vmem>>, vector<10264x256xf32>
      tpu.vector_store %arg7[%swap3A_546, %swap3A_547], %broadcast_in_dim3A_545 {strides = array<i32>} : memref<10264x256xf32, #tpu.memory_space<vmem>>, vector<10264x256xf32>,
    } else {
    }
    %mul3A = arith.constant 6 : i32
    %mul3A_2 = arith.muli %arg0, %mul3A : i32
    %add3A = arith.constant 0 : i32
    %add3A_3 = arith.addi %mul3A_2, %add3A : i32
    %get3A = arith.index_cast %add3A_3 : i32 to index
    %get3A_4 = memref.load %arg1[%get3A] : memref<1290xi32, #tpu.memory_space<smem>>
    %multiple_of3A = tpu.assume_multiple %get3A_4, 8 : i32
    %get3A_5 = arith.index_cast %multiple_of3A : i32 to index
    %get3A_6 = arith.constant 0 : index
    %get3A_7 = vector.load %arg3[%get3A_5, %get3A_6] : memref<10264x128xf32, #tpu.memory_space<vmem>>, vector<264x128xf32>
    %get3A_8 = arith.constant 0 : index
    %get3A_9 = arith.constant 0 : index
    %get3A_10 = arith.constant 0 : index
    %get3A_11 = vector.load %arg5[%get3A_8, %get3A_9, %get3A_10] : memref<6x256x1xi32, #tpu.memory_space<vmem>>, vector<1x256x1xi32>
    %get3A_12 = vector.shape_cast %get3A_11 : vector<1x256x1xi32> to vector<256x1xi32>
    %sub3A = vector.broadcast %multiple_of3A : i32 to vector<256x1xi32>
    %sub3A_13 = arith.subi %get3A_12, %sub3A : vector<256x1xi32>
    %iota3A = tpu.iota {dimensions = array<i32: 1>} : vector<256x264xi32>
    %eq3A_14 = vector.broadcast %sub3A_13 : vector<256x1xi32> to vector<256x264xi32>
    %eq3A_15 = arith.cmpi eq, %iota3A, %eq3A_14 : vector<256x264xi32>
    %convert_element_type3A_16 = arith.extui %eq3A_15 : vector<256x264xi1> to vector<256x264xi32>
    %convert_element_type3A_17 = arith.sitofp %convert_element_type3A_16 : vector<256x264xi32> to vector<256x264xf32>
    %dot_general3A = arith.constant dense<0.000000e+00> : vector<256x128xf32>
    %dot_general3A_18 = tpu.matmul %convert_element_type3A_17, %get3A_7, %dot_general3A {dimension_numbers = #tpu.dot_dimension_numbers<[1], [0], [0], [1], [0, 0, 1, 1], [], []>, transpose_lhs_hint = false} : vector<256x264xf32>, vector<264x128xf32>, vector<256x128xf32> -> vector<256x128xf32>
    %get3A_19 = arith.constant 0 : index
    %get3A_20 = arith.constant 0 : index
    %get3A_21 = vector.load %arg2[%get3A_19, %get3A_20] : memref<1536x128xf32, #tpu.memory_space<vmem>>, vector<256x128xf32>
    %add3A_22 = arith.addf %get3A_21, %dot_general3A_18 : vector<256x128xf32>
    %ge3A = arith.constant 0.000000e+00 : f32
    %ge3A_23 = vector.broadcast %ge3A : f32 to vector<256x128xf32>
    %ge3A_24 = arith.cmpf oge, %add3A_22, %ge3A_23 : vector<256x128xf32>
    %mul3A_25 = arith.constant 2.000000e-01 : f32
    %mul3A_26 = vector.broadcast %mul3A_25 : f32 to vector<256x128xf32>
    %mul3A_27 = arith.mulf %mul3A_26, %add3A_22 : vector<256x128xf32>
    %select_n3A = arith.select %ge3A_24, %add3A_22, %mul3A_27 : vector<256x128xi1>, vector<256x128xf32>
    %get3A_28 = arith.constant 0 : index
    %get3A_29 = arith.constant 0 : index
    %get3A_30 = vector.load %arg6[%get3A_28, %get3A_29] : memref<1x128xf32, #tpu.memory_space<vmem>>, vector<1x128xf32>
    %mul3A_31 = vector.broadcast %get3A_30 : vector<1x128xf32> to vector<256x128xf32>
    %mul3A_32 = arith.mulf %select_n3A, %mul3A_31 : vector<256x128xf32>
    %mul3A_33 = arith.constant 256 : i32
    %mul3A_34 = arith.muli %add3A_3, %mul3A_33 : i32
    %iota3A_35 = tpu.iota {dimensions = array<i32: 0>} : vector<256x1xi32>
    %add3A_36 = vector.broadcast %mul3A_34 : i32 to vector<256x1xi32>
    %add3A_37 = arith.addi %add3A_36, %iota3A_35 : vector<256x1xi32>
    %lt3A = arith.constant 330000 : i32
    %lt3A_38 = vector.broadcast %lt3A : i32 to vector<256x1xi32>
    %lt3A_39 = arith.cmpi slt, %add3A_37, %lt3A_38 : vector<256x1xi32>
    %convert_element_type3A_40 = arith.extui %lt3A_39 : vector<256x1xi1> to vector<256x1xi32>
    %convert_element_type3A_41 = arith.sitofp %convert_element_type3A_40 : vector<256x1xi32> to vector<256x1xf32>
    %slice3A = vector.extract_strided_slice %mul3A_32 {offsets = [0, 0], sizes = [256, 64], strides = [1, 1]} : vector<256x128xf32> to vector<256x64xf32>
    %reduce_sum3A = arith.constant dense<0.000000e+00> : vector<256xf32>
    %reduce_sum3A_42 = vector.multi_reduction <add>, %slice3A, %reduce_sum3A [1] : vector<256x64xf32> to vector<256xf32>
    %broadcast_in_dim3A = vector.shape_cast %reduce_sum3A_42 : vector<256xf32> to vector<256x1xf32>
    %exp3A = math.exp %broadcast_in_dim3A : vector<256x1xf32>
    %mul3A_43 = arith.mulf %exp3A, %convert_element_type3A_41 : vector<256x1xf32>
    %slice3A_44 = vector.extract_strided_slice %mul3A_32 {offsets = [0, 64], sizes = [256, 64], strides = [1, 1]} : vector<256x128xf32> to vector<256x64xf32>
    %reduce_sum3A_45 = arith.constant dense<0.000000e+00> : vector<256xf32>
    %reduce_sum3A_46 = vector.multi_reduction <add>, %slice3A_44, %reduce_sum3A_45 [1] : vector<256x64xf32> to vector<256xf32>
    %broadcast_in_dim3A_47 = vector.shape_cast %reduce_sum3A_46 : vector<256xf32> to vector<256x1xf32>
    %exp3A_48 = math.exp %broadcast_in_dim3A_47 : vector<256x1xf32>
    %mul3A_49 = arith.mulf %exp3A_48, %convert_element_type3A_41 : vector<256x1xf32>
    %broadcast_in_dim3A_50 = vector.shape_cast %mul3A_43 : vector<256x1xf32> to vector<256x1xf32>
    %broadcast_in_dim3A_51 = vector.broadcast %broadcast_in_dim3A_50 : vector<256x1xf32> to vector<256x64xf32>
    %broadcast_in_dim3A_52 = vector.shape_cast %mul3A_49 : vector<256x1xf32> to vector<256x1xf32>
    %broadcast_in_dim3A_53 = vector.broadcast %broadcast_in_dim3A_52 : vector<256x1xf32> to vector<256x64xf32>
    %concatenate3A = tpu.concatenate %broadcast_in_dim3A_51, %broadcast_in_dim3A_53 in 1 : vector<256x64xf32>, vector<256x64xf32> -> vector<256x128xf32>
    %broadcast_in_dim3A_54 = arith.constant 0.000000e+00 : f32
    %broadcast_in_dim3A_55 = vector.broadcast %broadcast_in_dim3A_54 : f32 to vector<256x126xf32>
    %concatenate3A_56 = tpu.concatenate %mul3A_43, %mul3A_49, %broadcast_in_dim3A_55 in 1 : vector<256x1xf32>, vector<256x1xf32>, vector<256x126xf32> -> vector<256x128xf32>
    %mul3A_57 = arith.mulf %get3A_21, %concatenate3A : vector<256x128xf32>
    %concatenate3A_58 = tpu.concatenate %mul3A_57, %concatenate3A_56 in 1 : vector<256x128xf32>, vector<256x128xf32> -> vector<256x256xf32>
    %get3A_59 = arith.constant 0 : index
    %get3A_60 = arith.constant 0 : index
    %get3A_61 = arith.constant 0 : index
    %get3A_62 = vector.load %arg4[%get3A_59, %get3A_60, %get3A_61] : memref<1x1x1536xi32, #tpu.memory_space<vmem>>, vector<1x1x256xi32>
    %get3A_63 = vector.shape_cast %get3A_62 : vector<1x1x256xi32> to vector<1x256xi32>
    %sub3A_64 = vector.broadcast %multiple_of3A : i32 to vector<1x256xi32>
    %sub3A_65 = arith.subi %get3A_63, %sub3A_64 : vector<1x256xi32>
    %iota3A_66 = tpu.iota {dimensions = array<i32: 0>} : vector<264x256xi32>
    %eq3A_67 = vector.broadcast %sub3A_65 : vector<1x256xi32> to vector<264x256xi32>
    %eq3A_68 = arith.cmpi eq, %iota3A_66, %eq3A_67 : vector<264x256xi32>
    %convert_element_type3A_69 = arith.extui %eq3A_68 : vector<264x256xi1> to vector<264x256xi32>
    %convert_element_type3A_70 = arith.sitofp %convert_element_type3A_69 : vector<264x256xi32> to vector<264x256xf32>
    %dot_general3A_71 = arith.constant dense<0.000000e+00> : vector<264x256xf32>
    %dot_general3A_72 = tpu.matmul %convert_element_type3A_70, %concatenate3A_58, %dot_general3A_71 {dimension_numbers = #tpu.dot_dimension_numbers<[1], [0], [0], [1], [0, 0, 1, 1], [], []>, transpose_lhs_hint = false} : vector<264x256xf32>, vector<256x256xf32>, vector<264x256xf32> -> vector<264x256xf32>
    %get3A_73 = arith.index_cast %multiple_of3A : i32 to index
    %get3A_74 = arith.constant 0 : index
    %get3A_75 = vector.load %arg7[%get3A_73, %get3A_74] : memref<10264x256xf32, #tpu.memory_space<vmem>>, vector<264x256xf32>
    %add3A_76 = arith.addf %get3A_75, %dot_general3A_72 : vector<264x256xf32>
    %swap3A = arith.index_cast %multiple_of3A : i32 to index
    %swap3A_77 = arith.constant 0 : index
    %swap3A_78 = vector.load %arg7[%swap3A, %swap3A_77] : memref<10264x256xf32, #tpu.memory_space<vmem>>, vector<264x256xf32>
    tpu.vector_store %arg7[%swap3A, %swap3A_77], %add3A_76 {strides = array<i32>} : memref<10264x256xf32, #tpu.memory_space<vmem>>, vector<264x256xf32>,
    %mul3A_79 = arith.constant 6 : i32
    %mul3A_80 = arith.muli %arg0, %mul3A_79 : i32
    %add3A_81 = arith.constant 1 : i32
    %add3A_82 = arith.addi %mul3A_80, %add3A_81 : i32
    %get3A_83 = arith.index_cast %add3A_82 : i32 to index
    %get3A_84 = memref.load %arg1[%get3A_83] : memref<1290xi32, #tpu.memory_space<smem>>
    %multiple_of3A_85 = tpu.assume_multiple %get3A_84, 8 : i32
    %get3A_86 = arith.index_cast %multiple_of3A_85 : i32 to index
    %get3A_87 = arith.constant 0 : index
    %get3A_88 = vector.load %arg3[%get3A_86, %get3A_87] : memref<10264x128xf32, #tpu.memory_space<vmem>>, vector<264x128xf32>
    %get3A_89 = arith.constant 1 : index
    %get3A_90 = arith.constant 0 : index
    %get3A_91 = arith.constant 0 : index
    %get3A_92 = vector.load %arg5[%get3A_89, %get3A_90, %get3A_91] : memref<6x256x1xi32, #tpu.memory_space<vmem>>, vector<1x256x1xi32>
    %get3A_93 = vector.shape_cast %get3A_92 : vector<1x256x1xi32> to vector<256x1xi32>
    %sub3A_94 = vector.broadcast %multiple_of3A_85 : i32 to vector<256x1xi32>
    %sub3A_95 = arith.subi %get3A_93, %sub3A_94 : vector<256x1xi32>
    %iota3A_96 = tpu.iota {dimensions = array<i32: 1>} : vector<256x264xi32>
    %eq3A_97 = vector.broadcast %sub3A_95 : vector<256x1xi32> to vector<256x264xi32>
    %eq3A_98 = arith.cmpi eq, %iota3A_96, %eq3A_97 : vector<256x264xi32>
    %convert_element_type3A_99 = arith.extui %eq3A_98 : vector<256x264xi1> to vector<256x264xi32>
    %convert_element_type3A_100 = arith.sitofp %convert_element_type3A_99 : vector<256x264xi32> to vector<256x264xf32>
    %dot_general3A_101 = arith.constant dense<0.000000e+00> : vector<256x128xf32>
    %dot_general3A_102 = tpu.matmul %convert_element_type3A_100, %get3A_88, %dot_general3A_101 {dimension_numbers = #tpu.dot_dimension_numbers<[1], [0], [0], [1], [0, 0, 1, 1], [], []>, transpose_lhs_hint = false} : vector<256x264xf32>, vector<264x128xf32>, vector<256x128xf32> -> vector<256x128xf32>
    %get3A_103 = arith.constant 256 : index
    %get3A_104 = arith.constant 0 : index
    %get3A_105 = vector.load %arg2[%get3A_103, %get3A_104] : memref<1536x128xf32, #tpu.memory_space<vmem>>, vector<256x128xf32>
    %add3A_106 = arith.addf %get3A_105, %dot_general3A_102 : vector<256x128xf32>
    %ge3A_107 = arith.constant 0.000000e+00 : f32
    %ge3A_108 = vector.broadcast %ge3A_107 : f32 to vector<256x128xf32>
    %ge3A_109 = arith.cmpf oge, %add3A_106, %ge3A_108 : vector<256x128xf32>
    %mul3A_110 = arith.constant 2.000000e-01 : f32
    %mul3A_111 = vector.broadcast %mul3A_110 : f32 to vector<256x128xf32>
    %mul3A_112 = arith.mulf %mul3A_111, %add3A_106 : vector<256x128xf32>
    %select_n3A_113 = arith.select %ge3A_109, %add3A_106, %mul3A_112 : vector<256x128xi1>, vector<256x128xf32>
    %get3A_114 = arith.constant 0 : index
    %get3A_115 = arith.constant 0 : index
    %get3A_116 = vector.load %arg6[%get3A_114, %get3A_115] : memref<1x128xf32, #tpu.memory_space<vmem>>, vector<1x128xf32>
    %mul3A_117 = vector.broadcast %get3A_116 : vector<1x128xf32> to vector<256x128xf32>
    %mul3A_118 = arith.mulf %select_n3A_113, %mul3A_117 : vector<256x128xf32>
    %mul3A_119 = arith.constant 256 : i32
    %mul3A_120 = arith.muli %add3A_82, %mul3A_119 : i32
    %iota3A_121 = tpu.iota {dimensions = array<i32: 0>} : vector<256x1xi32>
    %add3A_122 = vector.broadcast %mul3A_120 : i32 to vector<256x1xi32>
    %add3A_123 = arith.addi %add3A_122, %iota3A_121 : vector<256x1xi32>
    %lt3A_124 = arith.constant 330000 : i32
    %lt3A_125 = vector.broadcast %lt3A_124 : i32 to vector<256x1xi32>
    %lt3A_126 = arith.cmpi slt, %add3A_123, %lt3A_125 : vector<256x1xi32>
    %convert_element_type3A_127 = arith.extui %lt3A_126 : vector<256x1xi1> to vector<256x1xi32>
    %convert_element_type3A_128 = arith.sitofp %convert_element_type3A_127 : vector<256x1xi32> to vector<256x1xf32>
    %slice3A_129 = vector.extract_strided_slice %mul3A_118 {offsets = [0, 0], sizes = [256, 64], strides = [1, 1]} : vector<256x128xf32> to vector<256x64xf32>
    %reduce_sum3A_130 = arith.constant dense<0.000000e+00> : vector<256xf32>
    %reduce_sum3A_131 = vector.multi_reduction <add>, %slice3A_129, %reduce_sum3A_130 [1] : vector<256x64xf32> to vector<256xf32>
    %broadcast_in_dim3A_132 = vector.shape_cast %reduce_sum3A_131 : vector<256xf32> to vector<256x1xf32>
    %exp3A_133 = math.exp %broadcast_in_dim3A_132 : vector<256x1xf32>
    %mul3A_134 = arith.mulf %exp3A_133, %convert_element_type3A_128 : vector<256x1xf32>
    %slice3A_135 = vector.extract_strided_slice %mul3A_118 {offsets = [0, 64], sizes = [256, 64], strides = [1, 1]} : vector<256x128xf32> to vector<256x64xf32>
    %reduce_sum3A_136 = arith.constant dense<0.000000e+00> : vector<256xf32>
    %reduce_sum3A_137 = vector.multi_reduction <add>, %slice3A_135, %reduce_sum3A_136 [1] : vector<256x64xf32> to vector<256xf32>
    %broadcast_in_dim3A_138 = vector.shape_cast %reduce_sum3A_137 : vector<256xf32> to vector<256x1xf32>
    %exp3A_139 = math.exp %broadcast_in_dim3A_138 : vector<256x1xf32>
    %mul3A_140 = arith.mulf %exp3A_139, %convert_element_type3A_128 : vector<256x1xf32>
    %broadcast_in_dim3A_141 = vector.shape_cast %mul3A_134 : vector<256x1xf32> to vector<256x1xf32>
    %broadcast_in_dim3A_142 = vector.broadcast %broadcast_in_dim3A_141 : vector<256x1xf32> to vector<256x64xf32>
    %broadcast_in_dim3A_143 = vector.shape_cast %mul3A_140 : vector<256x1xf32> to vector<256x1xf32>
    %broadcast_in_dim3A_144 = vector.broadcast %broadcast_in_dim3A_143 : vector<256x1xf32> to vector<256x64xf32>
    %concatenate3A_145 = tpu.concatenate %broadcast_in_dim3A_142, %broadcast_in_dim3A_144 in 1 : vector<256x64xf32>, vector<256x64xf32> -> vector<256x128xf32>
    %broadcast_in_dim3A_146 = arith.constant 0.000000e+00 : f32
    %broadcast_in_dim3A_147 = vector.broadcast %broadcast_in_dim3A_146 : f32 to vector<256x126xf32>
    %concatenate3A_148 = tpu.concatenate %mul3A_134, %mul3A_140, %broadcast_in_dim3A_147 in 1 : vector<256x1xf32>, vector<256x1xf32>, vector<256x126xf32> -> vector<256x128xf32>
    %mul3A_149 = arith.mulf %get3A_105, %concatenate3A_145 : vector<256x128xf32>
    %concatenate3A_150 = tpu.concatenate %mul3A_149, %concatenate3A_148 in 1 : vector<256x128xf32>, vector<256x128xf32> -> vector<256x256xf32>
    %get3A_151 = arith.constant 0 : index
    %get3A_152 = arith.constant 0 : index
    %get3A_153 = arith.constant 256 : index
    %get3A_154 = vector.load %arg4[%get3A_151, %get3A_152, %get3A_153] : memref<1x1x1536xi32, #tpu.memory_space<vmem>>, vector<1x1x256xi32>
    %get3A_155 = vector.shape_cast %get3A_154 : vector<1x1x256xi32> to vector<1x256xi32>
    %sub3A_156 = vector.broadcast %multiple_of3A_85 : i32 to vector<1x256xi32>
    %sub3A_157 = arith.subi %get3A_155, %sub3A_156 : vector<1x256xi32>
    %iota3A_158 = tpu.iota {dimensions = array<i32: 0>} : vector<264x256xi32>
    %eq3A_159 = vector.broadcast %sub3A_157 : vector<1x256xi32> to vector<264x256xi32>
    %eq3A_160 = arith.cmpi eq, %iota3A_158, %eq3A_159 : vector<264x256xi32>
    %convert_element_type3A_161 = arith.extui %eq3A_160 : vector<264x256xi1> to vector<264x256xi32>
    %convert_element_type3A_162 = arith.sitofp %convert_element_type3A_161 : vector<264x256xi32> to vector<264x256xf32>
    %dot_general3A_163 = arith.constant dense<0.000000e+00> : vector<264x256xf32>
    %dot_general3A_164 = tpu.matmul %convert_element_type3A_162, %concatenate3A_150, %dot_general3A_163 {dimension_numbers = #tpu.dot_dimension_numbers<[1], [0], [0], [1], [0, 0, 1, 1], [], []>, transpose_lhs_hint = false} : vector<264x256xf32>, vector<256x256xf32>, vector<264x256xf32> -> vector<264x256xf32>
    %get3A_165 = arith.index_cast %multiple_of3A_85 : i32 to index
    %get3A_166 = arith.constant 0 : index
    %get3A_167 = vector.load %arg7[%get3A_165, %get3A_166] : memref<10264x256xf32, #tpu.memory_space<vmem>>, vector<264x256xf32>
    %add3A_168 = arith.addf %get3A_167, %dot_general3A_164 : vector<264x256xf32>
    %swap3A_169 = arith.index_cast %multiple_of3A_85 : i32 to index
    %swap3A_170 = arith.constant 0 : index
    %swap3A_171 = vector.load %arg7[%swap3A_169, %swap3A_170] : memref<10264x256xf32, #tpu.memory_space<vmem>>, vector<264x256xf32>
    tpu.vector_store %arg7[%swap3A_169, %swap3A_170], %add3A_168 {strides = array<i32>} : memref<10264x256xf32, #tpu.memory_space<vmem>>, vector<264x256xf32>,
    %mul3A_172 = arith.constant 6 : i32
    %mul3A_173 = arith.muli %arg0, %mul3A_172 : i32
    %add3A_174 = arith.constant 2 : i32
    %add3A_175 = arith.addi %mul3A_173, %add3A_174 : i32
    %get3A_176 = arith.index_cast %add3A_175 : i32 to index
    %get3A_177 = memref.load %arg1[%get3A_176] : memref<1290xi32, #tpu.memory_space<smem>>
    %multiple_of3A_178 = tpu.assume_multiple %get3A_177, 8 : i32
    %get3A_179 = arith.index_cast %multiple_of3A_178 : i32 to index
    %get3A_180 = arith.constant 0 : index
    %get3A_181 = vector.load %arg3[%get3A_179, %get3A_180] : memref<10264x128xf32, #tpu.memory_space<vmem>>, vector<264x128xf32>
    %get3A_182 = arith.constant 2 : index
    %get3A_183 = arith.constant 0 : index
    %get3A_184 = arith.constant 0 : index
    %get3A_185 = vector.load %arg5[%get3A_182, %get3A_183, %get3A_184] : memref<6x256x1xi32, #tpu.memory_space<vmem>>, vector<1x256x1xi32>
    %get3A_186 = vector.shape_cast %get3A_185 : vector<1x256x1xi32> to vector<256x1xi32>
    %sub3A_187 = vector.broadcast %multiple_of3A_178 : i32 to vector<256x1xi32>
    %sub3A_188 = arith.subi %get3A_186, %sub3A_187 : vector<256x1xi32>
    %iota3A_189 = tpu.iota {dimensions = array<i32: 1>} : vector<256x264xi32>
    %eq3A_190 = vector.broadcast %sub3A_188 : vector<256x1xi32> to vector<256x264xi32>
    %eq3A_191 = arith.cmpi eq, %iota3A_189, %eq3A_190 : vector<256x264xi32>
    %convert_element_type3A_192 = arith.extui %eq3A_191 : vector<256x264xi1> to vector<256x264xi32>
    %convert_element_type3A_193 = arith.sitofp %convert_element_type3A_192 : vector<256x264xi32> to vector<256x264xf32>
    %dot_general3A_194 = arith.constant dense<0.000000e+00> : vector<256x128xf32>
    %dot_general3A_195 = tpu.matmul %convert_element_type3A_193, %get3A_181, %dot_general3A_194 {dimension_numbers = #tpu.dot_dimension_numbers<[1], [0], [0], [1], [0, 0, 1, 1], [], []>, transpose_lhs_hint = false} : vector<256x264xf32>, vector<264x128xf32>, vector<256x128xf32> -> vector<256x128xf32>
    %get3A_196 = arith.constant 512 : index
    %get3A_197 = arith.constant 0 : index
    %get3A_198 = vector.load %arg2[%get3A_196, %get3A_197] : memref<1536x128xf32, #tpu.memory_space<vmem>>, vector<256x128xf32>
    %add3A_199 = arith.addf %get3A_198, %dot_general3A_195 : vector<256x128xf32>
    %ge3A_200 = arith.constant 0.000000e+00 : f32
    %ge3A_201 = vector.broadcast %ge3A_200 : f32 to vector<256x128xf32>
    %ge3A_202 = arith.cmpf oge, %add3A_199, %ge3A_201 : vector<256x128xf32>
    %mul3A_203 = arith.constant 2.000000e-01 : f32
    %mul3A_204 = vector.broadcast %mul3A_203 : f32 to vector<256x128xf32>
    %mul3A_205 = arith.mulf %mul3A_204, %add3A_199 : vector<256x128xf32>
    %select_n3A_206 = arith.select %ge3A_202, %add3A_199, %mul3A_205 : vector<256x128xi1>, vector<256x128xf32>
    %get3A_207 = arith.constant 0 : index
    %get3A_208 = arith.constant 0 : index
    %get3A_209 = vector.load %arg6[%get3A_207, %get3A_208] : memref<1x128xf32, #tpu.memory_space<vmem>>, vector<1x128xf32>
    %mul3A_210 = vector.broadcast %get3A_209 : vector<1x128xf32> to vector<256x128xf32>
    %mul3A_211 = arith.mulf %select_n3A_206, %mul3A_210 : vector<256x128xf32>
    %mul3A_212 = arith.constant 256 : i32
    %mul3A_213 = arith.muli %add3A_175, %mul3A_212 : i32
    %iota3A_214 = tpu.iota {dimensions = array<i32: 0>} : vector<256x1xi32>
    %add3A_215 = vector.broadcast %mul3A_213 : i32 to vector<256x1xi32>
    %add3A_216 = arith.addi %add3A_215, %iota3A_214 : vector<256x1xi32>
    %lt3A_217 = arith.constant 330000 : i32
    %lt3A_218 = vector.broadcast %lt3A_217 : i32 to vector<256x1xi32>
    %lt3A_219 = arith.cmpi slt, %add3A_216, %lt3A_218 : vector<256x1xi32>
    %convert_element_type3A_220 = arith.extui %lt3A_219 : vector<256x1xi1> to vector<256x1xi32>
    %convert_element_type3A_221 = arith.sitofp %convert_element_type3A_220 : vector<256x1xi32> to vector<256x1xf32>
    %slice3A_222 = vector.extract_strided_slice %mul3A_211 {offsets = [0, 0], sizes = [256, 64], strides = [1, 1]} : vector<256x128xf32> to vector<256x64xf32>
    %reduce_sum3A_223 = arith.constant dense<0.000000e+00> : vector<256xf32>
    %reduce_sum3A_224 = vector.multi_reduction <add>, %slice3A_222, %reduce_sum3A_223 [1] : vector<256x64xf32> to vector<256xf32>
    %broadcast_in_dim3A_225 = vector.shape_cast %reduce_sum3A_224 : vector<256xf32> to vector<256x1xf32>
    %exp3A_226 = math.exp %broadcast_in_dim3A_225 : vector<256x1xf32>
    %mul3A_227 = arith.mulf %exp3A_226, %convert_element_type3A_221 : vector<256x1xf32>
    %slice3A_228 = vector.extract_strided_slice %mul3A_211 {offsets = [0, 64], sizes = [256, 64], strides = [1, 1]} : vector<256x128xf32> to vector<256x64xf32>
    %reduce_sum3A_229 = arith.constant dense<0.000000e+00> : vector<256xf32>
    %reduce_sum3A_230 = vector.multi_reduction <add>, %slice3A_228, %reduce_sum3A_229 [1] : vector<256x64xf32> to vector<256xf32>
    %broadcast_in_dim3A_231 = vector.shape_cast %reduce_sum3A_230 : vector<256xf32> to vector<256x1xf32>
    %exp3A_232 = math.exp %broadcast_in_dim3A_231 : vector<256x1xf32>
    %mul3A_233 = arith.mulf %exp3A_232, %convert_element_type3A_221 : vector<256x1xf32>
    %broadcast_in_dim3A_234 = vector.shape_cast %mul3A_227 : vector<256x1xf32> to vector<256x1xf32>
    %broadcast_in_dim3A_235 = vector.broadcast %broadcast_in_dim3A_234 : vector<256x1xf32> to vector<256x64xf32>
    %broadcast_in_dim3A_236 = vector.shape_cast %mul3A_233 : vector<256x1xf32> to vector<256x1xf32>
    %broadcast_in_dim3A_237 = vector.broadcast %broadcast_in_dim3A_236 : vector<256x1xf32> to vector<256x64xf32>
    %concatenate3A_238 = tpu.concatenate %broadcast_in_dim3A_235, %broadcast_in_dim3A_237 in 1 : vector<256x64xf32>, vector<256x64xf32> -> vector<256x128xf32>
    %broadcast_in_dim3A_239 = arith.constant 0.000000e+00 : f32
    %broadcast_in_dim3A_240 = vector.broadcast %broadcast_in_dim3A_239 : f32 to vector<256x126xf32>
    %concatenate3A_241 = tpu.concatenate %mul3A_227, %mul3A_233, %broadcast_in_dim3A_240 in 1 : vector<256x1xf32>, vector<256x1xf32>, vector<256x126xf32> -> vector<256x128xf32>
    %mul3A_242 = arith.mulf %get3A_198, %concatenate3A_238 : vector<256x128xf32>
    %concatenate3A_243 = tpu.concatenate %mul3A_242, %concatenate3A_241 in 1 : vector<256x128xf32>, vector<256x128xf32> -> vector<256x256xf32>
    %get3A_244 = arith.constant 0 : index
    %get3A_245 = arith.constant 0 : index
    %get3A_246 = arith.constant 512 : index
    %get3A_247 = vector.load %arg4[%get3A_244, %get3A_245, %get3A_246] : memref<1x1x1536xi32, #tpu.memory_space<vmem>>, vector<1x1x256xi32>
    %get3A_248 = vector.shape_cast %get3A_247 : vector<1x1x256xi32> to vector<1x256xi32>
    %sub3A_249 = vector.broadcast %multiple_of3A_178 : i32 to vector<1x256xi32>
    %sub3A_250 = arith.subi %get3A_248, %sub3A_249 : vector<1x256xi32>
    %iota3A_251 = tpu.iota {dimensions = array<i32: 0>} : vector<264x256xi32>
    %eq3A_252 = vector.broadcast %sub3A_250 : vector<1x256xi32> to vector<264x256xi32>
    %eq3A_253 = arith.cmpi eq, %iota3A_251, %eq3A_252 : vector<264x256xi32>
    %convert_element_type3A_254 = arith.extui %eq3A_253 : vector<264x256xi1> to vector<264x256xi32>
    %convert_element_type3A_255 = arith.sitofp %convert_element_type3A_254 : vector<264x256xi32> to vector<264x256xf32>
    %dot_general3A_256 = arith.constant dense<0.000000e+00> : vector<264x256xf32>
    %dot_general3A_257 = tpu.matmul %convert_element_type3A_255, %concatenate3A_243, %dot_general3A_256 {dimension_numbers = #tpu.dot_dimension_numbers<[1], [0], [0], [1], [0, 0, 1, 1], [], []>, transpose_lhs_hint = false} : vector<264x256xf32>, vector<256x256xf32>, vector<264x256xf32> -> vector<264x256xf32>
    %get3A_258 = arith.index_cast %multiple_of3A_178 : i32 to index
    %get3A_259 = arith.constant 0 : index
    %get3A_260 = vector.load %arg7[%get3A_258, %get3A_259] : memref<10264x256xf32, #tpu.memory_space<vmem>>, vector<264x256xf32>
    %add3A_261 = arith.addf %get3A_260, %dot_general3A_257 : vector<264x256xf32>
    %swap3A_262 = arith.index_cast %multiple_of3A_178 : i32 to index
    %swap3A_263 = arith.constant 0 : index
    %swap3A_264 = vector.load %arg7[%swap3A_262, %swap3A_263] : memref<10264x256xf32, #tpu.memory_space<vmem>>, vector<264x256xf32>
    tpu.vector_store %arg7[%swap3A_262, %swap3A_263], %add3A_261 {strides = array<i32>} : memref<10264x256xf32, #tpu.memory_space<vmem>>, vector<264x256xf32>,
    %mul3A_265 = arith.constant 6 : i32
    %mul3A_266 = arith.muli %arg0, %mul3A_265 : i32
    %add3A_267 = arith.constant 3 : i32
    %add3A_268 = arith.addi %mul3A_266, %add3A_267 : i32
    %get3A_269 = arith.index_cast %add3A_268 : i32 to index
    %get3A_270 = memref.load %arg1[%get3A_269] : memref<1290xi32, #tpu.memory_space<smem>>
    %multiple_of3A_271 = tpu.assume_multiple %get3A_270, 8 : i32
    %get3A_272 = arith.index_cast %multiple_of3A_271 : i32 to index
    %get3A_273 = arith.constant 0 : index
    %get3A_274 = vector.load %arg3[%get3A_272, %get3A_273] : memref<10264x128xf32, #tpu.memory_space<vmem>>, vector<264x128xf32>
    %get3A_275 = arith.constant 3 : index
    %get3A_276 = arith.constant 0 : index
    %get3A_277 = arith.constant 0 : index
    %get3A_278 = vector.load %arg5[%get3A_275, %get3A_276, %get3A_277] : memref<6x256x1xi32, #tpu.memory_space<vmem>>, vector<1x256x1xi32>
    %get3A_279 = vector.shape_cast %get3A_278 : vector<1x256x1xi32> to vector<256x1xi32>
    %sub3A_280 = vector.broadcast %multiple_of3A_271 : i32 to vector<256x1xi32>
    %sub3A_281 = arith.subi %get3A_279, %sub3A_280 : vector<256x1xi32>
    %iota3A_282 = tpu.iota {dimensions = array<i32: 1>} : vector<256x264xi32>
    %eq3A_283 = vector.broadcast %sub3A_281 : vector<256x1xi32> to vector<256x264xi32>
    %eq3A_284 = arith.cmpi eq, %iota3A_282, %eq3A_283 : vector<256x264xi32>
    %convert_element_type3A_285 = arith.extui %eq3A_284 : vector<256x264xi1> to vector<256x264xi32>
    %convert_element_type3A_286 = arith.sitofp %convert_element_type3A_285 : vector<256x264xi32> to vector<256x264xf32>
    %dot_general3A_287 = arith.constant dense<0.000000e+00> : vector<256x128xf32>
    %dot_general3A_288 = tpu.matmul %convert_element_type3A_286, %get3A_274, %dot_general3A_287 {dimension_numbers = #tpu.dot_dimension_numbers<[1], [0], [0], [1], [0, 0, 1, 1], [], []>, transpose_lhs_hint = false} : vector<256x264xf32>, vector<264x128xf32>, vector<256x128xf32> -> vector<256x128xf32>
    %get3A_289 = arith.constant 768 : index
    %get3A_290 = arith.constant 0 : index
    %get3A_291 = vector.load %arg2[%get3A_289, %get3A_290] : memref<1536x128xf32, #tpu.memory_space<vmem>>, vector<256x128xf32>
    %add3A_292 = arith.addf %get3A_291, %dot_general3A_288 : vector<256x128xf32>
    %ge3A_293 = arith.constant 0.000000e+00 : f32
    %ge3A_294 = vector.broadcast %ge3A_293 : f32 to vector<256x128xf32>
    %ge3A_295 = arith.cmpf oge, %add3A_292, %ge3A_294 : vector<256x128xf32>
    %mul3A_296 = arith.constant 2.000000e-01 : f32
    %mul3A_297 = vector.broadcast %mul3A_296 : f32 to vector<256x128xf32>
    %mul3A_298 = arith.mulf %mul3A_297, %add3A_292 : vector<256x128xf32>
    %select_n3A_299 = arith.select %ge3A_295, %add3A_292, %mul3A_298 : vector<256x128xi1>, vector<256x128xf32>
    %get3A_300 = arith.constant 0 : index
    %get3A_301 = arith.constant 0 : index
    %get3A_302 = vector.load %arg6[%get3A_300, %get3A_301] : memref<1x128xf32, #tpu.memory_space<vmem>>, vector<1x128xf32>
    %mul3A_303 = vector.broadcast %get3A_302 : vector<1x128xf32> to vector<256x128xf32>
    %mul3A_304 = arith.mulf %select_n3A_299, %mul3A_303 : vector<256x128xf32>
    %mul3A_305 = arith.constant 256 : i32
    %mul3A_306 = arith.muli %add3A_268, %mul3A_305 : i32
    %iota3A_307 = tpu.iota {dimensions = array<i32: 0>} : vector<256x1xi32>
    %add3A_308 = vector.broadcast %mul3A_306 : i32 to vector<256x1xi32>
    %add3A_309 = arith.addi %add3A_308, %iota3A_307 : vector<256x1xi32>
    %lt3A_310 = arith.constant 330000 : i32
    %lt3A_311 = vector.broadcast %lt3A_310 : i32 to vector<256x1xi32>
    %lt3A_312 = arith.cmpi slt, %add3A_309, %lt3A_311 : vector<256x1xi32>
    %convert_element_type3A_313 = arith.extui %lt3A_312 : vector<256x1xi1> to vector<256x1xi32>
    %convert_element_type3A_314 = arith.sitofp %convert_element_type3A_313 : vector<256x1xi32> to vector<256x1xf32>
    %slice3A_315 = vector.extract_strided_slice %mul3A_304 {offsets = [0, 0], sizes = [256, 64], strides = [1, 1]} : vector<256x128xf32> to vector<256x64xf32>
    %reduce_sum3A_316 = arith.constant dense<0.000000e+00> : vector<256xf32>
    %reduce_sum3A_317 = vector.multi_reduction <add>, %slice3A_315, %reduce_sum3A_316 [1] : vector<256x64xf32> to vector<256xf32>
    %broadcast_in_dim3A_318 = vector.shape_cast %reduce_sum3A_317 : vector<256xf32> to vector<256x1xf32>
    %exp3A_319 = math.exp %broadcast_in_dim3A_318 : vector<256x1xf32>
    %mul3A_320 = arith.mulf %exp3A_319, %convert_element_type3A_314 : vector<256x1xf32>
    %slice3A_321 = vector.extract_strided_slice %mul3A_304 {offsets = [0, 64], sizes = [256, 64], strides = [1, 1]} : vector<256x128xf32> to vector<256x64xf32>
    %reduce_sum3A_322 = arith.constant dense<0.000000e+00> : vector<256xf32>
    %reduce_sum3A_323 = vector.multi_reduction <add>, %slice3A_321, %reduce_sum3A_322 [1] : vector<256x64xf32> to vector<256xf32>
    %broadcast_in_dim3A_324 = vector.shape_cast %reduce_sum3A_323 : vector<256xf32> to vector<256x1xf32>
    %exp3A_325 = math.exp %broadcast_in_dim3A_324 : vector<256x1xf32>
    %mul3A_326 = arith.mulf %exp3A_325, %convert_element_type3A_314 : vector<256x1xf32>
    %broadcast_in_dim3A_327 = vector.shape_cast %mul3A_320 : vector<256x1xf32> to vector<256x1xf32>
    %broadcast_in_dim3A_328 = vector.broadcast %broadcast_in_dim3A_327 : vector<256x1xf32> to vector<256x64xf32>
    %broadcast_in_dim3A_329 = vector.shape_cast %mul3A_326 : vector<256x1xf32> to vector<256x1xf32>
    %broadcast_in_dim3A_330 = vector.broadcast %broadcast_in_dim3A_329 : vector<256x1xf32> to vector<256x64xf32>
    %concatenate3A_331 = tpu.concatenate %broadcast_in_dim3A_328, %broadcast_in_dim3A_330 in 1 : vector<256x64xf32>, vector<256x64xf32> -> vector<256x128xf32>
    %broadcast_in_dim3A_332 = arith.constant 0.000000e+00 : f32
    %broadcast_in_dim3A_333 = vector.broadcast %broadcast_in_dim3A_332 : f32 to vector<256x126xf32>
    %concatenate3A_334 = tpu.concatenate %mul3A_320, %mul3A_326, %broadcast_in_dim3A_333 in 1 : vector<256x1xf32>, vector<256x1xf32>, vector<256x126xf32> -> vector<256x128xf32>
    %mul3A_335 = arith.mulf %get3A_291, %concatenate3A_331 : vector<256x128xf32>
    %concatenate3A_336 = tpu.concatenate %mul3A_335, %concatenate3A_334 in 1 : vector<256x128xf32>, vector<256x128xf32> -> vector<256x256xf32>
    %get3A_337 = arith.constant 0 : index
    %get3A_338 = arith.constant 0 : index
    %get3A_339 = arith.constant 768 : index
    %get3A_340 = vector.load %arg4[%get3A_337, %get3A_338, %get3A_339] : memref<1x1x1536xi32, #tpu.memory_space<vmem>>, vector<1x1x256xi32>
    %get3A_341 = vector.shape_cast %get3A_340 : vector<1x1x256xi32> to vector<1x256xi32>
    %sub3A_342 = vector.broadcast %multiple_of3A_271 : i32 to vector<1x256xi32>
    %sub3A_343 = arith.subi %get3A_341, %sub3A_342 : vector<1x256xi32>
    %iota3A_344 = tpu.iota {dimensions = array<i32: 0>} : vector<264x256xi32>
    %eq3A_345 = vector.broadcast %sub3A_343 : vector<1x256xi32> to vector<264x256xi32>
    %eq3A_346 = arith.cmpi eq, %iota3A_344, %eq3A_345 : vector<264x256xi32>
    %convert_element_type3A_347 = arith.extui %eq3A_346 : vector<264x256xi1> to vector<264x256xi32>
    %convert_element_type3A_348 = arith.sitofp %convert_element_type3A_347 : vector<264x256xi32> to vector<264x256xf32>
    %dot_general3A_349 = arith.constant dense<0.000000e+00> : vector<264x256xf32>
    %dot_general3A_350 = tpu.matmul %convert_element_type3A_348, %concatenate3A_336, %dot_general3A_349 {dimension_numbers = #tpu.dot_dimension_numbers<[1], [0], [0], [1], [0, 0, 1, 1], [], []>, transpose_lhs_hint = false} : vector<264x256xf32>, vector<256x256xf32>, vector<264x256xf32> -> vector<264x256xf32>
    %get3A_351 = arith.index_cast %multiple_of3A_271 : i32 to index
    %get3A_352 = arith.constant 0 : index
    %get3A_353 = vector.load %arg7[%get3A_351, %get3A_352] : memref<10264x256xf32, #tpu.memory_space<vmem>>, vector<264x256xf32>
    %add3A_354 = arith.addf %get3A_353, %dot_general3A_350 : vector<264x256xf32>
    %swap3A_355 = arith.index_cast %multiple_of3A_271 : i32 to index
    %swap3A_356 = arith.constant 0 : index
    %swap3A_357 = vector.load %arg7[%swap3A_355, %swap3A_356] : memref<10264x256xf32, #tpu.memory_space<vmem>>, vector<264x256xf32>
    tpu.vector_store %arg7[%swap3A_355, %swap3A_356], %add3A_354 {strides = array<i32>} : memref<10264x256xf32, #tpu.memory_space<vmem>>, vector<264x256xf32>,
    %mul3A_358 = arith.constant 6 : i32
    %mul3A_359 = arith.muli %arg0, %mul3A_358 : i32
    %add3A_360 = arith.constant 4 : i32
    %add3A_361 = arith.addi %mul3A_359, %add3A_360 : i32
    %get3A_362 = arith.index_cast %add3A_361 : i32 to index
    %get3A_363 = memref.load %arg1[%get3A_362] : memref<1290xi32, #tpu.memory_space<smem>>
    %multiple_of3A_364 = tpu.assume_multiple %get3A_363, 8 : i32
    %get3A_365 = arith.index_cast %multiple_of3A_364 : i32 to index
    %get3A_366 = arith.constant 0 : index
    %get3A_367 = vector.load %arg3[%get3A_365, %get3A_366] : memref<10264x128xf32, #tpu.memory_space<vmem>>, vector<264x128xf32>
    %get3A_368 = arith.constant 4 : index
    %get3A_369 = arith.constant 0 : index
    %get3A_370 = arith.constant 0 : index
    %get3A_371 = vector.load %arg5[%get3A_368, %get3A_369, %get3A_370] : memref<6x256x1xi32, #tpu.memory_space<vmem>>, vector<1x256x1xi32>
    %get3A_372 = vector.shape_cast %get3A_371 : vector<1x256x1xi32> to vector<256x1xi32>
    %sub3A_373 = vector.broadcast %multiple_of3A_364 : i32 to vector<256x1xi32>
    %sub3A_374 = arith.subi %get3A_372, %sub3A_373 : vector<256x1xi32>
    %iota3A_375 = tpu.iota {dimensions = array<i32: 1>} : vector<256x264xi32>
    %eq3A_376 = vector.broadcast %sub3A_374 : vector<256x1xi32> to vector<256x264xi32>
    %eq3A_377 = arith.cmpi eq, %iota3A_375, %eq3A_376 : vector<256x264xi32>
    %convert_element_type3A_378 = arith.extui %eq3A_377 : vector<256x264xi1> to vector<256x264xi32>
    %convert_element_type3A_379 = arith.sitofp %convert_element_type3A_378 : vector<256x264xi32> to vector<256x264xf32>
    %dot_general3A_380 = arith.constant dense<0.000000e+00> : vector<256x128xf32>
    %dot_general3A_381 = tpu.matmul %convert_element_type3A_379, %get3A_367, %dot_general3A_380 {dimension_numbers = #tpu.dot_dimension_numbers<[1], [0], [0], [1], [0, 0, 1, 1], [], []>, transpose_lhs_hint = false} : vector<256x264xf32>, vector<264x128xf32>, vector<256x128xf32> -> vector<256x128xf32>
    %get3A_382 = arith.constant 1024 : index
    %get3A_383 = arith.constant 0 : index
    %get3A_384 = vector.load %arg2[%get3A_382, %get3A_383] : memref<1536x128xf32, #tpu.memory_space<vmem>>, vector<256x128xf32>
    %add3A_385 = arith.addf %get3A_384, %dot_general3A_381 : vector<256x128xf32>
    %ge3A_386 = arith.constant 0.000000e+00 : f32
    %ge3A_387 = vector.broadcast %ge3A_386 : f32 to vector<256x128xf32>
    %ge3A_388 = arith.cmpf oge, %add3A_385, %ge3A_387 : vector<256x128xf32>
    %mul3A_389 = arith.constant 2.000000e-01 : f32
    %mul3A_390 = vector.broadcast %mul3A_389 : f32 to vector<256x128xf32>
    %mul3A_391 = arith.mulf %mul3A_390, %add3A_385 : vector<256x128xf32>
    %select_n3A_392 = arith.select %ge3A_388, %add3A_385, %mul3A_391 : vector<256x128xi1>, vector<256x128xf32>
    %get3A_393 = arith.constant 0 : index
    %get3A_394 = arith.constant 0 : index
    %get3A_395 = vector.load %arg6[%get3A_393, %get3A_394] : memref<1x128xf32, #tpu.memory_space<vmem>>, vector<1x128xf32>
    %mul3A_396 = vector.broadcast %get3A_395 : vector<1x128xf32> to vector<256x128xf32>
    %mul3A_397 = arith.mulf %select_n3A_392, %mul3A_396 : vector<256x128xf32>
    %mul3A_398 = arith.constant 256 : i32
    %mul3A_399 = arith.muli %add3A_361, %mul3A_398 : i32
    %iota3A_400 = tpu.iota {dimensions = array<i32: 0>} : vector<256x1xi32>
    %add3A_401 = vector.broadcast %mul3A_399 : i32 to vector<256x1xi32>
    %add3A_402 = arith.addi %add3A_401, %iota3A_400 : vector<256x1xi32>
    %lt3A_403 = arith.constant 330000 : i32
    %lt3A_404 = vector.broadcast %lt3A_403 : i32 to vector<256x1xi32>
    %lt3A_405 = arith.cmpi slt, %add3A_402, %lt3A_404 : vector<256x1xi32>
    %convert_element_type3A_406 = arith.extui %lt3A_405 : vector<256x1xi1> to vector<256x1xi32>
    %convert_element_type3A_407 = arith.sitofp %convert_element_type3A_406 : vector<256x1xi32> to vector<256x1xf32>
    %slice3A_408 = vector.extract_strided_slice %mul3A_397 {offsets = [0, 0], sizes = [256, 64], strides = [1, 1]} : vector<256x128xf32> to vector<256x64xf32>
    %reduce_sum3A_409 = arith.constant dense<0.000000e+00> : vector<256xf32>
    %reduce_sum3A_410 = vector.multi_reduction <add>, %slice3A_408, %reduce_sum3A_409 [1] : vector<256x64xf32> to vector<256xf32>
    %broadcast_in_dim3A_411 = vector.shape_cast %reduce_sum3A_410 : vector<256xf32> to vector<256x1xf32>
    %exp3A_412 = math.exp %broadcast_in_dim3A_411 : vector<256x1xf32>
    %mul3A_413 = arith.mulf %exp3A_412, %convert_element_type3A_407 : vector<256x1xf32>
    %slice3A_414 = vector.extract_strided_slice %mul3A_397 {offsets = [0, 64], sizes = [256, 64], strides = [1, 1]} : vector<256x128xf32> to vector<256x64xf32>
    %reduce_sum3A_415 = arith.constant dense<0.000000e+00> : vector<256xf32>
    %reduce_sum3A_416 = vector.multi_reduction <add>, %slice3A_414, %reduce_sum3A_415 [1] : vector<256x64xf32> to vector<256xf32>
    %broadcast_in_dim3A_417 = vector.shape_cast %reduce_sum3A_416 : vector<256xf32> to vector<256x1xf32>
    %exp3A_418 = math.exp %broadcast_in_dim3A_417 : vector<256x1xf32>
    %mul3A_419 = arith.mulf %exp3A_418, %convert_element_type3A_407 : vector<256x1xf32>
    %broadcast_in_dim3A_420 = vector.shape_cast %mul3A_413 : vector<256x1xf32> to vector<256x1xf32>
    %broadcast_in_dim3A_421 = vector.broadcast %broadcast_in_dim3A_420 : vector<256x1xf32> to vector<256x64xf32>
    %broadcast_in_dim3A_422 = vector.shape_cast %mul3A_419 : vector<256x1xf32> to vector<256x1xf32>
    %broadcast_in_dim3A_423 = vector.broadcast %broadcast_in_dim3A_422 : vector<256x1xf32> to vector<256x64xf32>
    %concatenate3A_424 = tpu.concatenate %broadcast_in_dim3A_421, %broadcast_in_dim3A_423 in 1 : vector<256x64xf32>, vector<256x64xf32> -> vector<256x128xf32>
    %broadcast_in_dim3A_425 = arith.constant 0.000000e+00 : f32
    %broadcast_in_dim3A_426 = vector.broadcast %broadcast_in_dim3A_425 : f32 to vector<256x126xf32>
    %concatenate3A_427 = tpu.concatenate %mul3A_413, %mul3A_419, %broadcast_in_dim3A_426 in 1 : vector<256x1xf32>, vector<256x1xf32>, vector<256x126xf32> -> vector<256x128xf32>
    %mul3A_428 = arith.mulf %get3A_384, %concatenate3A_424 : vector<256x128xf32>
    %concatenate3A_429 = tpu.concatenate %mul3A_428, %concatenate3A_427 in 1 : vector<256x128xf32>, vector<256x128xf32> -> vector<256x256xf32>
    %get3A_430 = arith.constant 0 : index
    %get3A_431 = arith.constant 0 : index
    %get3A_432 = arith.constant 1024 : index
    %get3A_433 = vector.load %arg4[%get3A_430, %get3A_431, %get3A_432] : memref<1x1x1536xi32, #tpu.memory_space<vmem>>, vector<1x1x256xi32>
    %get3A_434 = vector.shape_cast %get3A_433 : vector<1x1x256xi32> to vector<1x256xi32>
    %sub3A_435 = vector.broadcast %multiple_of3A_364 : i32 to vector<1x256xi32>
    %sub3A_436 = arith.subi %get3A_434, %sub3A_435 : vector<1x256xi32>
    %iota3A_437 = tpu.iota {dimensions = array<i32: 0>} : vector<264x256xi32>
    %eq3A_438 = vector.broadcast %sub3A_436 : vector<1x256xi32> to vector<264x256xi32>
    %eq3A_439 = arith.cmpi eq, %iota3A_437, %eq3A_438 : vector<264x256xi32>
    %convert_element_type3A_440 = arith.extui %eq3A_439 : vector<264x256xi1> to vector<264x256xi32>
    %convert_element_type3A_441 = arith.sitofp %convert_element_type3A_440 : vector<264x256xi32> to vector<264x256xf32>
    %dot_general3A_442 = arith.constant dense<0.000000e+00> : vector<264x256xf32>
    %dot_general3A_443 = tpu.matmul %convert_element_type3A_441, %concatenate3A_429, %dot_general3A_442 {dimension_numbers = #tpu.dot_dimension_numbers<[1], [0], [0], [1], [0, 0, 1, 1], [], []>, transpose_lhs_hint = false} : vector<264x256xf32>, vector<256x256xf32>, vector<264x256xf32> -> vector<264x256xf32>
    %get3A_444 = arith.index_cast %multiple_of3A_364 : i32 to index
    %get3A_445 = arith.constant 0 : index
    %get3A_446 = vector.load %arg7[%get3A_444, %get3A_445] : memref<10264x256xf32, #tpu.memory_space<vmem>>, vector<264x256xf32>
    %add3A_447 = arith.addf %get3A_446, %dot_general3A_443 : vector<264x256xf32>
    %swap3A_448 = arith.index_cast %multiple_of3A_364 : i32 to index
    %swap3A_449 = arith.constant 0 : index
    %swap3A_450 = vector.load %arg7[%swap3A_448, %swap3A_449] : memref<10264x256xf32, #tpu.memory_space<vmem>>, vector<264x256xf32>
    tpu.vector_store %arg7[%swap3A_448, %swap3A_449], %add3A_447 {strides = array<i32>} : memref<10264x256xf32, #tpu.memory_space<vmem>>, vector<264x256xf32>,
    %mul3A_451 = arith.constant 6 : i32
    %mul3A_452 = arith.muli %arg0, %mul3A_451 : i32
    %add3A_453 = arith.constant 5 : i32
    %add3A_454 = arith.addi %mul3A_452, %add3A_453 : i32
    %get3A_455 = arith.index_cast %add3A_454 : i32 to index
    %get3A_456 = memref.load %arg1[%get3A_455] : memref<1290xi32, #tpu.memory_space<smem>>
    %multiple_of3A_457 = tpu.assume_multiple %get3A_456, 8 : i32
    %get3A_458 = arith.index_cast %multiple_of3A_457 : i32 to index
    %get3A_459 = arith.constant 0 : index
    %get3A_460 = vector.load %arg3[%get3A_458, %get3A_459] : memref<10264x128xf32, #tpu.memory_space<vmem>>, vector<264x128xf32>
    %get3A_461 = arith.constant 5 : index
    %get3A_462 = arith.constant 0 : index
    %get3A_463 = arith.constant 0 : index
    %get3A_464 = vector.load %arg5[%get3A_461, %get3A_462, %get3A_463] : memref<6x256x1xi32, #tpu.memory_space<vmem>>, vector<1x256x1xi32>
    %get3A_465 = vector.shape_cast %get3A_464 : vector<1x256x1xi32> to vector<256x1xi32>
    %sub3A_466 = vector.broadcast %multiple_of3A_457 : i32 to vector<256x1xi32>
    %sub3A_467 = arith.subi %get3A_465, %sub3A_466 : vector<256x1xi32>
    %iota3A_468 = tpu.iota {dimensions = array<i32: 1>} : vector<256x264xi32>
    %eq3A_469 = vector.broadcast %sub3A_467 : vector<256x1xi32> to vector<256x264xi32>
    %eq3A_470 = arith.cmpi eq, %iota3A_468, %eq3A_469 : vector<256x264xi32>
    %convert_element_type3A_471 = arith.extui %eq3A_470 : vector<256x264xi1> to vector<256x264xi32>
    %convert_element_type3A_472 = arith.sitofp %convert_element_type3A_471 : vector<256x264xi32> to vector<256x264xf32>
    %dot_general3A_473 = arith.constant dense<0.000000e+00> : vector<256x128xf32>
    %dot_general3A_474 = tpu.matmul %convert_element_type3A_472, %get3A_460, %dot_general3A_473 {dimension_numbers = #tpu.dot_dimension_numbers<[1], [0], [0], [1], [0, 0, 1, 1], [], []>, transpose_lhs_hint = false} : vector<256x264xf32>, vector<264x128xf32>, vector<256x128xf32> -> vector<256x128xf32>
    %get3A_475 = arith.constant 1280 : index
    %get3A_476 = arith.constant 0 : index
    %get3A_477 = vector.load %arg2[%get3A_475, %get3A_476] : memref<1536x128xf32, #tpu.memory_space<vmem>>, vector<256x128xf32>
    %add3A_478 = arith.addf %get3A_477, %dot_general3A_474 : vector<256x128xf32>
    %ge3A_479 = arith.constant 0.000000e+00 : f32
    %ge3A_480 = vector.broadcast %ge3A_479 : f32 to vector<256x128xf32>
    %ge3A_481 = arith.cmpf oge, %add3A_478, %ge3A_480 : vector<256x128xf32>
    %mul3A_482 = arith.constant 2.000000e-01 : f32
    %mul3A_483 = vector.broadcast %mul3A_482 : f32 to vector<256x128xf32>
    %mul3A_484 = arith.mulf %mul3A_483, %add3A_478 : vector<256x128xf32>
    %select_n3A_485 = arith.select %ge3A_481, %add3A_478, %mul3A_484 : vector<256x128xi1>, vector<256x128xf32>
    %get3A_486 = arith.constant 0 : index
    %get3A_487 = arith.constant 0 : index
    %get3A_488 = vector.load %arg6[%get3A_486, %get3A_487] : memref<1x128xf32, #tpu.memory_space<vmem>>, vector<1x128xf32>
    %mul3A_489 = vector.broadcast %get3A_488 : vector<1x128xf32> to vector<256x128xf32>
    %mul3A_490 = arith.mulf %select_n3A_485, %mul3A_489 : vector<256x128xf32>
    %mul3A_491 = arith.constant 256 : i32
    %mul3A_492 = arith.muli %add3A_454, %mul3A_491 : i32
    %iota3A_493 = tpu.iota {dimensions = array<i32: 0>} : vector<256x1xi32>
    %add3A_494 = vector.broadcast %mul3A_492 : i32 to vector<256x1xi32>
    %add3A_495 = arith.addi %add3A_494, %iota3A_493 : vector<256x1xi32>
    %lt3A_496 = arith.constant 330000 : i32
    %lt3A_497 = vector.broadcast %lt3A_496 : i32 to vector<256x1xi32>
    %lt3A_498 = arith.cmpi slt, %add3A_495, %lt3A_497 : vector<256x1xi32>
    %convert_element_type3A_499 = arith.extui %lt3A_498 : vector<256x1xi1> to vector<256x1xi32>
    %convert_element_type3A_500 = arith.sitofp %convert_element_type3A_499 : vector<256x1xi32> to vector<256x1xf32>
    %slice3A_501 = vector.extract_strided_slice %mul3A_490 {offsets = [0, 0], sizes = [256, 64], strides = [1, 1]} : vector<256x128xf32> to vector<256x64xf32>
    %reduce_sum3A_502 = arith.constant dense<0.000000e+00> : vector<256xf32>
    %reduce_sum3A_503 = vector.multi_reduction <add>, %slice3A_501, %reduce_sum3A_502 [1] : vector<256x64xf32> to vector<256xf32>
    %broadcast_in_dim3A_504 = vector.shape_cast %reduce_sum3A_503 : vector<256xf32> to vector<256x1xf32>
    %exp3A_505 = math.exp %broadcast_in_dim3A_504 : vector<256x1xf32>
    %mul3A_506 = arith.mulf %exp3A_505, %convert_element_type3A_500 : vector<256x1xf32>
    %slice3A_507 = vector.extract_strided_slice %mul3A_490 {offsets = [0, 64], sizes = [256, 64], strides = [1, 1]} : vector<256x128xf32> to vector<256x64xf32>
    %reduce_sum3A_508 = arith.constant dense<0.000000e+00> : vector<256xf32>
    %reduce_sum3A_509 = vector.multi_reduction <add>, %slice3A_507, %reduce_sum3A_508 [1] : vector<256x64xf32> to vector<256xf32>
    %broadcast_in_dim3A_510 = vector.shape_cast %reduce_sum3A_509 : vector<256xf32> to vector<256x1xf32>
    %exp3A_511 = math.exp %broadcast_in_dim3A_510 : vector<256x1xf32>
    %mul3A_512 = arith.mulf %exp3A_511, %convert_element_type3A_500 : vector<256x1xf32>
    %broadcast_in_dim3A_513 = vector.shape_cast %mul3A_506 : vector<256x1xf32> to vector<256x1xf32>
    %broadcast_in_dim3A_514 = vector.broadcast %broadcast_in_dim3A_513 : vector<256x1xf32> to vector<256x64xf32>
    %broadcast_in_dim3A_515 = vector.shape_cast %mul3A_512 : vector<256x1xf32> to vector<256x1xf32>
    %broadcast_in_dim3A_516 = vector.broadcast %broadcast_in_dim3A_515 : vector<256x1xf32> to vector<256x64xf32>
    %concatenate3A_517 = tpu.concatenate %broadcast_in_dim3A_514, %broadcast_in_dim3A_516 in 1 : vector<256x64xf32>, vector<256x64xf32> -> vector<256x128xf32>
    %broadcast_in_dim3A_518 = arith.constant 0.000000e+00 : f32
    %broadcast_in_dim3A_519 = vector.broadcast %broadcast_in_dim3A_518 : f32 to vector<256x126xf32>
    %concatenate3A_520 = tpu.concatenate %mul3A_506, %mul3A_512, %broadcast_in_dim3A_519 in 1 : vector<256x1xf32>, vector<256x1xf32>, vector<256x126xf32> -> vector<256x128xf32>
    %mul3A_521 = arith.mulf %get3A_477, %concatenate3A_517 : vector<256x128xf32>
    %concatenate3A_522 = tpu.concatenate %mul3A_521, %concatenate3A_520 in 1 : vector<256x128xf32>, vector<256x128xf32> -> vector<256x256xf32>
    %get3A_523 = arith.constant 0 : index
    %get3A_524 = arith.constant 0 : index
    %get3A_525 = arith.constant 1280 : index
    %get3A_526 = vector.load %arg4[%get3A_523, %get3A_524, %get3A_525] : memref<1x1x1536xi32, #tpu.memory_space<vmem>>, vector<1x1x256xi32>
    %get3A_527 = vector.shape_cast %get3A_526 : vector<1x1x256xi32> to vector<1x256xi32>
    %sub3A_528 = vector.broadcast %multiple_of3A_457 : i32 to vector<1x256xi32>
    %sub3A_529 = arith.subi %get3A_527, %sub3A_528 : vector<1x256xi32>
    %iota3A_530 = tpu.iota {dimensions = array<i32: 0>} : vector<264x256xi32>
    %eq3A_531 = vector.broadcast %sub3A_529 : vector<1x256xi32> to vector<264x256xi32>
    %eq3A_532 = arith.cmpi eq, %iota3A_530, %eq3A_531 : vector<264x256xi32>
    %convert_element_type3A_533 = arith.extui %eq3A_532 : vector<264x256xi1> to vector<264x256xi32>
    %convert_element_type3A_534 = arith.sitofp %convert_element_type3A_533 : vector<264x256xi32> to vector<264x256xf32>
    %dot_general3A_535 = arith.constant dense<0.000000e+00> : vector<264x256xf32>
    %dot_general3A_536 = tpu.matmul %convert_element_type3A_534, %concatenate3A_522, %dot_general3A_535 {dimension_numbers = #tpu.dot_dimension_numbers<[1], [0], [0], [1], [0, 0, 1, 1], [], []>, transpose_lhs_hint = false} : vector<264x256xf32>, vector<256x256xf32>, vector<264x256xf32> -> vector<264x256xf32>
    %get3A_537 = arith.index_cast %multiple_of3A_457 : i32 to index
    %get3A_538 = arith.constant 0 : index
    %get3A_539 = vector.load %arg7[%get3A_537, %get3A_538] : memref<10264x256xf32, #tpu.memory_space<vmem>>, vector<264x256xf32>
    %add3A_540 = arith.addf %get3A_539, %dot_general3A_536 : vector<264x256xf32>
    %swap3A_541 = arith.index_cast %multiple_of3A_457 : i32 to index
    %swap3A_542 = arith.constant 0 : index
    %swap3A_543 = vector.load %arg7[%swap3A_541, %swap3A_542] : memref<10264x256xf32, #tpu.memory_space<vmem>>, vector<264x256xf32>
    tpu.vector_store %arg7[%swap3A_541, %swap3A_542], %add3A_540 {strides = array<i32>} : memref<10264x256xf32, #tpu.memory_space<vmem>>, vector<264x256xf32>,
    return
  }
  func.func @transform_0(%arg0: i32) -> i32 {
    %c0_i32 = arith.constant 0 : i32
    %c0_i32_0 = arith.constant 0 : i32
    return %c0_i32 : i32
  }
  func.func @transform_1(%arg0: i32) -> (i32, i32) {
    %c0_i32 = arith.constant 0 : i32
    %c0_i32_0 = arith.constant 0 : i32
    return %arg0, %c0_i32 : i32, i32
  }
  func.func @transform_2(%arg0: i32) -> (i32, i32) {
    %c0_i32 = arith.constant 0 : i32
    %c0_i32_0 = arith.constant 0 : i32
    %c0_i32_1 = arith.constant 0 : i32
    return %c0_i32, %c0_i32_0 : i32, i32
  }
  func.func @transform_3(%arg0: i32) -> (i32, i32, i32) {
    %c0_i32 = arith.constant 0 : i32
    %c0_i32_0 = arith.constant 0 : i32
    %c0_i32_1 = arith.constant 0 : i32
    return %arg0, %c0_i32, %c0_i32_0 : i32, i32, i32
  }
  func.func @transform_4(%arg0: i32) -> (i32, i32, i32) {
    %c0_i32 = arith.constant 0 : i32
    %c0_i32_0 = arith.constant 0 : i32
    %c0_i32_1 = arith.constant 0 : i32
    return %arg0, %c0_i32, %c0_i32_0 : i32, i32, i32
  }
  func.func @transform_5(%arg0: i32) -> (i32, i32) {
    %c0_i32 = arith.constant 0 : i32
    %c0_i32_0 = arith.constant 0 : i32
    %c0_i32_1 = arith.constant 0 : i32
    return %c0_i32, %c0_i32_0 : i32, i32
  }
  func.func @transform_6(%arg0: i32) -> (i32, i32) {
    %c0_i32 = arith.constant 0 : i32
    %c0_i32_0 = arith.constant 0 : i32
    %c0_i32_1 = arith.constant 0 : i32
    return %c0_i32, %c0_i32_0 : i32, i32
  }
}

module attributes {stable_mosaic.version = 14 : i64} {
  func.func @_norm_kernel(%arg0: i32, %arg1: memref<1000x256xf32, #tpu.memory_space<vmem>>, %arg2: memref<1x128xf32, #tpu.memory_space<vmem>>, %arg3: memref<1000x128xf32, #tpu.memory_space<vmem>>) attributes {dimension_semantics = [#tpu.dimension_semantics<arbitrary>], iteration_bounds = array<i64: 10>, scalar_prefetch = 0 : i64, scratch_operands = 0 : i64, tpu.core_type = #tpu.core_type<tc>, window_params = [{transform_indices = @transform_0, window_bounds = array<i64: 1000, 256>}, {pipeline_mode = #tpu.pipeline_mode<synchronous>, transform_indices = @transform_1, window_bounds = array<i64: 1, 128>}, {transform_indices = @transform_2, window_bounds = array<i64: 1000, 128>}]} {
    %get3A = arith.constant 0 : index
    %get3A_0 = arith.constant 0 : index
    %get3A_1 = vector.load %arg1[%get3A, %get3A_0] : memref<1000x256xf32, #tpu.memory_space<vmem>>, vector<1000x256xf32>
    %slice3A = vector.extract_strided_slice %get3A_1 {offsets = [0, 128], sizes = [1000, 1], strides = [1, 1]} : vector<1000x256xf32> to vector<1000x1xf32>
    %broadcast_in_dim3A = vector.shape_cast %slice3A : vector<1000x1xf32> to vector<1000x1xf32>
    %broadcast_in_dim3A_2 = vector.broadcast %broadcast_in_dim3A : vector<1000x1xf32> to vector<1000x64xf32>
    %slice3A_3 = vector.extract_strided_slice %get3A_1 {offsets = [0, 129], sizes = [1000, 1], strides = [1, 1]} : vector<1000x256xf32> to vector<1000x1xf32>
    %broadcast_in_dim3A_4 = vector.shape_cast %slice3A_3 : vector<1000x1xf32> to vector<1000x1xf32>
    %broadcast_in_dim3A_5 = vector.broadcast %broadcast_in_dim3A_4 : vector<1000x1xf32> to vector<1000x64xf32>
    %concatenate3A = tpu.concatenate %broadcast_in_dim3A_2, %broadcast_in_dim3A_5 in 1 : vector<1000x64xf32>, vector<1000x64xf32> -> vector<1000x128xf32>
    %slice3A_6 = vector.extract_strided_slice %get3A_1 {offsets = [0, 0], sizes = [1000, 128], strides = [1, 1]} : vector<1000x256xf32> to vector<1000x128xf32>
    %add3A = arith.constant 1.000000e-16 : f32
    %add3A_7 = vector.broadcast %add3A : f32 to vector<1000x128xf32>
    %add3A_8 = arith.addf %concatenate3A, %add3A_7 : vector<1000x128xf32>
    %div3A = arith.divf %slice3A_6, %add3A_8 : vector<1000x128xf32>
    %get3A_9 = arith.constant 0 : index
    %get3A_10 = arith.constant 0 : index
    %get3A_11 = vector.load %arg2[%get3A_9, %get3A_10] : memref<1x128xf32, #tpu.memory_space<vmem>>, vector<1x128xf32>
    %add3A_12 = vector.broadcast %get3A_11 : vector<1x128xf32> to vector<1000x128xf32>
    %add3A_13 = arith.addf %div3A, %add3A_12 : vector<1000x128xf32>
    %max3A = arith.constant 0.000000e+00 : f32
    %max3A_14 = vector.broadcast %max3A : f32 to vector<1000x128xf32>
    %max3A_15 = arith.maximumf %add3A_13, %max3A_14 : vector<1000x128xf32>
    %swap3A = arith.constant 0 : index
    %swap3A_16 = arith.constant 0 : index
    %swap3A_17 = vector.load %arg3[%swap3A, %swap3A_16] : memref<1000x128xf32, #tpu.memory_space<vmem>>, vector<1000x128xf32>
    tpu.vector_store %arg3[%swap3A, %swap3A_16], %max3A_15 {strides = array<i32>} : memref<1000x128xf32, #tpu.memory_space<vmem>>, vector<1000x128xf32>,
    return
  }
  func.func @transform_0(%arg0: i32) -> (i32, i32) {
    %c0_i32 = arith.constant 0 : i32
    %c0_i32_0 = arith.constant 0 : i32
    return %arg0, %c0_i32 : i32, i32
  }
  func.func @transform_1(%arg0: i32) -> (i32, i32) {
    %c0_i32 = arith.constant 0 : i32
    %c0_i32_0 = arith.constant 0 : i32
    %c0_i32_1 = arith.constant 0 : i32
    return %c0_i32, %c0_i32_0 : i32, i32
  }
  func.func @transform_2(%arg0: i32) -> (i32, i32) {
    %c0_i32 = arith.constant 0 : i32
    %c0_i32_0 = arith.constant 0 : i32
    return %arg0, %c0_i32 : i32, i32
  }
}

module attributes {stable_mosaic.version = 14 : i64} {
  func.func @_mm_kernel(%arg0: i32, %arg1: memref<1000x128xf32, #tpu.memory_space<vmem>>, %arg2: memref<128x128xf32, #tpu.memory_space<vmem>>, %arg3: memref<1000x128xf32, #tpu.memory_space<vmem>>) attributes {dimension_semantics = [#tpu.dimension_semantics<arbitrary>], iteration_bounds = array<i64: 10>, scalar_prefetch = 0 : i64, scratch_operands = 0 : i64, tpu.core_type = #tpu.core_type<tc>, window_params = [{transform_indices = @transform_0, window_bounds = array<i64: 1000, 128>}, {pipeline_mode = #tpu.pipeline_mode<synchronous>, transform_indices = @transform_1, window_bounds = array<i64: 128, 128>}, {transform_indices = @transform_2, window_bounds = array<i64: 1000, 128>}]} {
    %get3A = arith.constant 0 : index
    %get3A_0 = arith.constant 0 : index
    %get3A_1 = vector.load %arg1[%get3A, %get3A_0] : memref<1000x128xf32, #tpu.memory_space<vmem>>, vector<1000x128xf32>
    %get3A_2 = arith.constant 0 : index
    %get3A_3 = arith.constant 0 : index
    %get3A_4 = vector.load %arg2[%get3A_2, %get3A_3] : memref<128x128xf32, #tpu.memory_space<vmem>>, vector<128x128xf32>
    %dot_general3A = arith.constant dense<0.000000e+00> : vector<1000x128xf32>
    %dot_general3A_5 = tpu.matmul %get3A_1, %get3A_4, %dot_general3A {dimension_numbers = #tpu.dot_dimension_numbers<[1], [0], [0], [1], [0, 0, 1, 1], [], []>, transpose_lhs_hint = false} : vector<1000x128xf32>, vector<128x128xf32>, vector<1000x128xf32> -> vector<1000x128xf32>
    %swap3A = arith.constant 0 : index
    %swap3A_6 = arith.constant 0 : index
    %swap3A_7 = vector.load %arg3[%swap3A, %swap3A_6] : memref<1000x128xf32, #tpu.memory_space<vmem>>, vector<1000x128xf32>
    tpu.vector_store %arg3[%swap3A, %swap3A_6], %dot_general3A_5 {strides = array<i32>} : memref<1000x128xf32, #tpu.memory_space<vmem>>, vector<1000x128xf32>,
    return
  }
  func.func @transform_0(%arg0: i32) -> (i32, i32) {
    %c0_i32 = arith.constant 0 : i32
    %c0_i32_0 = arith.constant 0 : i32
    return %arg0, %c0_i32 : i32, i32
  }
  func.func @transform_1(%arg0: i32) -> (i32, i32) {
    %c0_i32 = arith.constant 0 : i32
    %c0_i32_0 = arith.constant 0 : i32
    %c0_i32_1 = arith.constant 0 : i32
    return %c0_i32, %c0_i32_0 : i32, i32
  }
  func.func @transform_2(%arg0: i32) -> (i32, i32) {
    %c0_i32 = arith.constant 0 : i32
    %c0_i32_0 = arith.constant 0 : i32
    return %arg0, %c0_i32 : i32, i32
  }
}

module attributes {stable_mosaic.version = 14 : i64} {
  func.func @_norm_kernel(%arg0: i32, %arg1: memref<1000x256xf32, #tpu.memory_space<vmem>>, %arg2: memref<1x64xf32, #tpu.memory_space<vmem>>, %arg3: memref<1000x64xf32, #tpu.memory_space<vmem>>) attributes {dimension_semantics = [#tpu.dimension_semantics<arbitrary>], iteration_bounds = array<i64: 10>, scalar_prefetch = 0 : i64, scratch_operands = 0 : i64, tpu.core_type = #tpu.core_type<tc>, window_params = [{transform_indices = @transform_0, window_bounds = array<i64: 1000, 256>}, {pipeline_mode = #tpu.pipeline_mode<synchronous>, transform_indices = @transform_1, window_bounds = array<i64: 1, 64>}, {transform_indices = @transform_2, window_bounds = array<i64: 1000, 64>}]} {
    %get3A = arith.constant 0 : index
    %get3A_0 = arith.constant 0 : index
    %get3A_1 = vector.load %arg1[%get3A, %get3A_0] : memref<1000x256xf32, #tpu.memory_space<vmem>>, vector<1000x256xf32>
    %slice3A = vector.extract_strided_slice %get3A_1 {offsets = [0, 128], sizes = [1000, 1], strides = [1, 1]} : vector<1000x256xf32> to vector<1000x1xf32>
    %broadcast_in_dim3A = vector.shape_cast %slice3A : vector<1000x1xf32> to vector<1000x1xf32>
    %broadcast_in_dim3A_2 = vector.broadcast %broadcast_in_dim3A : vector<1000x1xf32> to vector<1000x64xf32>
    %slice3A_3 = vector.extract_strided_slice %get3A_1 {offsets = [0, 0], sizes = [1000, 64], strides = [1, 1]} : vector<1000x256xf32> to vector<1000x64xf32>
    %add3A = arith.constant 1.000000e-16 : f32
    %add3A_4 = vector.broadcast %add3A : f32 to vector<1000x64xf32>
    %add3A_5 = arith.addf %broadcast_in_dim3A_2, %add3A_4 : vector<1000x64xf32>
    %div3A = arith.divf %slice3A_3, %add3A_5 : vector<1000x64xf32>
    %get3A_6 = arith.constant 0 : index
    %get3A_7 = arith.constant 0 : index
    %get3A_8 = vector.load %arg2[%get3A_6, %get3A_7] : memref<1x64xf32, #tpu.memory_space<vmem>>, vector<1x64xf32>
    %add3A_9 = vector.broadcast %get3A_8 : vector<1x64xf32> to vector<1000x64xf32>
    %add3A_10 = arith.addf %div3A, %add3A_9 : vector<1000x64xf32>
    %swap3A = arith.constant 0 : index
    %swap3A_11 = arith.constant 0 : index
    %swap3A_12 = vector.load %arg3[%swap3A, %swap3A_11] : memref<1000x64xf32, #tpu.memory_space<vmem>>, vector<1000x64xf32>
    tpu.vector_store %arg3[%swap3A, %swap3A_11], %add3A_10 {strides = array<i32>} : memref<1000x64xf32, #tpu.memory_space<vmem>>, vector<1000x64xf32>,
    return
  }
  func.func @transform_0(%arg0: i32) -> (i32, i32) {
    %c0_i32 = arith.constant 0 : i32
    %c0_i32_0 = arith.constant 0 : i32
    return %arg0, %c0_i32 : i32, i32
  }
  func.func @transform_1(%arg0: i32) -> (i32, i32) {
    %c0_i32 = arith.constant 0 : i32
    %c0_i32_0 = arith.constant 0 : i32
    %c0_i32_1 = arith.constant 0 : i32
    return %c0_i32, %c0_i32_0 : i32, i32
  }
  func.func @transform_2(%arg0: i32) -> (i32, i32) {
    %c0_i32 = arith.constant 0 : i32
    %c0_i32_0 = arith.constant 0 : i32
    return %arg0, %c0_i32 : i32, i32
  }
}

module attributes {stable_mosaic.version = 14 : i64} {
  func.func @_pool_kernel(%arg0: i32, %arg1: memref<10000x64xf32, #tpu.memory_space<vmem>>, %arg2: memref<10000x1xi32, #tpu.memory_space<vmem>>, %arg3: memref<8x128xf32, #tpu.memory_space<vmem>>) attributes {dimension_semantics = [#tpu.dimension_semantics<arbitrary>], iteration_bounds = array<i64: 8>, scalar_prefetch = 0 : i64, scratch_operands = 0 : i64, tpu.core_type = #tpu.core_type<tc>, window_params = [{pipeline_mode = #tpu.pipeline_mode<synchronous>, transform_indices = @transform_0, window_bounds = array<i64: 10000, 64>}, {pipeline_mode = #tpu.pipeline_mode<synchronous>, transform_indices = @transform_1, window_bounds = array<i64: 10000, 1>}, {transform_indices = @transform_2, window_bounds = array<i64: 8, 128>}]} {
    %mul3A = arith.constant 8 : i32
    %mul3A_0 = arith.muli %arg0, %mul3A : i32
    %broadcast_in_dim3A = arith.constant 0.000000e+00 : f32
    %broadcast_in_dim3A_1 = vector.broadcast %broadcast_in_dim3A : f32 to vector<8x64xf32>
    %broadcast_in_dim3A_2 = arith.constant -3.400000e+38 : f32
    %broadcast_in_dim3A_3 = vector.broadcast %broadcast_in_dim3A_2 : f32 to vector<8x64xf32>
    %broadcast_in_dim3A_4 = arith.constant 0.000000e+00 : f32
    %broadcast_in_dim3A_5 = vector.broadcast %broadcast_in_dim3A_4 : f32 to vector<8x1xf32>
    %scan3A = arith.constant 0 : i32
    %scan3A_6 = arith.constant 20 : i32
    %scan3A_7 = arith.addi %scan3A, %scan3A_6 : i32
    %scan3A_8 = arith.constant 1 : i32
    %scan3A_9:3 = scf.for %scan3A_21 = %scan3A to %scan3A_7 step %scan3A_8 iter_args(%scan3A_22 = %broadcast_in_dim3A_1, %scan3A_23 = %broadcast_in_dim3A_3, %scan3A_24 = %broadcast_in_dim3A_5) -> (vector<8x64xf32>, vector<8x64xf32>, vector<8x1xf32>)  : i32 {
      %mul3A_25 = arith.constant 500 : i32
      %mul3A_26 = arith.muli %scan3A_21, %mul3A_25 : i32
      %get3A = arith.index_cast %mul3A_26 : i32 to index
      %get3A_27 = arith.constant 0 : index
      %get3A_28 = vector.load %arg1[%get3A, %get3A_27] : memref<10000x64xf32, #tpu.memory_space<vmem>>, vector<500x64xf32>
      %mul3A_29 = arith.constant 500 : i32
      %mul3A_30 = arith.muli %scan3A_21, %mul3A_29 : i32
      %get3A_31 = arith.index_cast %mul3A_30 : i32 to index
      %get3A_32 = arith.constant 0 : index
      %get3A_33 = vector.load %arg2[%get3A_31, %get3A_32] : memref<10000x1xi32, #tpu.memory_space<vmem>>, vector<500x1xi32>
      %add3A = arith.constant 0 : i32
      %add3A_34 = arith.addi %mul3A_0, %add3A : i32
      %eq3A = vector.broadcast %add3A_34 : i32 to vector<500x1xi32>
      %eq3A_35 = arith.cmpi eq, %get3A_33, %eq3A : vector<500x1xi32>
      %jit3A_36 = arith.constant 0.000000e+00 : f32
      %broadcast_in_dim3A_37 = vector.shape_cast %eq3A_35 : vector<500x1xi1> to vector<500x1xi1>
      %broadcast_in_dim3A_38 = vector.broadcast %broadcast_in_dim3A_37 : vector<500x1xi1> to vector<500x64xi1>
      %broadcast_in_dim3A_39 = vector.broadcast %jit3A_36 : f32 to vector<500x64xf32>
      %select_n3A_40 = arith.select %broadcast_in_dim3A_38, %get3A_28, %broadcast_in_dim3A_39 : vector<500x64xi1>, vector<500x64xf32>
      %reduce_sum3A = arith.constant dense<0.000000e+00> : vector<64xf32>
      %reduce_sum3A_41 = vector.multi_reduction <add>, %select_n3A_40, %reduce_sum3A [0] : vector<500x64xf32> to vector<64xf32>
      %broadcast_in_dim3A_42 = vector.shape_cast %reduce_sum3A_41 : vector<64xf32> to vector<1x64xf32>
      %jit3A_43 = arith.constant -3.400000e+38 : f32
      %broadcast_in_dim3A_44 = vector.shape_cast %eq3A_35 : vector<500x1xi1> to vector<500x1xi1>
      %broadcast_in_dim3A_45 = vector.broadcast %broadcast_in_dim3A_44 : vector<500x1xi1> to vector<500x64xi1>
      %broadcast_in_dim3A_46 = vector.broadcast %jit3A_43 : f32 to vector<500x64xf32>
      %select_n3A_47 = arith.select %broadcast_in_dim3A_45, %get3A_28, %broadcast_in_dim3A_46 : vector<500x64xi1>, vector<500x64xf32>
      %reduce_max3A = arith.constant dense<0xFF800000> : vector<64xf32>
      %reduce_max3A_48 = vector.multi_reduction <maximumf>, %select_n3A_47, %reduce_max3A [0] : vector<500x64xf32> to vector<64xf32>
      %broadcast_in_dim3A_49 = vector.shape_cast %reduce_max3A_48 : vector<64xf32> to vector<1x64xf32>
      %convert_element_type3A = arith.extui %eq3A_35 : vector<500x1xi1> to vector<500x1xi32>
      %convert_element_type3A_50 = arith.sitofp %convert_element_type3A : vector<500x1xi32> to vector<500x1xf32>
      %reduce_sum3A_51 = vector.shape_cast %convert_element_type3A_50 : vector<500x1xf32> to vector<1x500x1xf32>
      %reduce_sum3A_52 = arith.constant dense<0.000000e+00> : vector<1xf32>
      %reduce_sum3A_53 = vector.multi_reduction <add>, %reduce_sum3A_51, %reduce_sum3A_52 [1, 2] : vector<1x500x1xf32> to vector<1xf32>
      %reduce_sum3A_54 = vector.shape_cast %reduce_sum3A_53 : vector<1xf32> to vector<1x1x1xf32>
      %reduce_sum3A_55 = vector.extract %reduce_sum3A_54[0, 0, 0] : f32 from vector<1x1x1xf32>
      %reshape3A = vector.broadcast %reduce_sum3A_55 : f32 to vector<1x1xf32>
      %add3A_56 = arith.constant 1 : i32
      %add3A_57 = arith.addi %mul3A_0, %add3A_56 : i32
      %eq3A_58 = vector.broadcast %add3A_57 : i32 to vector<500x1xi32>
      %eq3A_59 = arith.cmpi eq, %get3A_33, %eq3A_58 : vector<500x1xi32>
      %jit3A_60 = arith.constant 0.000000e+00 : f32
      %broadcast_in_dim3A_61 = vector.shape_cast %eq3A_59 : vector<500x1xi1> to vector<500x1xi1>
      %broadcast_in_dim3A_62 = vector.broadcast %broadcast_in_dim3A_61 : vector<500x1xi1> to vector<500x64xi1>
      %broadcast_in_dim3A_63 = vector.broadcast %jit3A_60 : f32 to vector<500x64xf32>
      %select_n3A_64 = arith.select %broadcast_in_dim3A_62, %get3A_28, %broadcast_in_dim3A_63 : vector<500x64xi1>, vector<500x64xf32>
      %reduce_sum3A_65 = arith.constant dense<0.000000e+00> : vector<64xf32>
      %reduce_sum3A_66 = vector.multi_reduction <add>, %select_n3A_64, %reduce_sum3A_65 [0] : vector<500x64xf32> to vector<64xf32>
      %broadcast_in_dim3A_67 = vector.shape_cast %reduce_sum3A_66 : vector<64xf32> to vector<1x64xf32>
      %jit3A_68 = arith.constant -3.400000e+38 : f32
      %broadcast_in_dim3A_69 = vector.shape_cast %eq3A_59 : vector<500x1xi1> to vector<500x1xi1>
      %broadcast_in_dim3A_70 = vector.broadcast %broadcast_in_dim3A_69 : vector<500x1xi1> to vector<500x64xi1>
      %broadcast_in_dim3A_71 = vector.broadcast %jit3A_68 : f32 to vector<500x64xf32>
      %select_n3A_72 = arith.select %broadcast_in_dim3A_70, %get3A_28, %broadcast_in_dim3A_71 : vector<500x64xi1>, vector<500x64xf32>
      %reduce_max3A_73 = arith.constant dense<0xFF800000> : vector<64xf32>
      %reduce_max3A_74 = vector.multi_reduction <maximumf>, %select_n3A_72, %reduce_max3A_73 [0] : vector<500x64xf32> to vector<64xf32>
      %broadcast_in_dim3A_75 = vector.shape_cast %reduce_max3A_74 : vector<64xf32> to vector<1x64xf32>
      %convert_element_type3A_76 = arith.extui %eq3A_59 : vector<500x1xi1> to vector<500x1xi32>
      %convert_element_type3A_77 = arith.sitofp %convert_element_type3A_76 : vector<500x1xi32> to vector<500x1xf32>
      %reduce_sum3A_78 = vector.shape_cast %convert_element_type3A_77 : vector<500x1xf32> to vector<1x500x1xf32>
      %reduce_sum3A_79 = arith.constant dense<0.000000e+00> : vector<1xf32>
      %reduce_sum3A_80 = vector.multi_reduction <add>, %reduce_sum3A_78, %reduce_sum3A_79 [1, 2] : vector<1x500x1xf32> to vector<1xf32>
      %reduce_sum3A_81 = vector.shape_cast %reduce_sum3A_80 : vector<1xf32> to vector<1x1x1xf32>
      %reduce_sum3A_82 = vector.extract %reduce_sum3A_81[0, 0, 0] : f32 from vector<1x1x1xf32>
      %reshape3A_83 = vector.broadcast %reduce_sum3A_82 : f32 to vector<1x1xf32>
      %add3A_84 = arith.constant 2 : i32
      %add3A_85 = arith.addi %mul3A_0, %add3A_84 : i32
      %eq3A_86 = vector.broadcast %add3A_85 : i32 to vector<500x1xi32>
      %eq3A_87 = arith.cmpi eq, %get3A_33, %eq3A_86 : vector<500x1xi32>
      %jit3A_88 = arith.constant 0.000000e+00 : f32
      %broadcast_in_dim3A_89 = vector.shape_cast %eq3A_87 : vector<500x1xi1> to vector<500x1xi1>
      %broadcast_in_dim3A_90 = vector.broadcast %broadcast_in_dim3A_89 : vector<500x1xi1> to vector<500x64xi1>
      %broadcast_in_dim3A_91 = vector.broadcast %jit3A_88 : f32 to vector<500x64xf32>
      %select_n3A_92 = arith.select %broadcast_in_dim3A_90, %get3A_28, %broadcast_in_dim3A_91 : vector<500x64xi1>, vector<500x64xf32>
      %reduce_sum3A_93 = arith.constant dense<0.000000e+00> : vector<64xf32>
      %reduce_sum3A_94 = vector.multi_reduction <add>, %select_n3A_92, %reduce_sum3A_93 [0] : vector<500x64xf32> to vector<64xf32>
      %broadcast_in_dim3A_95 = vector.shape_cast %reduce_sum3A_94 : vector<64xf32> to vector<1x64xf32>
      %jit3A_96 = arith.constant -3.400000e+38 : f32
      %broadcast_in_dim3A_97 = vector.shape_cast %eq3A_87 : vector<500x1xi1> to vector<500x1xi1>
      %broadcast_in_dim3A_98 = vector.broadcast %broadcast_in_dim3A_97 : vector<500x1xi1> to vector<500x64xi1>
      %broadcast_in_dim3A_99 = vector.broadcast %jit3A_96 : f32 to vector<500x64xf32>
      %select_n3A_100 = arith.select %broadcast_in_dim3A_98, %get3A_28, %broadcast_in_dim3A_99 : vector<500x64xi1>, vector<500x64xf32>
      %reduce_max3A_101 = arith.constant dense<0xFF800000> : vector<64xf32>
      %reduce_max3A_102 = vector.multi_reduction <maximumf>, %select_n3A_100, %reduce_max3A_101 [0] : vector<500x64xf32> to vector<64xf32>
      %broadcast_in_dim3A_103 = vector.shape_cast %reduce_max3A_102 : vector<64xf32> to vector<1x64xf32>
      %convert_element_type3A_104 = arith.extui %eq3A_87 : vector<500x1xi1> to vector<500x1xi32>
      %convert_element_type3A_105 = arith.sitofp %convert_element_type3A_104 : vector<500x1xi32> to vector<500x1xf32>
      %reduce_sum3A_106 = vector.shape_cast %convert_element_type3A_105 : vector<500x1xf32> to vector<1x500x1xf32>
      %reduce_sum3A_107 = arith.constant dense<0.000000e+00> : vector<1xf32>
      %reduce_sum3A_108 = vector.multi_reduction <add>, %reduce_sum3A_106, %reduce_sum3A_107 [1, 2] : vector<1x500x1xf32> to vector<1xf32>
      %reduce_sum3A_109 = vector.shape_cast %reduce_sum3A_108 : vector<1xf32> to vector<1x1x1xf32>
      %reduce_sum3A_110 = vector.extract %reduce_sum3A_109[0, 0, 0] : f32 from vector<1x1x1xf32>
      %reshape3A_111 = vector.broadcast %reduce_sum3A_110 : f32 to vector<1x1xf32>
      %add3A_112 = arith.constant 3 : i32
      %add3A_113 = arith.addi %mul3A_0, %add3A_112 : i32
      %eq3A_114 = vector.broadcast %add3A_113 : i32 to vector<500x1xi32>
      %eq3A_115 = arith.cmpi eq, %get3A_33, %eq3A_114 : vector<500x1xi32>
      %jit3A_116 = arith.constant 0.000000e+00 : f32
      %broadcast_in_dim3A_117 = vector.shape_cast %eq3A_115 : vector<500x1xi1> to vector<500x1xi1>
      %broadcast_in_dim3A_118 = vector.broadcast %broadcast_in_dim3A_117 : vector<500x1xi1> to vector<500x64xi1>
      %broadcast_in_dim3A_119 = vector.broadcast %jit3A_116 : f32 to vector<500x64xf32>
      %select_n3A_120 = arith.select %broadcast_in_dim3A_118, %get3A_28, %broadcast_in_dim3A_119 : vector<500x64xi1>, vector<500x64xf32>
      %reduce_sum3A_121 = arith.constant dense<0.000000e+00> : vector<64xf32>
      %reduce_sum3A_122 = vector.multi_reduction <add>, %select_n3A_120, %reduce_sum3A_121 [0] : vector<500x64xf32> to vector<64xf32>
      %broadcast_in_dim3A_123 = vector.shape_cast %reduce_sum3A_122 : vector<64xf32> to vector<1x64xf32>
      %jit3A_124 = arith.constant -3.400000e+38 : f32
      %broadcast_in_dim3A_125 = vector.shape_cast %eq3A_115 : vector<500x1xi1> to vector<500x1xi1>
      %broadcast_in_dim3A_126 = vector.broadcast %broadcast_in_dim3A_125 : vector<500x1xi1> to vector<500x64xi1>
      %broadcast_in_dim3A_127 = vector.broadcast %jit3A_124 : f32 to vector<500x64xf32>
      %select_n3A_128 = arith.select %broadcast_in_dim3A_126, %get3A_28, %broadcast_in_dim3A_127 : vector<500x64xi1>, vector<500x64xf32>
      %reduce_max3A_129 = arith.constant dense<0xFF800000> : vector<64xf32>
      %reduce_max3A_130 = vector.multi_reduction <maximumf>, %select_n3A_128, %reduce_max3A_129 [0] : vector<500x64xf32> to vector<64xf32>
      %broadcast_in_dim3A_131 = vector.shape_cast %reduce_max3A_130 : vector<64xf32> to vector<1x64xf32>
      %convert_element_type3A_132 = arith.extui %eq3A_115 : vector<500x1xi1> to vector<500x1xi32>
      %convert_element_type3A_133 = arith.sitofp %convert_element_type3A_132 : vector<500x1xi32> to vector<500x1xf32>
      %reduce_sum3A_134 = vector.shape_cast %convert_element_type3A_133 : vector<500x1xf32> to vector<1x500x1xf32>
      %reduce_sum3A_135 = arith.constant dense<0.000000e+00> : vector<1xf32>
      %reduce_sum3A_136 = vector.multi_reduction <add>, %reduce_sum3A_134, %reduce_sum3A_135 [1, 2] : vector<1x500x1xf32> to vector<1xf32>
      %reduce_sum3A_137 = vector.shape_cast %reduce_sum3A_136 : vector<1xf32> to vector<1x1x1xf32>
      %reduce_sum3A_138 = vector.extract %reduce_sum3A_137[0, 0, 0] : f32 from vector<1x1x1xf32>
      %reshape3A_139 = vector.broadcast %reduce_sum3A_138 : f32 to vector<1x1xf32>
      %add3A_140 = arith.constant 4 : i32
      %add3A_141 = arith.addi %mul3A_0, %add3A_140 : i32
      %eq3A_142 = vector.broadcast %add3A_141 : i32 to vector<500x1xi32>
      %eq3A_143 = arith.cmpi eq, %get3A_33, %eq3A_142 : vector<500x1xi32>
      %jit3A_144 = arith.constant 0.000000e+00 : f32
      %broadcast_in_dim3A_145 = vector.shape_cast %eq3A_143 : vector<500x1xi1> to vector<500x1xi1>
      %broadcast_in_dim3A_146 = vector.broadcast %broadcast_in_dim3A_145 : vector<500x1xi1> to vector<500x64xi1>
      %broadcast_in_dim3A_147 = vector.broadcast %jit3A_144 : f32 to vector<500x64xf32>
      %select_n3A_148 = arith.select %broadcast_in_dim3A_146, %get3A_28, %broadcast_in_dim3A_147 : vector<500x64xi1>, vector<500x64xf32>
      %reduce_sum3A_149 = arith.constant dense<0.000000e+00> : vector<64xf32>
      %reduce_sum3A_150 = vector.multi_reduction <add>, %select_n3A_148, %reduce_sum3A_149 [0] : vector<500x64xf32> to vector<64xf32>
      %broadcast_in_dim3A_151 = vector.shape_cast %reduce_sum3A_150 : vector<64xf32> to vector<1x64xf32>
      %jit3A_152 = arith.constant -3.400000e+38 : f32
      %broadcast_in_dim3A_153 = vector.shape_cast %eq3A_143 : vector<500x1xi1> to vector<500x1xi1>
      %broadcast_in_dim3A_154 = vector.broadcast %broadcast_in_dim3A_153 : vector<500x1xi1> to vector<500x64xi1>
      %broadcast_in_dim3A_155 = vector.broadcast %jit3A_152 : f32 to vector<500x64xf32>
      %select_n3A_156 = arith.select %broadcast_in_dim3A_154, %get3A_28, %broadcast_in_dim3A_155 : vector<500x64xi1>, vector<500x64xf32>
      %reduce_max3A_157 = arith.constant dense<0xFF800000> : vector<64xf32>
      %reduce_max3A_158 = vector.multi_reduction <maximumf>, %select_n3A_156, %reduce_max3A_157 [0] : vector<500x64xf32> to vector<64xf32>
      %broadcast_in_dim3A_159 = vector.shape_cast %reduce_max3A_158 : vector<64xf32> to vector<1x64xf32>
      %convert_element_type3A_160 = arith.extui %eq3A_143 : vector<500x1xi1> to vector<500x1xi32>
      %convert_element_type3A_161 = arith.sitofp %convert_element_type3A_160 : vector<500x1xi32> to vector<500x1xf32>
      %reduce_sum3A_162 = vector.shape_cast %convert_element_type3A_161 : vector<500x1xf32> to vector<1x500x1xf32>
      %reduce_sum3A_163 = arith.constant dense<0.000000e+00> : vector<1xf32>
      %reduce_sum3A_164 = vector.multi_reduction <add>, %reduce_sum3A_162, %reduce_sum3A_163 [1, 2] : vector<1x500x1xf32> to vector<1xf32>
      %reduce_sum3A_165 = vector.shape_cast %reduce_sum3A_164 : vector<1xf32> to vector<1x1x1xf32>
      %reduce_sum3A_166 = vector.extract %reduce_sum3A_165[0, 0, 0] : f32 from vector<1x1x1xf32>
      %reshape3A_167 = vector.broadcast %reduce_sum3A_166 : f32 to vector<1x1xf32>
      %add3A_168 = arith.constant 5 : i32
      %add3A_169 = arith.addi %mul3A_0, %add3A_168 : i32
      %eq3A_170 = vector.broadcast %add3A_169 : i32 to vector<500x1xi32>
      %eq3A_171 = arith.cmpi eq, %get3A_33, %eq3A_170 : vector<500x1xi32>
      %jit3A_172 = arith.constant 0.000000e+00 : f32
      %broadcast_in_dim3A_173 = vector.shape_cast %eq3A_171 : vector<500x1xi1> to vector<500x1xi1>
      %broadcast_in_dim3A_174 = vector.broadcast %broadcast_in_dim3A_173 : vector<500x1xi1> to vector<500x64xi1>
      %broadcast_in_dim3A_175 = vector.broadcast %jit3A_172 : f32 to vector<500x64xf32>
      %select_n3A_176 = arith.select %broadcast_in_dim3A_174, %get3A_28, %broadcast_in_dim3A_175 : vector<500x64xi1>, vector<500x64xf32>
      %reduce_sum3A_177 = arith.constant dense<0.000000e+00> : vector<64xf32>
      %reduce_sum3A_178 = vector.multi_reduction <add>, %select_n3A_176, %reduce_sum3A_177 [0] : vector<500x64xf32> to vector<64xf32>
      %broadcast_in_dim3A_179 = vector.shape_cast %reduce_sum3A_178 : vector<64xf32> to vector<1x64xf32>
      %jit3A_180 = arith.constant -3.400000e+38 : f32
      %broadcast_in_dim3A_181 = vector.shape_cast %eq3A_171 : vector<500x1xi1> to vector<500x1xi1>
      %broadcast_in_dim3A_182 = vector.broadcast %broadcast_in_dim3A_181 : vector<500x1xi1> to vector<500x64xi1>
      %broadcast_in_dim3A_183 = vector.broadcast %jit3A_180 : f32 to vector<500x64xf32>
      %select_n3A_184 = arith.select %broadcast_in_dim3A_182, %get3A_28, %broadcast_in_dim3A_183 : vector<500x64xi1>, vector<500x64xf32>
      %reduce_max3A_185 = arith.constant dense<0xFF800000> : vector<64xf32>
      %reduce_max3A_186 = vector.multi_reduction <maximumf>, %select_n3A_184, %reduce_max3A_185 [0] : vector<500x64xf32> to vector<64xf32>
      %broadcast_in_dim3A_187 = vector.shape_cast %reduce_max3A_186 : vector<64xf32> to vector<1x64xf32>
      %convert_element_type3A_188 = arith.extui %eq3A_171 : vector<500x1xi1> to vector<500x1xi32>
      %convert_element_type3A_189 = arith.sitofp %convert_element_type3A_188 : vector<500x1xi32> to vector<500x1xf32>
      %reduce_sum3A_190 = vector.shape_cast %convert_element_type3A_189 : vector<500x1xf32> to vector<1x500x1xf32>
      %reduce_sum3A_191 = arith.constant dense<0.000000e+00> : vector<1xf32>
      %reduce_sum3A_192 = vector.multi_reduction <add>, %reduce_sum3A_190, %reduce_sum3A_191 [1, 2] : vector<1x500x1xf32> to vector<1xf32>
      %reduce_sum3A_193 = vector.shape_cast %reduce_sum3A_192 : vector<1xf32> to vector<1x1x1xf32>
      %reduce_sum3A_194 = vector.extract %reduce_sum3A_193[0, 0, 0] : f32 from vector<1x1x1xf32>
      %reshape3A_195 = vector.broadcast %reduce_sum3A_194 : f32 to vector<1x1xf32>
      %add3A_196 = arith.constant 6 : i32
      %add3A_197 = arith.addi %mul3A_0, %add3A_196 : i32
      %eq3A_198 = vector.broadcast %add3A_197 : i32 to vector<500x1xi32>
      %eq3A_199 = arith.cmpi eq, %get3A_33, %eq3A_198 : vector<500x1xi32>
      %jit3A_200 = arith.constant 0.000000e+00 : f32
      %broadcast_in_dim3A_201 = vector.shape_cast %eq3A_199 : vector<500x1xi1> to vector<500x1xi1>
      %broadcast_in_dim3A_202 = vector.broadcast %broadcast_in_dim3A_201 : vector<500x1xi1> to vector<500x64xi1>
      %broadcast_in_dim3A_203 = vector.broadcast %jit3A_200 : f32 to vector<500x64xf32>
      %select_n3A_204 = arith.select %broadcast_in_dim3A_202, %get3A_28, %broadcast_in_dim3A_203 : vector<500x64xi1>, vector<500x64xf32>
      %reduce_sum3A_205 = arith.constant dense<0.000000e+00> : vector<64xf32>
      %reduce_sum3A_206 = vector.multi_reduction <add>, %select_n3A_204, %reduce_sum3A_205 [0] : vector<500x64xf32> to vector<64xf32>
      %broadcast_in_dim3A_207 = vector.shape_cast %reduce_sum3A_206 : vector<64xf32> to vector<1x64xf32>
      %jit3A_208 = arith.constant -3.400000e+38 : f32
      %broadcast_in_dim3A_209 = vector.shape_cast %eq3A_199 : vector<500x1xi1> to vector<500x1xi1>
      %broadcast_in_dim3A_210 = vector.broadcast %broadcast_in_dim3A_209 : vector<500x1xi1> to vector<500x64xi1>
      %broadcast_in_dim3A_211 = vector.broadcast %jit3A_208 : f32 to vector<500x64xf32>
      %select_n3A_212 = arith.select %broadcast_in_dim3A_210, %get3A_28, %broadcast_in_dim3A_211 : vector<500x64xi1>, vector<500x64xf32>
      %reduce_max3A_213 = arith.constant dense<0xFF800000> : vector<64xf32>
      %reduce_max3A_214 = vector.multi_reduction <maximumf>, %select_n3A_212, %reduce_max3A_213 [0] : vector<500x64xf32> to vector<64xf32>
      %broadcast_in_dim3A_215 = vector.shape_cast %reduce_max3A_214 : vector<64xf32> to vector<1x64xf32>
      %convert_element_type3A_216 = arith.extui %eq3A_199 : vector<500x1xi1> to vector<500x1xi32>
      %convert_element_type3A_217 = arith.sitofp %convert_element_type3A_216 : vector<500x1xi32> to vector<500x1xf32>
      %reduce_sum3A_218 = vector.shape_cast %convert_element_type3A_217 : vector<500x1xf32> to vector<1x500x1xf32>
      %reduce_sum3A_219 = arith.constant dense<0.000000e+00> : vector<1xf32>
      %reduce_sum3A_220 = vector.multi_reduction <add>, %reduce_sum3A_218, %reduce_sum3A_219 [1, 2] : vector<1x500x1xf32> to vector<1xf32>
      %reduce_sum3A_221 = vector.shape_cast %reduce_sum3A_220 : vector<1xf32> to vector<1x1x1xf32>
      %reduce_sum3A_222 = vector.extract %reduce_sum3A_221[0, 0, 0] : f32 from vector<1x1x1xf32>
      %reshape3A_223 = vector.broadcast %reduce_sum3A_222 : f32 to vector<1x1xf32>
      %add3A_224 = arith.constant 7 : i32
      %add3A_225 = arith.addi %mul3A_0, %add3A_224 : i32
      %eq3A_226 = vector.broadcast %add3A_225 : i32 to vector<500x1xi32>
      %eq3A_227 = arith.cmpi eq, %get3A_33, %eq3A_226 : vector<500x1xi32>
      %jit3A_228 = arith.constant 0.000000e+00 : f32
      %broadcast_in_dim3A_229 = vector.shape_cast %eq3A_227 : vector<500x1xi1> to vector<500x1xi1>
      %broadcast_in_dim3A_230 = vector.broadcast %broadcast_in_dim3A_229 : vector<500x1xi1> to vector<500x64xi1>
      %broadcast_in_dim3A_231 = vector.broadcast %jit3A_228 : f32 to vector<500x64xf32>
      %select_n3A_232 = arith.select %broadcast_in_dim3A_230, %get3A_28, %broadcast_in_dim3A_231 : vector<500x64xi1>, vector<500x64xf32>
      %reduce_sum3A_233 = arith.constant dense<0.000000e+00> : vector<64xf32>
      %reduce_sum3A_234 = vector.multi_reduction <add>, %select_n3A_232, %reduce_sum3A_233 [0] : vector<500x64xf32> to vector<64xf32>
      %broadcast_in_dim3A_235 = vector.shape_cast %reduce_sum3A_234 : vector<64xf32> to vector<1x64xf32>
      %jit3A_236 = arith.constant -3.400000e+38 : f32
      %broadcast_in_dim3A_237 = vector.shape_cast %eq3A_227 : vector<500x1xi1> to vector<500x1xi1>
      %broadcast_in_dim3A_238 = vector.broadcast %broadcast_in_dim3A_237 : vector<500x1xi1> to vector<500x64xi1>
      %broadcast_in_dim3A_239 = vector.broadcast %jit3A_236 : f32 to vector<500x64xf32>
      %select_n3A_240 = arith.select %broadcast_in_dim3A_238, %get3A_28, %broadcast_in_dim3A_239 : vector<500x64xi1>, vector<500x64xf32>
      %reduce_max3A_241 = arith.constant dense<0xFF800000> : vector<64xf32>
      %reduce_max3A_242 = vector.multi_reduction <maximumf>, %select_n3A_240, %reduce_max3A_241 [0] : vector<500x64xf32> to vector<64xf32>
      %broadcast_in_dim3A_243 = vector.shape_cast %reduce_max3A_242 : vector<64xf32> to vector<1x64xf32>
      %convert_element_type3A_244 = arith.extui %eq3A_227 : vector<500x1xi1> to vector<500x1xi32>
      %convert_element_type3A_245 = arith.sitofp %convert_element_type3A_244 : vector<500x1xi32> to vector<500x1xf32>
      %reduce_sum3A_246 = vector.shape_cast %convert_element_type3A_245 : vector<500x1xf32> to vector<1x500x1xf32>
      %reduce_sum3A_247 = arith.constant dense<0.000000e+00> : vector<1xf32>
      %reduce_sum3A_248 = vector.multi_reduction <add>, %reduce_sum3A_246, %reduce_sum3A_247 [1, 2] : vector<1x500x1xf32> to vector<1xf32>
      %reduce_sum3A_249 = vector.shape_cast %reduce_sum3A_248 : vector<1xf32> to vector<1x1x1xf32>
      %reduce_sum3A_250 = vector.extract %reduce_sum3A_249[0, 0, 0] : f32 from vector<1x1x1xf32>
      %reshape3A_251 = vector.broadcast %reduce_sum3A_250 : f32 to vector<1x1xf32>
      %concatenate3A_252 = tpu.concatenate %broadcast_in_dim3A_42, %broadcast_in_dim3A_67, %broadcast_in_dim3A_95, %broadcast_in_dim3A_123, %broadcast_in_dim3A_151, %broadcast_in_dim3A_179, %broadcast_in_dim3A_207, %broadcast_in_dim3A_235 in 0 : vector<1x64xf32>, vector<1x64xf32>, vector<1x64xf32>, vector<1x64xf32>, vector<1x64xf32>, vector<1x64xf32>, vector<1x64xf32>, vector<1x64xf32> -> vector<8x64xf32>
      %add3A_253 = arith.addf %scan3A_22, %concatenate3A_252 : vector<8x64xf32>
      %concatenate3A_254 = tpu.concatenate %broadcast_in_dim3A_49, %broadcast_in_dim3A_75, %broadcast_in_dim3A_103, %broadcast_in_dim3A_131, %broadcast_in_dim3A_159, %broadcast_in_dim3A_187, %broadcast_in_dim3A_215, %broadcast_in_dim3A_243 in 0 : vector<1x64xf32>, vector<1x64xf32>, vector<1x64xf32>, vector<1x64xf32>, vector<1x64xf32>, vector<1x64xf32>, vector<1x64xf32>, vector<1x64xf32> -> vector<8x64xf32>
      %max3A_255 = arith.maximumf %scan3A_23, %concatenate3A_254 : vector<8x64xf32>
      %concatenate3A_256 = tpu.concatenate %reshape3A, %reshape3A_83, %reshape3A_111, %reshape3A_139, %reshape3A_167, %reshape3A_195, %reshape3A_223, %reshape3A_251 in 0 : vector<1x1xf32>, vector<1x1xf32>, vector<1x1xf32>, vector<1x1xf32>, vector<1x1xf32>, vector<1x1xf32>, vector<1x1xf32>, vector<1x1xf32> -> vector<8x1xf32>
      %add3A_257 = arith.addf %scan3A_24, %concatenate3A_256 : vector<8x1xf32>
      scf.yield %add3A_253, %max3A_255, %add3A_257 : vector<8x64xf32>, vector<8x64xf32>, vector<8x1xf32>
    }
    %scan3A_10 = arith.constant 20 : i32
    %max3A = arith.constant 1.000000e+00 : f32
    %max3A_11 = vector.broadcast %max3A : f32 to vector<8x1xf32>
    %max3A_12 = arith.maximumf %scan3A_9#2, %max3A_11 : vector<8x1xf32>
    %div3A = vector.broadcast %max3A_12 : vector<8x1xf32> to vector<8x64xf32>
    %div3A_13 = arith.divf %scan3A_9#0, %div3A : vector<8x64xf32>
    %gt3A = arith.constant 0.000000e+00 : f32
    %gt3A_14 = vector.broadcast %gt3A : f32 to vector<8x1xf32>
    %gt3A_15 = arith.cmpf ogt, %scan3A_9#2, %gt3A_14 : vector<8x1xf32>
    %jit3A = arith.constant 0.000000e+00 : f32
    %broadcast_in_dim3A_16 = vector.shape_cast %gt3A_15 : vector<8x1xi1> to vector<8x1xi1>
    %broadcast_in_dim3A_17 = vector.broadcast %broadcast_in_dim3A_16 : vector<8x1xi1> to vector<8x64xi1>
    %broadcast_in_dim3A_18 = vector.broadcast %jit3A : f32 to vector<8x64xf32>
    %select_n3A = arith.select %broadcast_in_dim3A_17, %scan3A_9#1, %broadcast_in_dim3A_18 : vector<8x64xi1>, vector<8x64xf32>
    %concatenate3A = tpu.concatenate %div3A_13, %select_n3A in 1 : vector<8x64xf32>, vector<8x64xf32> -> vector<8x128xf32>
    %swap3A = arith.constant 0 : index
    %swap3A_19 = arith.constant 0 : index
    %swap3A_20 = vector.load %arg3[%swap3A, %swap3A_19] : memref<8x128xf32, #tpu.memory_space<vmem>>, vector<8x128xf32>
    tpu.vector_store %arg3[%swap3A, %swap3A_19], %concatenate3A {strides = array<i32>} : memref<8x128xf32, #tpu.memory_space<vmem>>, vector<8x128xf32>,
    return
  }
  func.func @transform_0(%arg0: i32) -> (i32, i32) {
    %c0_i32 = arith.constant 0 : i32
    %c0_i32_0 = arith.constant 0 : i32
    %c0_i32_1 = arith.constant 0 : i32
    return %c0_i32, %c0_i32_0 : i32, i32
  }
  func.func @transform_1(%arg0: i32) -> (i32, i32) {
    %c0_i32 = arith.constant 0 : i32
    %c0_i32_0 = arith.constant 0 : i32
    %c0_i32_1 = arith.constant 0 : i32
    return %c0_i32, %c0_i32_0 : i32, i32
  }
  func.func @transform_2(%arg0: i32) -> (i32, i32) {
    %c0_i32 = arith.constant 0 : i32
    %c0_i32_0 = arith.constant 0 : i32
    return %arg0, %c0_i32 : i32, i32
  }
}

module attributes {stable_mosaic.version = 14 : i64} {
  func.func @_mm_bias_kernel(%arg0: memref<64x128xf32, #tpu.memory_space<vmem>>, %arg1: memref<128x128xf32, #tpu.memory_space<vmem>>, %arg2: memref<1x128xf32, #tpu.memory_space<vmem>>, %arg3: memref<64x128xf32, #tpu.memory_space<vmem>>) attributes {dimension_semantics = [], scalar_prefetch = 0 : i64, scratch_operands = 0 : i64, tpu.core_type = #tpu.core_type<tc>} {
    %get3A = arith.constant 0 : index
    %get3A_0 = arith.constant 0 : index
    %get3A_1 = vector.load %arg0[%get3A, %get3A_0] : memref<64x128xf32, #tpu.memory_space<vmem>>, vector<64x128xf32>
    %get3A_2 = arith.constant 0 : index
    %get3A_3 = arith.constant 0 : index
    %get3A_4 = vector.load %arg1[%get3A_2, %get3A_3] : memref<128x128xf32, #tpu.memory_space<vmem>>, vector<128x128xf32>
    %dot_general3A = arith.constant dense<0.000000e+00> : vector<64x128xf32>
    %dot_general3A_5 = tpu.matmul %get3A_1, %get3A_4, %dot_general3A {dimension_numbers = #tpu.dot_dimension_numbers<[1], [0], [0], [1], [0, 0, 1, 1], [], []>, transpose_lhs_hint = false} : vector<64x128xf32>, vector<128x128xf32>, vector<64x128xf32> -> vector<64x128xf32>
    %get3A_6 = arith.constant 0 : index
    %get3A_7 = arith.constant 0 : index
    %get3A_8 = vector.load %arg2[%get3A_6, %get3A_7] : memref<1x128xf32, #tpu.memory_space<vmem>>, vector<1x128xf32>
    %add3A = vector.broadcast %get3A_8 : vector<1x128xf32> to vector<64x128xf32>
    %add3A_9 = arith.addf %dot_general3A_5, %add3A : vector<64x128xf32>
    %swap3A = arith.constant 0 : index
    %swap3A_10 = arith.constant 0 : index
    %swap3A_11 = vector.load %arg3[%swap3A, %swap3A_10] : memref<64x128xf32, #tpu.memory_space<vmem>>, vector<64x128xf32>
    tpu.vector_store %arg3[%swap3A, %swap3A_10], %add3A_9 {strides = array<i32>} : memref<64x128xf32, #tpu.memory_space<vmem>>, vector<64x128xf32>,
    return
  }
}

</mosaic_0001>

<sc_bundles>
// kernel: gather_offload_async_start.1
scs
__scs_entry_jumppad:
0x0: {  	(pc) =	sbr.rel $0x88, $3  }
0x1: {  	(tag) =	ssettag $0x0;
	lr =	simm.s32 $0x1  }
0x2: {  	[smem:$0x3F90] =	sst lr;
	_ =	strace $0xD0000000  }
0x3: {  	_ = 	snop  }
0x4: {  	_ = 	snop  }
0x5: {  	_ = 	snop  }
0x6: {  	_ = 	snop  }
0x7: {  	_ = 	snop  }
__scs_overlays_trampoline_lowered:
0x8: {  	[smem:$0x3F9F] =	sst s0  }
0x9: {  	[smem:$0x3FA0] =	sst s1  }
0xa: {  	[smem:$0x3FA1] =	sst s2  }
0xb: {  	[smem:$0x3FA2] =	sst s3  }
0xc: {  	[smem:$0x3FA3] =	sst s4  }
0xd: {  	[smem:$0x3FA4] =	sst s5  }
0xe: {  	[smem:$0x3FA5] =	sst s6  }
0xf: {  	[smem:$0x3FA6] =	sst s7  }
0x10: {  	[smem:$0x3FA7] =	sst s8  }
0x11: {  	[smem:$0x3FA8] =	sst s9;
	s0 =	simm.s32 @!p0 $0x0  }
0x12: {  	s1 =	sld [smem:$0x3F8E];
	s0 =	simm.s32 @p0 $0x1  }
0x13: {  	[smem:$0x3FA9] =	sst s0;
	s0 =	simm.s32 @!p1 $0x0  }
0x14: {  	s2 =	sld [smem:$0x3F8D];
	s0 =	simm.s32 @p1 $0x1  }
0x15: {  	[smem:$0x3FAA] =	sst s0;
	s0 =	simm.s32 @!p2 $0x0  }
0x16: {  	s3 =	sld [smem:$0x3FDB];
	s0 =	simm.s32 @p2 $0x1  }
0x17: {  	s4 =	simm.s32 $0x1BF5;
	[smem:$0x3FAC] =	sst s0  }
0x18: {  	s0 =	sld [smem:$0x3F8F];
	_ =	swait.ge [sflag:s4], $0x0  }
0x19: {  	s7 =	sld [smem:$0x3F90]  }
0x1a: {  	s8 =	sadd.s32 $0xFFFFE003, lr  }
0x1b: {  	s9 =	sadd.s32 $0xFFFFFEF7, lr;
	s5 =	simm.s32 $0xFFFFFFFF;
	p2 =	slt.u32 s8, $0xFFFFF086  }
0x1c: {  	p1 =	slt.u32 s9, $0xF7A;
	s5 =	simm.s32 @!p2 $0x0  }
0x1d: {  	s5 =	simm.s32 @p1 $0x1;
	p0 =	seq.s32 s7, s2  }
0x1e: {  	s7 =	smul.u32 @!p0 $0xF7A, s2;
	p2 =	seq.s32 @!p0 s5, $0x0  }
0x1f: {  	s9 =	smul.u32 $0xF7A, s1;
	s8 =	simm.s32 @!p0 $0x1BF5;
	p2 =	por !p2, p0  }
0x20: {  	[sflag:s8] =	ssyncset.s32 @!p0 $0xFFFFF086;
	s6 =	sadd.s32 @!p0 s3, s7;
	s7 =	simm.s32 @!p0 $0x108  }
0x21: {  	s3 =	sadd.s32 s3, s9;
	s6 =	sadd.s32 @!p0 $0x88, s6;
	s7 =	simm.s32 @p2 $0x1082  }
0x22: {  	[simem:s7], [sflag:s8] =	dma.local @!p0 [hbm:s6], $0xF7A  }
0x23: {  	s9 =	sor.u32 $0xD0000000, s2;
	s6 =	simm.s32 $0x108;
	_ =	swait.ge @!p0 [sflag:s8], $0x0  }
0x24: {  	s3 =	sadd.s32 $0x88, s3;
	s6 =	simm.s32 @!p1 $0x1082;
	[sflag:s4] =	ssyncset.s32 $0xFFFFF086  }
0x25: {  	[simem:s6], [sflag:s4] =	dma.local [hbm:s3], $0xF7A  }
0x26: {  	[smem:$0x3F90] =	sst s1;
	(tag) =	ssettag s2;
	_ =	strace s9  }
0x27: {  	s1 =	sld [smem:$0x3FA0]  }
0x28: {  	s2 =	sld [smem:$0x3FA1]  }
0x29: {  	s4 =	sld [smem:$0x3FA3]  }
0x2a: {  	p0 =	seq.s32 s5, $0x0;
	s5 =	sld [smem:$0x3FA4]  }
0x2b: {  	s6 =	sld [smem:$0x3FA5]  }
0x2c: {  	s7 =	sld [smem:$0x3FA6]  }
0x2d: {  	s3 =	simm.s32 $0x108;
	s8 =	sld [smem:$0x3FA7]  }
0x2e: {  	s3 =	simm.s32 @!p0 $0x1082;
	s9 =	sld [smem:$0x3FA8]  }
0x2f: {  	lr =	sadd.s32 s0, s3;
	s0 =	sld [smem:$0x3F9F]  }
0x30: {  	s3 =	sld [smem:$0x3FA2]  }
0x31: {  	[smem:$0x3FAB] =	sst s10  }
0x32: {  	s10 =	sld [smem:$0x3FA9];
	_ =	sdelay $0x3  }
0x33: {  	p0 =	seq.s32 s10, $0x1;
	s10 =	sld [smem:$0x3FAB];
	_ =	sdelay $0x3  }
0x34: {  	[smem:$0x3FAB] =	sst s10  }
0x35: {  	s10 =	sld [smem:$0x3FAA];
	_ =	sdelay $0x3  }
0x36: {  	p1 =	seq.s32 s10, $0x1;
	s10 =	sld [smem:$0x3FAB];
	_ =	sdelay $0x3  }
0x37: {  	[smem:$0x3FAB] =	sst s10  }
0x38: {  	s10 =	sld [smem:$0x3FAC]  }
0x39: {  	_ = 	snop;
	(pc) =	sbr.ind lr, $3  }
0x3a: {  	_ = 	snop  }
0x3b: {  	_ = 	snop  }
0x3c: {  	p2 =	seq.s32 s10, $0x1;
	s10 =	sld [smem:$0x3FAB]  }
0x3d: {  	_ =	shalt  }
0x3e: {  	_ =	shalt  }
0x3f: {  	_ =	shalt  }
0x40: {  	_ =	shalt  }
0x41: {  	_ =	shalt  }
0x42: {  	_ =	shalt  }
0x43: {  	_ =	shalt  }
0x44: {  	_ =	shalt  }
0x45: {  	_ =	shalt  }
0x46: {  	_ =	shalt  }
0x47: {  	_ =	shalt  }
0x48: {  	_ =	shalt  }
0x49: {  	_ =	shalt  }
0x4a: {  	_ =	shalt  }
0x4b: {  	_ =	shalt  }
0x4c: {  	_ =	shalt  }
0x4d: {  	_ =	shalt  }
0x4e: {  	_ =	shalt  }
0x4f: {  	_ =	shalt  }
0x50: {  	_ =	shalt  }
0x51: {  	_ =	shalt  }
0x52: {  	_ =	shalt  }
0x53: {  	_ =	shalt  }
0x54: {  	_ =	shalt  }
0x55: {  	_ =	shalt  }
0x56: {  	_ =	shalt  }
0x57: {  	_ =	shalt  }
0x58: {  	_ =	shalt  }
0x59: {  	_ =	shalt  }
0x5a: {  	_ =	shalt  }
0x5b: {  	_ =	shalt  }
0x5c: {  	_ =	shalt  }
0x5d: {  	_ =	shalt  }
0x5e: {  	_ =	shalt  }
0x5f: {  	_ =	shalt  }
0x60: {  	_ =	shalt  }
0x61: {  	_ =	shalt  }
0x62: {  	_ =	shalt  }
0x63: {  	_ =	shalt  }
0x64: {  	_ =	shalt  }
0x65: {  	_ =	shalt  }
0x66: {  	_ =	shalt  }
0x67: {  	_ =	shalt  }
0x68: {  	_ =	shalt  }
0x69: {  	_ =	shalt  }
0x6a: {  	_ =	shalt  }
0x6b: {  	_ =	shalt  }
0x6c: {  	_ =	shalt  }
0x6d: {  	_ =	shalt  }
0x6e: {  	_ =	shalt  }
0x6f: {  	_ =	shalt  }
0x70: {  	_ =	shalt  }
0x71: {  	_ =	shalt  }
0x72: {  	_ =	shalt  }
0x73: {  	_ =	shalt  }
0x74: {  	_ =	shalt  }
0x75: {  	_ =	shalt  }
0x76: {  	_ =	shalt  }
0x77: {  	_ =	shalt  }
0x78: {  	_ =	shalt  }
0x79: {  	_ =	shalt  }
0x7a: {  	_ =	shalt  }
0x7b: {  	_ =	shalt  }
0x7c: {  	_ =	shalt  }
0x7d: {  	_ =	shalt  }
0x7e: {  	_ =	shalt  }
0x7f: {  	_ =	shalt  }
0x80: {  	_ =	shalt  }
0x81: {  	_ =	shalt  }
0x82: {  	_ =	shalt  }
0x83: {  	_ =	shalt  }
0x84: {  	_ =	shalt  }
0x85: {  	_ =	shalt  }
0x86: {  	_ =	shalt  }
0x87: {  	_ =	shalt  }
.Lfunc_end0:
.L_simem_size_0:
called_computation.1_lowered:
.L_overlay_start_0:
0x88: {  	s0 =	sld [smem:$0x3FD9]  }
0x89: {  	s1 =	sld [smem:$0x3FFE];
	_ =	sdelay $0x3  }
0x8a: {  	s0 =	sadd.s32 s1, s0  }
0x8b: {  	[smem:$0x3FB7] =	sst s0  }
0x8c: {  	_ = 	snop  }
0x8d: {  	(tm) =	ssettm $0x1  }
0x8e: {  	s15 =	sld [smem:$0x3FFB];
	_ =	sdelay $0x3  }
0x8f: {  	_ =	strace s15  }
0x90: {  	s0 =	sld [smem:$0x3FFC];
	_ =	sdelay $0x3  }
0x91: {  	_ =	strace s0  }
0x92: {  	s0 =	sld [smem:$0x3FFD];
	_ =	sdelay $0x3  }
0x93: {  	_ =	strace s0  }
0x94: {  	_ =	strace $0x8FFFFFFF  }
0x95: {  	s16 =	sld [smem:$0x3FDB];
	_ =	sdelay $0x1  }
0x96: {  	s17 =	simm.s32 $_scs_section_size  }
0x97: {  	s2 =	simm.s32 $_size__tile_overlayer_lowered;
	s3 =	simm.s32 $_tile_overlayer_lowered  }
0x98: {  	s20 =	simm.s32 $0x1BFF;
	s19 =	sshll.u32 s3, $0x1;
	s0 =	sadd.s32 s17, s16  }
0x99: {  	s4 =	simm.s32 $0x0;
	s18 =	sshll.u32 s2, $0x1;
	s2 =	sadd.s32 s19, s0  }
0x9a: {  	[timem:s4], [sflag:s20] =	dma.local [hbm:s2], s18  }
0x9b: {  	_ =	swait.ge [sflag:s20], s18  }
0x9c: {  	s1 =	ssub.s32 $0x0, s18;
	[sflag:s20] =	ssyncset.done $0x0  }
0x9d: {  	[sflag:s20] =	ssyncadd.s32 s1;
	_ =	sdelay $0x1  }
0x9e: {  	s21 =	simm.s32 $0x1B8B  }
0x9f: {  	_ =	swait.ge [sflag:s21], $0x1  }
0xa0: {  	[sflag:s21] =	ssyncset.done $0x0  }
0xa1: {  	s23 =	simm.s32 $0x1B8E;
	s22 =	sld [smem:$0x3FFE];
	[sflag:s21] =	ssyncadd.s32 $0xFFFFFFFF  }
0xa2: {  	s24 =	simm.s32 $execute0_lowered;
	[smem:$0x3FD2] =	sst s23  }
0xa3: {  	s2 =	sshll.u32 s24, $0x1;
	_ =	strace $0x80000049;
	[dreg:$0x1] =	wrdreg $0xFFFFFFFF  }
0xa4: {  	s25 =	simm.s32 $_size_execute0_lowered;
	s0 =	sadd.s32 s0, s2;
	[dreg:$0x0] =	wrdreg $0x0  }
0xa5: {  	s2 =	sshll.u32 s25, $0x1;
	[dreg:$0x2] =	wrdreg s0  }
0xa6: {  	[dreg:$0x3] =	wrdreg s2  }
0xa7: {  	[dreg:$0x4] =	wrdreg $0xC0  }
0xa8: {  	_ =	task [dreg:s4], $0x5FFFF  }
0xa9: {  	[dreg:$0x1] =	wrdreg $0xFFFFFFFF  }
0xaa: {  	[dreg:$0x0] =	wrdreg $0x60  }
0xab: {  	[dreg:$0x2] =	wrdreg s22  }
0xac: {  	[dreg:$0x3] =	wrdreg $0x9  }
0xad: {  	_ =	task.clear_ibuf [dreg:s4], $0x4FFFF;
	_ =	strace $0x90000049  }
0xae: {  	s26 =	simm.s32 $0x9;
	_ =	strace $0x8000004B  }
0xaf: {  	_ =	swait.ge [sflag:s26], $0x1  }
0xb0: {  	[sflag:s26] =	ssyncadd.s32 $0xFFFFFFFF  }
0xb1: {  	_ =	strace $0x9000004B  }
0xb2: {  	_ =	sfence  }
0xb3: {  	s28 =	sld [smem:$0x0];
	_ =	sdelay $0x1  }
0xb4: {  	s29 =	srdreg.scid  }
0xb5: {  	s30 =	sshll.u32 s29, $0xD;
	s31 =	sshrl.u32 s29, $0x2  }
0xb6: {  	s1 =	sand.u32 $0x1, s29;
	s2 =	sand.u32 $0x4000, s30;
	s0 =	sadd.s32 s31, s28  }
0xb7: {  	s1 =	sor.u32 s2, s1;
	s0 =	sshll.u32 s0, $0x11  }
0xb8: {  	s0 =	sor.u32 s0, s1  }
0xb9: {  	s0 =	sadd.s32 $0x8F2B, s0  }
0xba: {  	[sflag:s0] =	ssyncadd.remote.s32 $0x1  }
0xbb: {  	_ =	sfence.sel $0xFFFF  }
0xbc: {  	[dreg:$0x0] =	wrdreg $0xFFFFFFFF;
	(pc) =	sbr.abs _section_cstart, $3  }
0xbd: {  	[dreg:$0x1] =	wrdreg $0xFFFFFFFF  }
0xbe: {  	_ =	task.clear_ibuf [dreg:s4], $0x2FFFF;
	_ =	strace $0x9FFFFFFF  }
0xbf: {  	(tm) =	ssettm $0x7FFFFFFF  }
tec
execute0_lowered:
.L_overlay_start_1:
0x0: {  	(tag) =	ssettag $0x1  }
0x1: {  	s8 =	rddreg [dreg:$0x0]  }
0x2: {  	s0 =	rddreg [dreg:$0x1];
	_ =	strace $0x8000004A  }
0x3: {  	s4 =	simm.s32 $0x1;
	s1 =	stileid.u32;
	s7 =	simm.s32 $0x1  }
0x4: {  	s9 =	simm.s32 $0x1;
	s6 =	simm.s32 $0x2;
	s10 =	simm.s32 $0x3  }
0x5: {  	s13 =	simm.s32 $0x0;
	s12 =	simm.s32 $0x0;
	s2 =	sadd.s32 $0xDE00, s8  }
.Ltmp0:
0x6: {  	s3 =	sadd.s32 $0x18000, s8;
	p0 =	slt.u32 s1, $0xA;
	(pc) =	sbr.rel .LBB2_1-.Ltmp0, $4  }
0x7: {  	[sflag:s4] =	ssyncpa.u1 $0x0;
	s7 =	simm.s32 @!p0 $0x0;
	p0 =	sne.s32 s1, $0x9  }
0x8: {  	s5 =	smul.u32 $0x3390, s1;
	[sflag:s6] =	ssyncpa.u1 $0x0;
	s9 =	simm.s32 @!p0 $0x0  }
0x9: {  	s8 =	sadd.s32 $0x7A600, s8;
	[sflag:s10] =	ssyncpa.u1 $0x0;
	s7 =	sadd.s32 s9, s7  }
0xa: {  	vm0 =	vmmov $0xffff;
	s10 =	simm.s32 $0x0;
	s11 =	smov.u32 s5;
	s9 =	sadd.s32 $0x1, s7  }
.LBB2_4:
0xb: {  	v2 =	vnsel vm1, $0x0, v2  }
0xc: {  	vm1 =	vgt.s32 v0, $0x0;
	v2 =	vmin.u32 v2, $0x5090F  }
0xd: {  	v0 =	vnsel vm1, $0x0, v0  }
0xe: {  	v0 =	vmin.u32 v0, $0x5090F  }
0xf: {  	[tilespmem:s18], [sflag:$0x1] =	stream.indirect_vreg.gather [hbm4b:s2+s10], $0x1, v1, vm0, $0x4038;
	[tilespmem:$0xCE40] =	vst v63  }
0x10: {  	(ifvalue) =	ssetifvalue $0x7FFFFFFF  }
0x11: {  	[tilespmem:s15], [sflag:$0x1] =	stream.indirect_vreg.gather [hbm4b:s2+s10], $0x1, v2, vm0, $0x4038;
	[tilespmem:$0xCE40] =	vst v63  }
0x12: {  	s29 =	sadd.s32 $0x10, s15;
	(ifvalue) =	ssetifvalue $0x7FFFFFFF  }
0x13: {  	[tilespmem:s29], [sflag:$0x1] =	stream.indirect_vreg.gather [hbm4b:s2+s10], $0x1, v0, vm0, $0x4038;
	[tilespmem:$0xCE40] =	vst v63  }
0x14: {  	_ =	swait.ge [sflag:s4], $0x3390  }
0x15: {  	s30 =	sshrl.u32 s13, $0x3;
	[sflag:s4] =	ssyncset.done $0x0  }
0x16: {  	s31 =	sand.u32 $0x7, s13;
	s15 =	sadd.s32 s8, s30;
	[sflag:s4] =	ssyncadd.s32 $0xFFFFCC70  }
0x17: {  	[hbm4b:s15+s31] =	stream.linear.scatter [tilespmem:s14], [sflag:$0x3], $0x3390, $0x38;
	[tilespmem:$0xCE40] =	vst v63  }
.LBB2_5:
0x18: {  	s15 =	sadd.s32 $0x33900, s11  }
0x19: {  	p1 =	sgt.s32 s15, $0x5090F  }
0x1a: {  	s15 =	smov.u32 @p1 s5;
	p1 =	sne.s32 s12, s9  }
.Ltmp1:
0x1b: {  	p0 =	slt.u32 s12, $0x2;
	(pc) =	sbr.rel @!p1 .LBB2_6-.Ltmp1, $4  }
0x1c: {  	s14 =	simm.s32 @!p0 $0x3  }
0x1d: {  	_ =	swait.ge @!p0 [sflag:s14], $0x3390  }
0x1e: {  	s16 =	sadd.s32 $0x1, s12;
	s13 =	smov.u32 s11;
	[sflag:s14] =	ssyncset.done @!p0 $0x0  }
0x1f: {  	s12 =	smov.u32 s16;
	s11 =	smov.u32 s15;
	[sflag:s14] =	ssyncadd.s32 @!p0 $0xFFFFCC70  }
.LBB2_1:
0x20: {  	p0 =	sge.u32 s12, s7  }
0x21: {  	s14 =	sxor.u32 @!p0 $0x1, s12  }
0x22: {  	s14 =	smul.u32 @!p0 $0xCE40, s14  }
0x23: {  	s31 =	sadd.s32 $0xFFFFFFFF, s12;
	s15 =	sshrl.u32 @!p0 s11, $0x3  }
0x24: {  	s16 =	sand.u32 @!p0 $0x7, s11;
	s15 =	sadd.s32 @!p0 s3, s15;
	s14 =	sshra.s32 @!p0 s14, $0x2  }
0x25: {  	[tilespmem:s14], [sflag:$0x2] =	stream.linear.gather @!p0 [hbm4b:s15+s16], $0x3390, $0x38;
	[tilespmem:$0xCE40] =	vst v63  }
0x26: {  	p0 =	sge.u32 s31, s7  }
.Ltmp2:
0x27: {  	_ = 	snop;
	(pc) =	sbr.rel @p0 .LBB2_5-.Ltmp2, $1  }
0x28: {  	_ =	sdelay $0x3  }
0x29: {  	s14 =	sand.u32 $0x1, s12  }
0x2a: {  	_ =	swait.ge [sflag:s6], $0x3390;
	p0 =	seq.s32 s14, $0x1;
	s14 =	simm.s32 $0x3390  }
0x2b: {  	[sflag:s6] =	ssyncset.done $0x0;
	s14 =	simm.s32 @!p0 $0x0  }
0x2c: {  	[sflag:s6] =	ssyncadd.s32 $0xFFFFCC70;
	(ifvalue) =	ssetifvalue $0x7FFFFFFF;
	v0 =	vld.msk [tilespmem:s14+$0x0 ss:$0x1], $0xffff;
	_ =	sdelay $0x4  }
0x2d: {  	s15 =	sadd.s32 $0x10, s14;
	vm1 =	vgt.s32 v0, $0x0  }
0x2e: {  	v2 =	vld.msk [tilespmem:s15+$0x0 ss:$0x1], $0xffff;
	v1 =	vnsel vm1, $0x0, v0  }
0x2f: {  	v1 =	vmin.u32 v1, $0x5090F;
	_ =	sdelay $0x2  }
0x30: {  	s17 =	simm.s32 $0x20;
	s14 =	sadd.s32 $0x6720, s14;
	s16 =	sadd.s32 $0x10, s15  }
0x31: {  	s15 =	sadd.s32 $0x10, s14;
	s18 =	smov.u32 s14;
	v0 =	vld.msk [tilespmem:s16+$0x0 ss:$0x1], $0xffff;
	vm1 =	vgt.s32 v2, $0x0;
	(ifvalue) =	ssetifvalue $0x7FFFFFFF  }
.LBB2_3:
0x32: {  	[tilespmem:s18], [sflag:$0x1] =	stream.indirect_vreg.gather [hbm4b:s2+s10], $0x1, v1, vm0, $0x4038;
	[tilespmem:$0xCE40] =	vst v63  }
0x33: {  	s17 =	sadd.s32 $0x10, s17  }
0x34: {  	v2 =	vnsel vm1, $0x0, v2;
	p0 =	slt.u32 s17, $0x3380  }
.Ltmp3:
0x35: {  	s18 =	smov.u32 s15;
	v1 =	vmin.u32 v2, $0x5090F;
	(pc) =	sbr.rel @p0 .LBB2_3-.Ltmp3, $3  }
0x36: {  	_ =	sdelay $0x1  }
0x37: {  	s16 =	sadd.s32 $0x10, s16  }
0x38: {  	vm1 =	vgt.s32 v0, $0x0;
	s15 =	sadd.s32 $0x10, s15;
	v2 =	vmov v0;
	(ifvalue) =	ssetifvalue $0x7FFFFFFF;
	v0 =	vld.msk [tilespmem:s16+$0x0 ss:$0x1], $0xffff  }
.Ltmp4:
0x39: {  	_ = 	snop;
	(pc) =	sbr.rel .LBB2_4-.Ltmp4, $1  }
0x3a: {  	_ =	sdelay $0x3  }
.LBB2_6:
0x3b: {  	_ =	sfence.sel $0x180000  }
0x3c: {  	s2 =	simm.s32 $0x2;
	[bflag:$0x0] =	sbarrier.arrive $0xFFFF  }
0x3d: {  	s30 =	simm.s32 $0x3;
	[sflag:s2] =	ssyncpa.u1 $0x1  }
0x3e: {  	s31 =	simm.s32 $0x1;
	[sflag:s30] =	ssyncpa.u1 $0x1  }
0x3f: {  	[sflag:s31] =	ssyncpa.u1 $0x1  }
0x40: {  	p0 =	sne.s32 s1, $0x0;
	_ =	strace $0x9000004A  }
0x41: {  	s0 =	sadd.s32 @!p0 $0x100000, s0;
	[bflag:$0x2] =	sbarrier.arrive $0xFFFF  }
0x42: {  	[sflag:s0] =	ssyncadd.tile.s32 @!p0 $0x1;
	_ =	shalt  }
.Lfunc_end2:
_tile_overlayer_lowered:
.L_overlay_start_2:
0x43: {  	(tag) =	ssettag $0x2  }
0x44: {  	s0 =	rddreg [dreg:$0x0];
	s2 =	stileid.u32  }
0x45: {  	s1 =	rddreg [dreg:$0x1];
	p0 =	sne.s32 s2, $0x0  }
0x46: {  	s3 =	rddreg [dreg:$0x2];
	[bflag:$0x3] =	sbarrier.arrive $0xFFFF;
	s2 =	simm.s32 @!p0 $0x1C01  }
0x47: {  	[timem:s3], [sflag:s2] =	dma.local @!p0 [hbm:s0], s1  }
0x48: {  	s0 =	simm.s32 @!p0 $0x1  }
0x49: {  	_ =	swait.ge @!p0 [sflag:s0], s1  }
0x4a: {  	s1 =	ssub.s32 @!p0 $0x0, s1;
	[sflag:s0] =	ssyncset.done @!p0 $0x0  }
0x4b: {  	[sflag:s0] =	ssyncadd.s32 @!p0 s1  }
0x4c: {  	[bflag:$0x3] =	sbarrier.arrive $0xFFFF  }
0x4d: {  	_ =	shalt  }

// kernel: gather_offload_async_start
scs
__scs_entry_jumppad:
0x0: {  	(pc) =	sbr.rel $0x88, $3  }
0x1: {  	(tag) =	ssettag $0x0;
	lr =	simm.s32 $0x1  }
0x2: {  	[smem:$0x3F90] =	sst lr;
	_ =	strace $0xD0000000  }
0x3: {  	_ = 	snop  }
0x4: {  	_ = 	snop  }
0x5: {  	_ = 	snop  }
0x6: {  	_ = 	snop  }
0x7: {  	_ = 	snop  }
__scs_overlays_trampoline_lowered:
0x8: {  	[smem:$0x3F9F] =	sst s0  }
0x9: {  	[smem:$0x3FA0] =	sst s1  }
0xa: {  	[smem:$0x3FA1] =	sst s2  }
0xb: {  	[smem:$0x3FA2] =	sst s3  }
0xc: {  	[smem:$0x3FA3] =	sst s4  }
0xd: {  	[smem:$0x3FA4] =	sst s5  }
0xe: {  	[smem:$0x3FA5] =	sst s6  }
0xf: {  	[smem:$0x3FA6] =	sst s7  }
0x10: {  	[smem:$0x3FA7] =	sst s8  }
0x11: {  	[smem:$0x3FA8] =	sst s9;
	s0 =	simm.s32 @!p0 $0x0  }
0x12: {  	s1 =	sld [smem:$0x3F8E];
	s0 =	simm.s32 @p0 $0x1  }
0x13: {  	[smem:$0x3FA9] =	sst s0;
	s0 =	simm.s32 @!p1 $0x0  }
0x14: {  	s2 =	sld [smem:$0x3F8D];
	s0 =	simm.s32 @p1 $0x1  }
0x15: {  	[smem:$0x3FAA] =	sst s0;
	s0 =	simm.s32 @!p2 $0x0  }
0x16: {  	s3 =	sld [smem:$0x3FDB];
	s0 =	simm.s32 @p2 $0x1  }
0x17: {  	s4 =	simm.s32 $0x1BF5;
	[smem:$0x3FAC] =	sst s0  }
0x18: {  	s0 =	sld [smem:$0x3F8F];
	_ =	swait.ge [sflag:s4], $0x0  }
0x19: {  	s7 =	sld [smem:$0x3F90]  }
0x1a: {  	s8 =	sadd.s32 $0xFFFFE003, lr  }
0x1b: {  	s9 =	sadd.s32 $0xFFFFFEF7, lr;
	s5 =	simm.s32 $0xFFFFFFFF;
	p2 =	slt.u32 s8, $0xFFFFF086  }
0x1c: {  	p1 =	slt.u32 s9, $0xF7A;
	s5 =	simm.s32 @!p2 $0x0  }
0x1d: {  	s5 =	simm.s32 @p1 $0x1;
	p0 =	seq.s32 s7, s2  }
0x1e: {  	s7 =	smul.u32 @!p0 $0xF7A, s2;
	p2 =	seq.s32 @!p0 s5, $0x0  }
0x1f: {  	s9 =	smul.u32 $0xF7A, s1;
	s8 =	simm.s32 @!p0 $0x1BF5;
	p2 =	por !p2, p0  }
0x20: {  	[sflag:s8] =	ssyncset.s32 @!p0 $0xFFFFF086;
	s6 =	sadd.s32 @!p0 s3, s7;
	s7 =	simm.s32 @!p0 $0x108  }
0x21: {  	s3 =	sadd.s32 s3, s9;
	s6 =	sadd.s32 @!p0 $0x88, s6;
	s7 =	simm.s32 @p2 $0x1082  }
0x22: {  	[simem:s7], [sflag:s8] =	dma.local @!p0 [hbm:s6], $0xF7A  }
0x23: {  	s9 =	sor.u32 $0xD0000000, s2;
	s6 =	simm.s32 $0x108;
	_ =	swait.ge @!p0 [sflag:s8], $0x0  }
0x24: {  	s3 =	sadd.s32 $0x88, s3;
	s6 =	simm.s32 @!p1 $0x1082;
	[sflag:s4] =	ssyncset.s32 $0xFFFFF086  }
0x25: {  	[simem:s6], [sflag:s4] =	dma.local [hbm:s3], $0xF7A  }
0x26: {  	[smem:$0x3F90] =	sst s1;
	(tag) =	ssettag s2;
	_ =	strace s9  }
0x27: {  	s1 =	sld [smem:$0x3FA0]  }
0x28: {  	s2 =	sld [smem:$0x3FA1]  }
0x29: {  	s4 =	sld [smem:$0x3FA3]  }
0x2a: {  	p0 =	seq.s32 s5, $0x0;
	s5 =	sld [smem:$0x3FA4]  }
0x2b: {  	s6 =	sld [smem:$0x3FA5]  }
0x2c: {  	s7 =	sld [smem:$0x3FA6]  }
0x2d: {  	s3 =	simm.s32 $0x108;
	s8 =	sld [smem:$0x3FA7]  }
0x2e: {  	s3 =	simm.s32 @!p0 $0x1082;
	s9 =	sld [smem:$0x3FA8]  }
0x2f: {  	lr =	sadd.s32 s0, s3;
	s0 =	sld [smem:$0x3F9F]  }
0x30: {  	s3 =	sld [smem:$0x3FA2]  }
0x31: {  	[smem:$0x3FAB] =	sst s10  }
0x32: {  	s10 =	sld [smem:$0x3FA9];
	_ =	sdelay $0x3  }
0x33: {  	p0 =	seq.s32 s10, $0x1;
	s10 =	sld [smem:$0x3FAB];
	_ =	sdelay $0x3  }
0x34: {  	[smem:$0x3FAB] =	sst s10  }
0x35: {  	s10 =	sld [smem:$0x3FAA];
	_ =	sdelay $0x3  }
0x36: {  	p1 =	seq.s32 s10, $0x1;
	s10 =	sld [smem:$0x3FAB];
	_ =	sdelay $0x3  }
0x37: {  	[smem:$0x3FAB] =	sst s10  }
0x38: {  	s10 =	sld [smem:$0x3FAC]  }
0x39: {  	_ = 	snop;
	(pc) =	sbr.ind lr, $3  }
0x3a: {  	_ = 	snop  }
0x3b: {  	_ = 	snop  }
0x3c: {  	p2 =	seq.s32 s10, $0x1;
	s10 =	sld [smem:$0x3FAB]  }
0x3d: {  	_ =	shalt  }
0x3e: {  	_ =	shalt  }
0x3f: {  	_ =	shalt  }
0x40: {  	_ =	shalt  }
0x41: {  	_ =	shalt  }
0x42: {  	_ =	shalt  }
0x43: {  	_ =	shalt  }
0x44: {  	_ =	shalt  }
0x45: {  	_ =	shalt  }
0x46: {  	_ =	shalt  }
0x47: {  	_ =	shalt  }
0x48: {  	_ =	shalt  }
0x49: {  	_ =	shalt  }
0x4a: {  	_ =	shalt  }
0x4b: {  	_ =	shalt  }
0x4c: {  	_ =	shalt  }
0x4d: {  	_ =	shalt  }
0x4e: {  	_ =	shalt  }
0x4f: {  	_ =	shalt  }
0x50: {  	_ =	shalt  }
0x51: {  	_ =	shalt  }
0x52: {  	_ =	shalt  }
0x53: {  	_ =	shalt  }
0x54: {  	_ =	shalt  }
0x55: {  	_ =	shalt  }
0x56: {  	_ =	shalt  }
0x57: {  	_ =	shalt  }
0x58: {  	_ =	shalt  }
0x59: {  	_ =	shalt  }
0x5a: {  	_ =	shalt  }
0x5b: {  	_ =	shalt  }
0x5c: {  	_ =	shalt  }
0x5d: {  	_ =	shalt  }
0x5e: {  	_ =	shalt  }
0x5f: {  	_ =	shalt  }
0x60: {  	_ =	shalt  }
0x61: {  	_ =	shalt  }
0x62: {  	_ =	shalt  }
0x63: {  	_ =	shalt  }
0x64: {  	_ =	shalt  }
0x65: {  	_ =	shalt  }
0x66: {  	_ =	shalt  }
0x67: {  	_ =	shalt  }
0x68: {  	_ =	shalt  }
0x69: {  	_ =	shalt  }
0x6a: {  	_ =	shalt  }
0x6b: {  	_ =	shalt  }
0x6c: {  	_ =	shalt  }
0x6d: {  	_ =	shalt  }
0x6e: {  	_ =	shalt  }
0x6f: {  	_ =	shalt  }
0x70: {  	_ =	shalt  }
0x71: {  	_ =	shalt  }
0x72: {  	_ =	shalt  }
0x73: {  	_ =	shalt  }
0x74: {  	_ =	shalt  }
0x75: {  	_ =	shalt  }
0x76: {  	_ =	shalt  }
0x77: {  	_ =	shalt  }
0x78: {  	_ =	shalt  }
0x79: {  	_ =	shalt  }
0x7a: {  	_ =	shalt  }
0x7b: {  	_ =	shalt  }
0x7c: {  	_ =	shalt  }
0x7d: {  	_ =	shalt  }
0x7e: {  	_ =	shalt  }
0x7f: {  	_ =	shalt  }
0x80: {  	_ =	shalt  }
0x81: {  	_ =	shalt  }
0x82: {  	_ =	shalt  }
0x83: {  	_ =	shalt  }
0x84: {  	_ =	shalt  }
0x85: {  	_ =	shalt  }
0x86: {  	_ =	shalt  }
0x87: {  	_ =	shalt  }
.Lfunc_end0:
.L_simem_size_0:
called_computation_lowered:
.L_overlay_start_0:
0x88: {  	s0 =	sld [smem:$0x3FD9]  }
0x89: {  	s1 =	sld [smem:$0x3FFE];
	_ =	sdelay $0x3  }
0x8a: {  	s0 =	sadd.s32 s1, s0  }
0x8b: {  	[smem:$0x3FB7] =	sst s0  }
0x8c: {  	_ = 	snop  }
0x8d: {  	(tm) =	ssettm $0x1  }
0x8e: {  	s15 =	sld [smem:$0x3FFB];
	_ =	sdelay $0x3  }
0x8f: {  	_ =	strace s15  }
0x90: {  	s0 =	sld [smem:$0x3FFC];
	_ =	sdelay $0x3  }
0x91: {  	_ =	strace s0  }
0x92: {  	s0 =	sld [smem:$0x3FFD];
	_ =	sdelay $0x3  }
0x93: {  	_ =	strace s0  }
0x94: {  	_ =	strace $0x8FFFFFFF  }
0x95: {  	s16 =	sld [smem:$0x3FDB];
	_ =	sdelay $0x1  }
0x96: {  	s17 =	simm.s32 $_scs_section_size  }
0x97: {  	s2 =	simm.s32 $_size__tile_overlayer_lowered;
	s3 =	simm.s32 $_tile_overlayer_lowered  }
0x98: {  	s20 =	simm.s32 $0x1BFF;
	s19 =	sshll.u32 s3, $0x1;
	s0 =	sadd.s32 s17, s16  }
0x99: {  	s4 =	simm.s32 $0x0;
	s18 =	sshll.u32 s2, $0x1;
	s2 =	sadd.s32 s19, s0  }
0x9a: {  	[timem:s4], [sflag:s20] =	dma.local [hbm:s2], s18  }
0x9b: {  	_ =	swait.ge [sflag:s20], s18  }
0x9c: {  	s1 =	ssub.s32 $0x0, s18;
	[sflag:s20] =	ssyncset.done $0x0  }
0x9d: {  	[sflag:s20] =	ssyncadd.s32 s1;
	_ =	sdelay $0x1  }
0x9e: {  	s21 =	simm.s32 $0x1B8B  }
0x9f: {  	_ =	swait.ge [sflag:s21], $0x1  }
0xa0: {  	[sflag:s21] =	ssyncset.done $0x0  }
0xa1: {  	s23 =	simm.s32 $0x1B8E;
	s22 =	sld [smem:$0x3FFE];
	[sflag:s21] =	ssyncadd.s32 $0xFFFFFFFF  }
0xa2: {  	s24 =	simm.s32 $execute0_lowered;
	[smem:$0x3FD2] =	sst s23  }
0xa3: {  	s2 =	sshll.u32 s24, $0x1;
	_ =	strace $0x80000046;
	[dreg:$0x1] =	wrdreg $0xFFFFFFFF  }
0xa4: {  	s25 =	simm.s32 $_size_execute0_lowered;
	s0 =	sadd.s32 s0, s2;
	[dreg:$0x0] =	wrdreg $0x0  }
0xa5: {  	s2 =	sshll.u32 s25, $0x1;
	[dreg:$0x2] =	wrdreg s0  }
0xa6: {  	[dreg:$0x3] =	wrdreg s2  }
0xa7: {  	[dreg:$0x4] =	wrdreg $0xC0  }
0xa8: {  	_ =	task [dreg:s4], $0x5FFFF  }
0xa9: {  	[dreg:$0x1] =	wrdreg $0xFFFFFFFF  }
0xaa: {  	[dreg:$0x0] =	wrdreg $0x60  }
0xab: {  	[dreg:$0x2] =	wrdreg s22  }
0xac: {  	[dreg:$0x3] =	wrdreg $0xA  }
0xad: {  	_ =	task.clear_ibuf [dreg:s4], $0x4FFFF;
	_ =	strace $0x90000046  }
0xae: {  	s26 =	simm.s32 $0xA;
	_ =	strace $0x80000048  }
0xaf: {  	_ =	swait.ge [sflag:s26], $0x1  }
0xb0: {  	[sflag:s26] =	ssyncadd.s32 $0xFFFFFFFF  }
0xb1: {  	_ =	strace $0x90000048  }
0xb2: {  	_ =	sfence  }
0xb3: {  	s28 =	sld [smem:$0x0];
	_ =	sdelay $0x1  }
0xb4: {  	s29 =	srdreg.scid  }
0xb5: {  	s30 =	sshll.u32 s29, $0xD;
	s31 =	sshrl.u32 s29, $0x2  }
0xb6: {  	s1 =	sand.u32 $0x1, s29;
	s2 =	sand.u32 $0x4000, s30;
	s0 =	sadd.s32 s31, s28  }
0xb7: {  	s1 =	sor.u32 s2, s1;
	s0 =	sshll.u32 s0, $0x11  }
0xb8: {  	s0 =	sor.u32 s0, s1  }
0xb9: {  	s0 =	sadd.s32 $0x8F2B, s0  }
0xba: {  	[sflag:s0] =	ssyncadd.remote.s32 $0x1  }
0xbb: {  	_ =	sfence.sel $0xFFFF  }
0xbc: {  	[dreg:$0x0] =	wrdreg $0xFFFFFFFF;
	(pc) =	sbr.abs _section_cstart, $3  }
0xbd: {  	[dreg:$0x1] =	wrdreg $0xFFFFFFFF  }
0xbe: {  	_ =	task.clear_ibuf [dreg:s4], $0x2FFFF;
	_ =	strace $0x9FFFFFFF  }
0xbf: {  	(tm) =	ssettm $0x7FFFFFFF  }
tec
execute0_lowered:
.L_overlay_start_1:
0x0: {  	(tag) =	ssettag $0x1  }
0x1: {  	s8 =	rddreg [dreg:$0x0]  }
0x2: {  	s0 =	rddreg [dreg:$0x1];
	_ =	strace $0x80000047  }
0x3: {  	s4 =	simm.s32 $0x1;
	s1 =	stileid.u32;
	s7 =	simm.s32 $0x1  }
0x4: {  	s9 =	simm.s32 $0x1;
	s6 =	simm.s32 $0x2;
	s10 =	simm.s32 $0x3  }
0x5: {  	s13 =	simm.s32 $0x0;
	s12 =	simm.s32 $0x0;
	s2 =	sadd.s32 $0x3C00, s8  }
.Ltmp0:
0x6: {  	s3 =	sadd.s32 $0x18000, s8;
	p0 =	slt.u32 s1, $0xA;
	(pc) =	sbr.rel .LBB2_1-.Ltmp0, $4  }
0x7: {  	[sflag:s4] =	ssyncpa.u1 $0x0;
	s7 =	simm.s32 @!p0 $0x0;
	p0 =	sne.s32 s1, $0x9  }
0x8: {  	s5 =	smul.u32 $0x3390, s1;
	[sflag:s6] =	ssyncpa.u1 $0x0;
	s9 =	simm.s32 @!p0 $0x0  }
0x9: {  	s8 =	sadd.s32 $0x22200, s8;
	[sflag:s10] =	ssyncpa.u1 $0x0;
	s7 =	sadd.s32 s9, s7  }
0xa: {  	vm0 =	vmmov $0xffff;
	s10 =	simm.s32 $0x0;
	s11 =	smov.u32 s5;
	s9 =	sadd.s32 $0x1, s7  }
.LBB2_4:
0xb: {  	v2 =	vnsel vm1, $0x0, v2  }
0xc: {  	vm1 =	vgt.s32 v0, $0x0;
	v2 =	vmin.u32 v2, $0x5090F  }
0xd: {  	v0 =	vnsel vm1, $0x0, v0  }
0xe: {  	v0 =	vmin.u32 v0, $0x5090F  }
0xf: {  	[tilespmem:s18], [sflag:$0x1] =	stream.indirect_vreg.gather [hbm4b:s2+s10], $0x1, v1, vm0, $0x4038;
	[tilespmem:$0xCE40] =	vst v63  }
0x10: {  	(ifvalue) =	ssetifvalue $0x7FFFFFFF  }
0x11: {  	[tilespmem:s15], [sflag:$0x1] =	stream.indirect_vreg.gather [hbm4b:s2+s10], $0x1, v2, vm0, $0x4038;
	[tilespmem:$0xCE40] =	vst v63  }
0x12: {  	s29 =	sadd.s32 $0x10, s15;
	(ifvalue) =	ssetifvalue $0x7FFFFFFF  }
0x13: {  	[tilespmem:s29], [sflag:$0x1] =	stream.indirect_vreg.gather [hbm4b:s2+s10], $0x1, v0, vm0, $0x4038;
	[tilespmem:$0xCE40] =	vst v63  }
0x14: {  	_ =	swait.ge [sflag:s4], $0x3390  }
0x15: {  	s30 =	sshrl.u32 s13, $0x3;
	[sflag:s4] =	ssyncset.done $0x0  }
0x16: {  	s31 =	sand.u32 $0x7, s13;
	s15 =	sadd.s32 s8, s30;
	[sflag:s4] =	ssyncadd.s32 $0xFFFFCC70  }
0x17: {  	[hbm4b:s15+s31] =	stream.linear.scatter [tilespmem:s14], [sflag:$0x3], $0x3390, $0x38;
	[tilespmem:$0xCE40] =	vst v63  }
.LBB2_5:
0x18: {  	s15 =	sadd.s32 $0x33900, s11  }
0x19: {  	p1 =	sgt.s32 s15, $0x5090F  }
0x1a: {  	s15 =	smov.u32 @p1 s5;
	p1 =	sne.s32 s12, s9  }
.Ltmp1:
0x1b: {  	p0 =	slt.u32 s12, $0x2;
	(pc) =	sbr.rel @!p1 .LBB2_6-.Ltmp1, $4  }
0x1c: {  	s14 =	simm.s32 @!p0 $0x3  }
0x1d: {  	_ =	swait.ge @!p0 [sflag:s14], $0x3390  }
0x1e: {  	s16 =	sadd.s32 $0x1, s12;
	s13 =	smov.u32 s11;
	[sflag:s14] =	ssyncset.done @!p0 $0x0  }
0x1f: {  	s12 =	smov.u32 s16;
	s11 =	smov.u32 s15;
	[sflag:s14] =	ssyncadd.s32 @!p0 $0xFFFFCC70  }
.LBB2_1:
0x20: {  	p0 =	sge.u32 s12, s7  }
0x21: {  	s14 =	sxor.u32 @!p0 $0x1, s12  }
0x22: {  	s14 =	smul.u32 @!p0 $0xCE40, s14  }
0x23: {  	s31 =	sadd.s32 $0xFFFFFFFF, s12;
	s15 =	sshrl.u32 @!p0 s11, $0x3  }
0x24: {  	s16 =	sand.u32 @!p0 $0x7, s11;
	s15 =	sadd.s32 @!p0 s3, s15;
	s14 =	sshra.s32 @!p0 s14, $0x2  }
0x25: {  	[tilespmem:s14], [sflag:$0x2] =	stream.linear.gather @!p0 [hbm4b:s15+s16], $0x3390, $0x38;
	[tilespmem:$0xCE40] =	vst v63  }
0x26: {  	p0 =	sge.u32 s31, s7  }
.Ltmp2:
0x27: {  	_ = 	snop;
	(pc) =	sbr.rel @p0 .LBB2_5-.Ltmp2, $1  }
0x28: {  	_ =	sdelay $0x3  }
0x29: {  	s14 =	sand.u32 $0x1, s12  }
0x2a: {  	_ =	swait.ge [sflag:s6], $0x3390;
	p0 =	seq.s32 s14, $0x1;
	s14 =	simm.s32 $0x3390  }
0x2b: {  	[sflag:s6] =	ssyncset.done $0x0;
	s14 =	simm.s32 @!p0 $0x0  }
0x2c: {  	[sflag:s6] =	ssyncadd.s32 $0xFFFFCC70;
	(ifvalue) =	ssetifvalue $0x7FFFFFFF;
	v0 =	vld.msk [tilespmem:s14+$0x0 ss:$0x1], $0xffff;
	_ =	sdelay $0x4  }
0x2d: {  	s15 =	sadd.s32 $0x10, s14;
	vm1 =	vgt.s32 v0, $0x0  }
0x2e: {  	v2 =	vld.msk [tilespmem:s15+$0x0 ss:$0x1], $0xffff;
	v1 =	vnsel vm1, $0x0, v0  }
0x2f: {  	v1 =	vmin.u32 v1, $0x5090F;
	_ =	sdelay $0x2  }
0x30: {  	s17 =	simm.s32 $0x20;
	s14 =	sadd.s32 $0x6720, s14;
	s16 =	sadd.s32 $0x10, s15  }
0x31: {  	s15 =	sadd.s32 $0x10, s14;
	s18 =	smov.u32 s14;
	v0 =	vld.msk [tilespmem:s16+$0x0 ss:$0x1], $0xffff;
	vm1 =	vgt.s32 v2, $0x0;
	(ifvalue) =	ssetifvalue $0x7FFFFFFF  }
.LBB2_3:
0x32: {  	[tilespmem:s18], [sflag:$0x1] =	stream.indirect_vreg.gather [hbm4b:s2+s10], $0x1, v1, vm0, $0x4038;
	[tilespmem:$0xCE40] =	vst v63  }
0x33: {  	s17 =	sadd.s32 $0x10, s17  }
0x34: {  	v2 =	vnsel vm1, $0x0, v2;
	p0 =	slt.u32 s17, $0x3380  }
.Ltmp3:
0x35: {  	s18 =	smov.u32 s15;
	v1 =	vmin.u32 v2, $0x5090F;
	(pc) =	sbr.rel @p0 .LBB2_3-.Ltmp3, $3  }
0x36: {  	_ =	sdelay $0x1  }
0x37: {  	s16 =	sadd.s32 $0x10, s16  }
0x38: {  	vm1 =	vgt.s32 v0, $0x0;
	s15 =	sadd.s32 $0x10, s15;
	v2 =	vmov v0;
	(ifvalue) =	ssetifvalue $0x7FFFFFFF;
	v0 =	vld.msk [tilespmem:s16+$0x0 ss:$0x1], $0xffff  }
.Ltmp4:
0x39: {  	_ = 	snop;
	(pc) =	sbr.rel .LBB2_4-.Ltmp4, $1  }
0x3a: {  	_ =	sdelay $0x3  }
.LBB2_6:
0x3b: {  	_ =	sfence.sel $0x180000  }
0x3c: {  	s2 =	simm.s32 $0x2;
	[bflag:$0x0] =	sbarrier.arrive $0xFFFF  }
0x3d: {  	s30 =	simm.s32 $0x3;
	[sflag:s2] =	ssyncpa.u1 $0x1  }
0x3e: {  	s31 =	simm.s32 $0x1;
	[sflag:s30] =	ssyncpa.u1 $0x1  }
0x3f: {  	[sflag:s31] =	ssyncpa.u1 $0x1  }
0x40: {  	p0 =	sne.s32 s1, $0x0;
	_ =	strace $0x90000047  }
0x41: {  	s0 =	sadd.s32 @!p0 $0x100000, s0;
	[bflag:$0x2] =	sbarrier.arrive $0xFFFF  }
0x42: {  	[sflag:s0] =	ssyncadd.tile.s32 @!p0 $0x1;
	_ =	shalt  }
.Lfunc_end2:
_tile_overlayer_lowered:
.L_overlay_start_2:
0x43: {  	(tag) =	ssettag $0x2  }
0x44: {  	s0 =	rddreg [dreg:$0x0];
	s2 =	stileid.u32  }
0x45: {  	s1 =	rddreg [dreg:$0x1];
	p0 =	sne.s32 s2, $0x0  }
0x46: {  	s3 =	rddreg [dreg:$0x2];
	[bflag:$0x3] =	sbarrier.arrive $0xFFFF;
	s2 =	simm.s32 @!p0 $0x1C01  }
0x47: {  	[timem:s3], [sflag:s2] =	dma.local @!p0 [hbm:s0], s1  }
0x48: {  	s0 =	simm.s32 @!p0 $0x1  }
0x49: {  	_ =	swait.ge @!p0 [sflag:s0], s1  }
0x4a: {  	s1 =	ssub.s32 @!p0 $0x0, s1;
	[sflag:s0] =	ssyncset.done @!p0 $0x0  }
0x4b: {  	[sflag:s0] =	ssyncadd.s32 @!p0 s1  }
0x4c: {  	[bflag:$0x3] =	sbarrier.arrive $0xFFFF  }
0x4d: {  	_ =	shalt  }

// kernel: kernel.19.cloned.1.call-start
scs
__scs_entry_jumppad:
0x0: {  	(pc) =	sbr.rel $0x88, $3  }
0x1: {  	(tag) =	ssettag $0x0;
	lr =	simm.s32 $0x1  }
0x2: {  	[smem:$0x3F90] =	sst lr;
	_ =	strace $0xD0000000  }
0x3: {  	_ = 	snop  }
0x4: {  	_ = 	snop  }
0x5: {  	_ = 	snop  }
0x6: {  	_ = 	snop  }
0x7: {  	_ = 	snop  }
__scs_overlays_trampoline_lowered:
0x8: {  	[smem:$0x3F9F] =	sst s0  }
0x9: {  	[smem:$0x3FA0] =	sst s1  }
0xa: {  	[smem:$0x3FA1] =	sst s2  }
0xb: {  	[smem:$0x3FA2] =	sst s3  }
0xc: {  	[smem:$0x3FA3] =	sst s4  }
0xd: {  	[smem:$0x3FA4] =	sst s5  }
0xe: {  	[smem:$0x3FA5] =	sst s6  }
0xf: {  	[smem:$0x3FA6] =	sst s7  }
0x10: {  	[smem:$0x3FA7] =	sst s8  }
0x11: {  	[smem:$0x3FA8] =	sst s9;
	s0 =	simm.s32 @!p0 $0x0  }
0x12: {  	s1 =	sld [smem:$0x3F8E];
	s0 =	simm.s32 @p0 $0x1  }
0x13: {  	[smem:$0x3FA9] =	sst s0;
	s0 =	simm.s32 @!p1 $0x0  }
0x14: {  	s2 =	sld [smem:$0x3F8D];
	s0 =	simm.s32 @p1 $0x1  }
0x15: {  	[smem:$0x3FAA] =	sst s0;
	s0 =	simm.s32 @!p2 $0x0  }
0x16: {  	s3 =	sld [smem:$0x3FDB];
	s0 =	simm.s32 @p2 $0x1  }
0x17: {  	s4 =	simm.s32 $0x1BF5;
	[smem:$0x3FAC] =	sst s0  }
0x18: {  	s0 =	sld [smem:$0x3F8F];
	_ =	swait.ge [sflag:s4], $0x0  }
0x19: {  	s7 =	sld [smem:$0x3F90]  }
0x1a: {  	s8 =	sadd.s32 $0xFFFFE003, lr  }
0x1b: {  	s9 =	sadd.s32 $0xFFFFFEF7, lr;
	s5 =	simm.s32 $0xFFFFFFFF;
	p2 =	slt.u32 s8, $0xFFFFF086  }
0x1c: {  	p1 =	slt.u32 s9, $0xF7A;
	s5 =	simm.s32 @!p2 $0x0  }
0x1d: {  	s5 =	simm.s32 @p1 $0x1;
	p0 =	seq.s32 s7, s2  }
0x1e: {  	s7 =	smul.u32 @!p0 $0xF7A, s2;
	p2 =	seq.s32 @!p0 s5, $0x0  }
0x1f: {  	s9 =	smul.u32 $0xF7A, s1;
	s8 =	simm.s32 @!p0 $0x1BF5;
	p2 =	por !p2, p0  }
0x20: {  	[sflag:s8] =	ssyncset.s32 @!p0 $0xFFFFF086;
	s6 =	sadd.s32 @!p0 s3, s7;
	s7 =	simm.s32 @!p0 $0x108  }
0x21: {  	s3 =	sadd.s32 s3, s9;
	s6 =	sadd.s32 @!p0 $0x88, s6;
	s7 =	simm.s32 @p2 $0x1082  }
0x22: {  	[simem:s7], [sflag:s8] =	dma.local @!p0 [hbm:s6], $0xF7A  }
0x23: {  	s9 =	sor.u32 $0xD0000000, s2;
	s6 =	simm.s32 $0x108;
	_ =	swait.ge @!p0 [sflag:s8], $0x0  }
0x24: {  	s3 =	sadd.s32 $0x88, s3;
	s6 =	simm.s32 @!p1 $0x1082;
	[sflag:s4] =	ssyncset.s32 $0xFFFFF086  }
0x25: {  	[simem:s6], [sflag:s4] =	dma.local [hbm:s3], $0xF7A  }
0x26: {  	[smem:$0x3F90] =	sst s1;
	(tag) =	ssettag s2;
	_ =	strace s9  }
0x27: {  	s1 =	sld [smem:$0x3FA0]  }
0x28: {  	s2 =	sld [smem:$0x3FA1]  }
0x29: {  	s4 =	sld [smem:$0x3FA3]  }
0x2a: {  	p0 =	seq.s32 s5, $0x0;
	s5 =	sld [smem:$0x3FA4]  }
0x2b: {  	s6 =	sld [smem:$0x3FA5]  }
0x2c: {  	s7 =	sld [smem:$0x3FA6]  }
0x2d: {  	s3 =	simm.s32 $0x108;
	s8 =	sld [smem:$0x3FA7]  }
0x2e: {  	s3 =	simm.s32 @!p0 $0x1082;
	s9 =	sld [smem:$0x3FA8]  }
0x2f: {  	lr =	sadd.s32 s0, s3;
	s0 =	sld [smem:$0x3F9F]  }
0x30: {  	s3 =	sld [smem:$0x3FA2]  }
0x31: {  	[smem:$0x3FAB] =	sst s10  }
0x32: {  	s10 =	sld [smem:$0x3FA9];
	_ =	sdelay $0x3  }
0x33: {  	p0 =	seq.s32 s10, $0x1;
	s10 =	sld [smem:$0x3FAB];
	_ =	sdelay $0x3  }
0x34: {  	[smem:$0x3FAB] =	sst s10  }
0x35: {  	s10 =	sld [smem:$0x3FAA];
	_ =	sdelay $0x3  }
0x36: {  	p1 =	seq.s32 s10, $0x1;
	s10 =	sld [smem:$0x3FAB];
	_ =	sdelay $0x3  }
0x37: {  	[smem:$0x3FAB] =	sst s10  }
0x38: {  	s10 =	sld [smem:$0x3FAC]  }
0x39: {  	_ = 	snop;
	(pc) =	sbr.ind lr, $3  }
0x3a: {  	_ = 	snop  }
0x3b: {  	_ = 	snop  }
0x3c: {  	p2 =	seq.s32 s10, $0x1;
	s10 =	sld [smem:$0x3FAB]  }
0x3d: {  	_ =	shalt  }
0x3e: {  	_ =	shalt  }
0x3f: {  	_ =	shalt  }
0x40: {  	_ =	shalt  }
0x41: {  	_ =	shalt  }
0x42: {  	_ =	shalt  }
0x43: {  	_ =	shalt  }
0x44: {  	_ =	shalt  }
0x45: {  	_ =	shalt  }
0x46: {  	_ =	shalt  }
0x47: {  	_ =	shalt  }
0x48: {  	_ =	shalt  }
0x49: {  	_ =	shalt  }
0x4a: {  	_ =	shalt  }
0x4b: {  	_ =	shalt  }
0x4c: {  	_ =	shalt  }
0x4d: {  	_ =	shalt  }
0x4e: {  	_ =	shalt  }
0x4f: {  	_ =	shalt  }
0x50: {  	_ =	shalt  }
0x51: {  	_ =	shalt  }
0x52: {  	_ =	shalt  }
0x53: {  	_ =	shalt  }
0x54: {  	_ =	shalt  }
0x55: {  	_ =	shalt  }
0x56: {  	_ =	shalt  }
0x57: {  	_ =	shalt  }
0x58: {  	_ =	shalt  }
0x59: {  	_ =	shalt  }
0x5a: {  	_ =	shalt  }
0x5b: {  	_ =	shalt  }
0x5c: {  	_ =	shalt  }
0x5d: {  	_ =	shalt  }
0x5e: {  	_ =	shalt  }
0x5f: {  	_ =	shalt  }
0x60: {  	_ =	shalt  }
0x61: {  	_ =	shalt  }
0x62: {  	_ =	shalt  }
0x63: {  	_ =	shalt  }
0x64: {  	_ =	shalt  }
0x65: {  	_ =	shalt  }
0x66: {  	_ =	shalt  }
0x67: {  	_ =	shalt  }
0x68: {  	_ =	shalt  }
0x69: {  	_ =	shalt  }
0x6a: {  	_ =	shalt  }
0x6b: {  	_ =	shalt  }
0x6c: {  	_ =	shalt  }
0x6d: {  	_ =	shalt  }
0x6e: {  	_ =	shalt  }
0x6f: {  	_ =	shalt  }
0x70: {  	_ =	shalt  }
0x71: {  	_ =	shalt  }
0x72: {  	_ =	shalt  }
0x73: {  	_ =	shalt  }
0x74: {  	_ =	shalt  }
0x75: {  	_ =	shalt  }
0x76: {  	_ =	shalt  }
0x77: {  	_ =	shalt  }
0x78: {  	_ =	shalt  }
0x79: {  	_ =	shalt  }
0x7a: {  	_ =	shalt  }
0x7b: {  	_ =	shalt  }
0x7c: {  	_ =	shalt  }
0x7d: {  	_ =	shalt  }
0x7e: {  	_ =	shalt  }
0x7f: {  	_ =	shalt  }
0x80: {  	_ =	shalt  }
0x81: {  	_ =	shalt  }
0x82: {  	_ =	shalt  }
0x83: {  	_ =	shalt  }
0x84: {  	_ =	shalt  }
0x85: {  	_ =	shalt  }
0x86: {  	_ =	shalt  }
0x87: {  	_ =	shalt  }
.Lfunc_end0:
.L_simem_size_0:
called_computation.2_lowered:
.L_overlay_start_0:
0x88: {  	s2 =	sld [smem:$0x3FD9]  }
0x89: {  	s3 =	sld [smem:$0x3FFE];
	_ =	sdelay $0x1  }
0x8a: {  	s1 =	srdreg.scid  }
0x8b: {  	s0 =	sand.u32 $0x1, s1  }
0x8c: {  	s17 =	sshll.u32 s0, $0xA;
	s2 =	sadd.s32 s3, s2  }
0x8d: {  	s2 =	sadd.s32 s2, s17  }
0x8e: {  	[smem:$0x3FB7] =	sst s2  }
0x8f: {  	_ = 	snop  }
0x90: {  	(tm) =	ssettm $0x1  }
0x91: {  	s18 =	sld [smem:$0x3FFB];
	_ =	sdelay $0x3  }
0x92: {  	_ =	strace s18  }
0x93: {  	s2 =	sld [smem:$0x3FFC];
	_ =	sdelay $0x3  }
0x94: {  	_ =	strace s2  }
0x95: {  	s2 =	sld [smem:$0x3FFD];
	_ =	sdelay $0x3  }
0x96: {  	_ =	strace s2  }
0x97: {  	_ =	strace $0x8FFFFFFF  }
0x98: {  	s19 =	sld [smem:$0x3FDB];
	_ =	sdelay $0x1  }
0x99: {  	s20 =	simm.s32 $_scs_section_size  }
0x9a: {  	s4 =	simm.s32 $_size__tile_overlayer_lowered;
	s5 =	simm.s32 $_tile_overlayer_lowered  }
0x9b: {  	s6 =	simm.s32 $0x1BFF;
	s21 =	sshll.u32 s5, $0x1;
	s3 =	sadd.s32 s20, s19  }
0x9c: {  	s22 =	simm.s32 $0x0;
	s4 =	sshll.u32 s4, $0x1;
	s5 =	sadd.s32 s21, s3  }
0x9d: {  	[timem:s22], [sflag:s6] =	dma.local [hbm:s5], s4  }
0x9e: {  	_ =	swait.ge [sflag:s6], s4  }
0x9f: {  	s4 =	ssub.s32 $0x0, s4;
	[sflag:s6] =	ssyncset.done $0x0  }
0xa0: {  	[sflag:s6] =	ssyncadd.s32 s4;
	_ =	sdelay $0x1  }
0xa1: {  	s23 =	simm.s32 $0x1B8B  }
0xa2: {  	_ =	swait.ge [sflag:s23], $0x1  }
0xa3: {  	[sflag:s23] =	ssyncset.done $0x0  }
0xa4: {  	[sflag:s23] =	ssyncadd.s32 $0xFFFFFFFF  }
0xa5: {  	s4 =	sld [smem:$0x0]  }
0xa6: {  	s5 =	sand.u32 $0xFFFFFFFE, s1  }
0xa7: {  	p0 =	sne.s32 s1, s5  }
0xa8: {  	s5 =	sshll.u32 @p0 s5, $0xE  }
0xa9: {  	s5 =	sadd.s32 @p0 $0x11B8D, s5;
	s6 =	sshll.u32 @p0 s4, $0x11  }
0xaa: {  	s5 =	sor.u32 @p0 s6, s5  }
0xab: {  	[sflag:s5] =	ssyncadd.remote.s32 @p0 $0x1;
	_ =	sdelay $0x1  }
0xac: {  	s5 =	simm.s32 @p0 $0x1B8D  }
0xad: {  	_ =	swait.eq @p0 [sflag:s5], $0x1  }
0xae: {  	[sflag:s5] =	ssyncadd.s32 @p0 $0xFFFFFFFF  }
0xaf: {  	s6 =	sshll.u32 @!p0 s1, $0xE  }
0xb0: {  	s6 =	sor.u32 @!p0 $0x4000, s6;
	s5 =	simm.s32 @!p0 $0x1B8D  }
0xb1: {  	s4 =	sshll.u32 @!p0 s4, $0x11;
	s6 =	sadd.s32 @!p0 $0x11B8D, s6;
	_ =	swait.eq @!p0 [sflag:s5], $0x1  }
0xb2: {  	s4 =	sor.u32 @!p0 s4, s6;
	[sflag:s5] =	ssyncadd.s32 @!p0 $0xFFFFFFFF  }
0xb3: {  	s25 =	simm.s32 $0x1B8E;
	s24 =	sld [smem:$0x3FFE];
	[sflag:s4] =	ssyncadd.remote.s32 @!p0 $0x1  }
0xb4: {  	s26 =	simm.s32 $execute0_lowered;
	[smem:$0x3FD2] =	sst s25  }
0xb5: {  	s5 =	sshll.u32 s26, $0x1;
	_ =	strace $0x8000004C;
	[dreg:$0x1] =	wrdreg $0xFFFFFFFF  }
0xb6: {  	s28 =	simm.s32 $_size_execute0_lowered;
	s3 =	sadd.s32 s3, s5;
	[dreg:$0x0] =	wrdreg $0x0  }
0xb7: {  	s5 =	sshll.u32 s28, $0x1;
	[dreg:$0x2] =	wrdreg s3  }
0xb8: {  	[dreg:$0x3] =	wrdreg s5  }
0xb9: {  	[dreg:$0x4] =	wrdreg $0xC0  }
0xba: {  	_ =	task [dreg:s22], $0x5FFFF  }
0xbb: {  	[dreg:$0x1] =	wrdreg $0xFFFFFFFF  }
0xbc: {  	[dreg:$0x0] =	wrdreg $0x60  }
0xbd: {  	[dreg:$0x2] =	wrdreg s24  }
0xbe: {  	[dreg:$0x3] =	wrdreg $0xA  }
0xbf: {  	_ =	task.clear_ibuf [dreg:s22], $0x4FFFF;
	_ =	strace $0x9000004C  }
0xc0: {  	s29 =	simm.s32 $0xA;
	_ =	strace $0x8000004E  }
0xc1: {  	_ =	swait.ge [sflag:s29], $0x1  }
0xc2: {  	[sflag:s29] =	ssyncadd.s32 $0xFFFFFFFF  }
0xc3: {  	_ =	strace $0x9000004E  }
0xc4: {  	_ =	sfence  }
0xc5: {  	s30 =	sld [smem:$0x0];
	_ =	sdelay $0x2  }
0xc6: {  	s31 =	sshll.u32 s1, $0xD;
	s1 =	sshrl.u32 s1, $0x2  }
0xc7: {  	s4 =	sand.u32 $0x4000, s31;
	s1 =	sadd.s32 s1, s30  }
0xc8: {  	s0 =	sor.u32 s4, s0;
	s1 =	sshll.u32 s1, $0x11  }
0xc9: {  	s0 =	sor.u32 s1, s0  }
0xca: {  	s0 =	sadd.s32 $0x8F2B, s0  }
0xcb: {  	[sflag:s0] =	ssyncadd.remote.s32 $0x1  }
0xcc: {  	_ =	sfence.sel $0xFFFF  }
0xcd: {  	[dreg:$0x0] =	wrdreg $0xFFFFFFFF;
	(pc) =	sbr.abs _section_cstart, $3  }
0xce: {  	[dreg:$0x1] =	wrdreg $0xFFFFFFFF  }
0xcf: {  	_ =	task.clear_ibuf [dreg:s22], $0x2FFFF;
	_ =	strace $0x9FFFFFFF  }
0xd0: {  	(tm) =	ssettm $0x7FFFFFFF  }
0xd1: {  	_ =	shalt  }
tec
execute0_lowered:
.L_overlay_start_1:
0x0: {  	(tag) =	ssettag $0x1  }
0x1: {  	s1 =	srdreg.scid  }
0x2: {  	s0 =	stileid.u32;
	s4 =	rddreg [dreg:$0x0]  }
0x3: {  	s2 =	simm.s32 $0x0;
	s16 =	simm.s32 $0x3080;
	s17 =	simm.s32 $0x3880  }
0x4: {  	s18 =	simm.s32 $0x4080;
	s19 =	simm.s32 $0x4880;
	s20 =	simm.s32 $0x5080  }
0x5: {  	s22 =	simm.s32 $0x5880;
	s23 =	simm.s32 $0x6080;
	s25 =	simm.s32 $0x6880  }
0x6: {  	s26 =	simm.s32 $0x7080;
	s31 =	simm.s32 $0x7880;
	[smem:$0x7FF] =	sst s2  }
0x7: {  	s7 =	simm.s32 $0x2880;
	_ =	strace $0x8000004D;
	[dreg:$0x3] =	wrdreg s16  }
0x8: {  	s8 =	simm.s32 $0x8080;
	s9 =	simm.s32 $0x8880;
	[dreg:$0x4] =	wrdreg s17  }
0x9: {  	s10 =	simm.s32 $0x9080;
	s11 =	simm.s32 $0x9880;
	[dreg:$0x5] =	wrdreg s18  }
0xa: {  	s12 =	simm.s32 $0xA080;
	s13 =	simm.s32 $0xA880;
	[dreg:$0x6] =	wrdreg s19  }
0xb: {  	s14 =	simm.s32 $0xB080;
	s28 =	simm.s32 $0x1;
	[dreg:$0x7] =	wrdreg s20  }
0xc: {  	s29 =	simm.s32 $0x2;
	s30 =	simm.s32 $0x0;
	[dreg:$0x8] =	wrdreg s22  }
0xd: {  	s1 =	sand.u32 $0x1, s1;
	s3 =	smul.u32 $0xA1400, s0;
	[dreg:$0x9] =	wrdreg s23  }
0xe: {  	s6 =	sshll.u32 s0, $0x1;
	s5 =	smul.u32 $0x50A00, s1;
	[dreg:$0xa] =	wrdreg s25  }
0xf: {  	s15 =	sor.u32 s1, s6;
	s1 =	ssub.s32 $0x2, s1;
	[dreg:$0xb] =	wrdreg s26  }
0x10: {  	s6 =	simm.s32 $0x3;
	[dreg:$0xc] =	wrdreg s31;
	s16 =	simm.s32 $0xC080  }
0x11: {  	s17 =	simm.s32 $0xC880;
	s18 =	simm.s32 $0xD080;
	s19 =	simm.s32 $0xD880  }
0x12: {  	s20 =	simm.s32 $0xE080;
	s22 =	simm.s32 $0xF080;
	s3 =	sadd.s32 s3, s4  }
0x13: {  	s23 =	simm.s32 $0xF880;
	s3 =	sadd.s32 s5, s3;
	s5 =	smul.u32 $0x2850, s15  }
0x14: {  	s25 =	simm.s32 $0x10880;
	s26 =	simm.s32 $0x11080;
	s21 =	sshrl.u32 s1, $0x1  }
0x15: {  	s1 =	ssub.s32 s1, s21;
	s3 =	sadd.s32 $0x84800, s3;
	s5 =	sshrl.u32 s5, $0x3  }
0x16: {  	v2 =	vlaneseq.u32;
	[dreg:$0x2] =	wrdreg s3;
	s3 =	sadd.s32 $0x2C400, s4;
	s4 =	sadd.s32 s5, s4  }
0x17: {  	vm0 =	vmmov $0xffff;
	v1 =	vshrl.u32 v2, $0x3;
	s15 =	simm.s32 $0xB880;
	s21 =	simm.s32 $0xE880;
	s24 =	sadd.s32 $0x3C00, s4  }
0x18: {  	v0 =	vand.u32 $0x7, v2;
	v2 =	vor.u32 $0x8, v2;
	v1 =	vmul.u32 $0x8, v1;
	s5 =	smax.u32 s1, $0x1;
	[dreg:$0xd] =	wrdreg s24;
	s24 =	simm.s32 $0x10080  }
.LBB2_1:
0x19: {  	s0 =	rddreg [dreg:$0xd]  }
0x1a: {  	[tilespmem:s2], [sflag:$0x3] =	stream.linear.gather [hbm4b:s0+s2], $0x2850, $0x38;
	[tilespmem:$0x11880] =	vst v63  }
0x1b: {  	_ =	swait.ge [sflag:s6], $0x2850  }
0x1c: {  	[sflag:s6] =	ssyncset.done $0x0  }
0x1d: {  	s31 =	simm.s32 $0x78;
	s1 =	simm.s32 $0x0;
	[sflag:s6] =	ssyncadd.s32 $0xFFFFD7B0  }
.LBB2_2:
0x1e: {  	v3 =	vld [tilespmem:s31+$0xFFFFFF88];
	_ =	sdelay $0x4  }
0x1f: {  	v4 =	vshll.u32 v3, $0x1  }
0x20: {  	v3 =	vand.u32 $0x7, v3;
	v4 =	vand.u32 $0xFFFFFFF0, v4  }
0x21: {  	v3 =	vor.u32 v3, v4  }
0x22: {  	v4 =	vperm.xlane v3, v0;
	_ =	sdelay $0x1  }
0x23: {  	v3 =	vperm.xlane v3, v2;
	v4 =	vadd.s32 v1, v4;
	_ =	sdelay $0x1  }
0x24: {  	v3 =	vadd.s32 v1, v3;
	_ =	sdelay $0x2  }
0x25: {  	[tilespmem:s7], [sflag:$0x1] =	stream.indirect_vreg.gather [hbm4b:s3+s2], $0x80, v4, vm0, $0xb8;
	[tilespmem:$0x11880] =	vst v63  }
0x26: {  	s0 =	rddreg [dreg:$0x3]  }
0x27: {  	[tilespmem:s0], [sflag:$0x1] =	stream.indirect_vreg.gather [hbm4b:s3+s2], $0x80, v3, vm0, $0xb8;
	[tilespmem:$0x11880] =	vst v63  }
0x28: {  	v3 =	vld [tilespmem:s31+$0xFFFFFF98];
	_ =	sdelay $0x4  }
0x29: {  	v49 =	vshll.u32 v3, $0x1  }
0x2a: {  	v3 =	vand.u32 $0x7, v3;
	v4 =	vand.u32 $0xFFFFFFF0, v49  }
0x2b: {  	v3 =	vor.u32 v3, v4  }
0x2c: {  	v4 =	vperm.xlane v3, v0;
	_ =	sdelay $0x1  }
0x2d: {  	v3 =	vperm.xlane v3, v2;
	v4 =	vadd.s32 v1, v4;
	_ =	sdelay $0x1  }
0x2e: {  	v3 =	vadd.s32 v1, v3;
	_ =	sdelay $0x1  }
0x2f: {  	s0 =	rddreg [dreg:$0x4]  }
0x30: {  	[tilespmem:s0], [sflag:$0x1] =	stream.indirect_vreg.gather [hbm4b:s3+s2], $0x80, v4, vm0, $0xb8;
	[tilespmem:$0x11880] =	vst v63  }
0x31: {  	s4 =	rddreg [dreg:$0x5]  }
0x32: {  	[tilespmem:s4], [sflag:$0x1] =	stream.indirect_vreg.gather [hbm4b:s3+s2], $0x80, v3, vm0, $0xb8;
	[tilespmem:$0x11880] =	vst v63  }
0x33: {  	v3 =	vld [tilespmem:s31+$0xFFFFFFA8];
	_ =	sdelay $0x4  }
0x34: {  	v50 =	vshll.u32 v3, $0x1  }
0x35: {  	v3 =	vand.u32 $0x7, v3;
	v4 =	vand.u32 $0xFFFFFFF0, v50  }
0x36: {  	v3 =	vor.u32 v3, v4  }
0x37: {  	v4 =	vperm.xlane v3, v0;
	_ =	sdelay $0x1  }
0x38: {  	v3 =	vperm.xlane v3, v2;
	v4 =	vadd.s32 v1, v4;
	_ =	sdelay $0x1  }
0x39: {  	v3 =	vadd.s32 v1, v3;
	_ =	sdelay $0x1  }
0x3a: {  	s0 =	rddreg [dreg:$0x6]  }
0x3b: {  	[tilespmem:s0], [sflag:$0x1] =	stream.indirect_vreg.gather [hbm4b:s3+s2], $0x80, v4, vm0, $0xb8;
	[tilespmem:$0x11880] =	vst v63  }
0x3c: {  	s4 =	rddreg [dreg:$0x7]  }
0x3d: {  	[tilespmem:s4], [sflag:$0x1] =	stream.indirect_vreg.gather [hbm4b:s3+s2], $0x80, v3, vm0, $0xb8;
	[tilespmem:$0x11880] =	vst v63  }
0x3e: {  	v3 =	vld [tilespmem:s31+$0xFFFFFFB8];
	_ =	sdelay $0x4  }
0x3f: {  	v51 =	vshll.u32 v3, $0x1  }
0x40: {  	v3 =	vand.u32 $0x7, v3;
	v4 =	vand.u32 $0xFFFFFFF0, v51  }
0x41: {  	v3 =	vor.u32 v3, v4  }
0x42: {  	v4 =	vperm.xlane v3, v0;
	_ =	sdelay $0x1  }
0x43: {  	v3 =	vperm.xlane v3, v2;
	v4 =	vadd.s32 v1, v4;
	_ =	sdelay $0x1  }
0x44: {  	v3 =	vadd.s32 v1, v3;
	_ =	sdelay $0x1  }
0x45: {  	s0 =	rddreg [dreg:$0x8]  }
0x46: {  	[tilespmem:s0], [sflag:$0x1] =	stream.indirect_vreg.gather [hbm4b:s3+s2], $0x80, v4, vm0, $0xb8;
	[tilespmem:$0x11880] =	vst v63  }
0x47: {  	s4 =	rddreg [dreg:$0x9]  }
0x48: {  	[tilespmem:s4], [sflag:$0x1] =	stream.indirect_vreg.gather [hbm4b:s3+s2], $0x80, v3, vm0, $0xb8;
	[tilespmem:$0x11880] =	vst v63  }
0x49: {  	v3 =	vld [tilespmem:s31+$0xFFFFFFC8];
	_ =	sdelay $0x4  }
0x4a: {  	v52 =	vshll.u32 v3, $0x1  }
0x4b: {  	v3 =	vand.u32 $0x7, v3;
	v4 =	vand.u32 $0xFFFFFFF0, v52  }
0x4c: {  	v3 =	vor.u32 v3, v4  }
0x4d: {  	v4 =	vperm.xlane v3, v0;
	_ =	sdelay $0x1  }
0x4e: {  	v3 =	vperm.xlane v3, v2;
	v4 =	vadd.s32 v1, v4;
	_ =	sdelay $0x1  }
0x4f: {  	v3 =	vadd.s32 v1, v3;
	_ =	sdelay $0x1  }
0x50: {  	s0 =	rddreg [dreg:$0xa]  }
0x51: {  	[tilespmem:s0], [sflag:$0x1] =	stream.indirect_vreg.gather [hbm4b:s3+s2], $0x80, v4, vm0, $0xb8;
	[tilespmem:$0x11880] =	vst v63  }
0x52: {  	s4 =	rddreg [dreg:$0xb]  }
0x53: {  	[tilespmem:s4], [sflag:$0x1] =	stream.indirect_vreg.gather [hbm4b:s3+s2], $0x80, v3, vm0, $0xb8;
	[tilespmem:$0x11880] =	vst v63  }
0x54: {  	v3 =	vld [tilespmem:s31+$0xFFFFFFD8];
	_ =	sdelay $0x4  }
0x55: {  	v53 =	vshll.u32 v3, $0x1  }
0x56: {  	v3 =	vand.u32 $0x7, v3;
	v4 =	vand.u32 $0xFFFFFFF0, v53  }
0x57: {  	v3 =	vor.u32 v3, v4  }
0x58: {  	v4 =	vperm.xlane v3, v0;
	_ =	sdelay $0x1  }
0x59: {  	v3 =	vperm.xlane v3, v2;
	v4 =	vadd.s32 v1, v4;
	_ =	sdelay $0x1  }
0x5a: {  	v3 =	vadd.s32 v1, v3;
	_ =	sdelay $0x1  }
0x5b: {  	s4 =	rddreg [dreg:$0xc]  }
0x5c: {  	[tilespmem:s4], [sflag:$0x1] =	stream.indirect_vreg.gather [hbm4b:s3+s2], $0x80, v4, vm0, $0xb8;
	[tilespmem:$0x11880] =	vst v63  }
0x5d: {  	_ = 	snop  }
0x5e: {  	[tilespmem:s8], [sflag:$0x1] =	stream.indirect_vreg.gather [hbm4b:s3+s2], $0x80, v3, vm0, $0xb8;
	[tilespmem:$0x11880] =	vst v63  }
0x5f: {  	v3 =	vld [tilespmem:s31+$0xFFFFFFE8];
	_ =	sdelay $0x4  }
0x60: {  	v54 =	vshll.u32 v3, $0x1  }
0x61: {  	v3 =	vand.u32 $0x7, v3;
	v4 =	vand.u32 $0xFFFFFFF0, v54  }
0x62: {  	v3 =	vor.u32 v3, v4  }
0x63: {  	v4 =	vperm.xlane v3, v0;
	_ =	sdelay $0x1  }
0x64: {  	v3 =	vperm.xlane v3, v2;
	v4 =	vadd.s32 v1, v4;
	_ =	sdelay $0x1  }
0x65: {  	v3 =	vadd.s32 v1, v3;
	_ =	sdelay $0x2  }
0x66: {  	[tilespmem:s9], [sflag:$0x1] =	stream.indirect_vreg.gather [hbm4b:s3+s2], $0x80, v4, vm0, $0xb8;
	[tilespmem:$0x11880] =	vst v63  }
0x67: {  	_ = 	snop  }
0x68: {  	[tilespmem:s10], [sflag:$0x1] =	stream.indirect_vreg.gather [hbm4b:s3+s2], $0x80, v3, vm0, $0xb8;
	[tilespmem:$0x11880] =	vst v63  }
0x69: {  	v3 =	vld.msk [tilespmem:s31+$0xFFFFFFF8], $0xff;
	_ =	sdelay $0x4  }
0x6a: {  	v55 =	vshll.u32 v3, $0x1  }
0x6b: {  	v3 =	vand.u32 $0x7, v3;
	v4 =	vand.u32 $0xFFFFFFF0, v55  }
0x6c: {  	v3 =	vor.u32 v3, v4  }
0x6d: {  	v3 =	vperm.xlane v3, v0;
	_ =	sdelay $0x1  }
0x6e: {  	v3 =	vadd.s32 v1, v3;
	_ =	sdelay $0x4  }
0x6f: {  	[tilespmem:s11], [sflag:$0x1] =	stream.indirect_vreg.gather [hbm4b:s3+s2], $0x80, v3, vm0, $0xb8;
	[tilespmem:$0x11880] =	vst v63  }
0x70: {  	v3 =	vld [tilespmem:s31+$0x0];
	_ =	sdelay $0x4  }
0x71: {  	v56 =	vshll.u32 v3, $0x1  }
0x72: {  	v3 =	vand.u32 $0x7, v3;
	v4 =	vand.u32 $0xFFFFFFF0, v56  }
0x73: {  	v3 =	vor.u32 v3, v4  }
0x74: {  	v4 =	vperm.xlane v3, v0;
	_ =	sdelay $0x1  }
0x75: {  	v3 =	vperm.xlane v3, v2;
	v4 =	vadd.s32 v1, v4;
	_ =	sdelay $0x1  }
0x76: {  	v3 =	vadd.s32 v1, v3;
	_ =	sdelay $0x2  }
0x77: {  	[tilespmem:s12], [sflag:$0x2] =	stream.indirect_vreg.gather [hbm4b:s3+s2], $0x80, v4, vm0, $0xb8;
	[tilespmem:$0x11880] =	vst v63  }
0x78: {  	_ = 	snop  }
0x79: {  	[tilespmem:s13], [sflag:$0x2] =	stream.indirect_vreg.gather [hbm4b:s3+s2], $0x80, v3, vm0, $0xb8;
	[tilespmem:$0x11880] =	vst v63  }
0x7a: {  	v3 =	vld [tilespmem:s31+$0x10];
	_ =	sdelay $0x4  }
0x7b: {  	v57 =	vshll.u32 v3, $0x1  }
0x7c: {  	v3 =	vand.u32 $0x7, v3;
	v4 =	vand.u32 $0xFFFFFFF0, v57  }
0x7d: {  	v3 =	vor.u32 v3, v4  }
0x7e: {  	v4 =	vperm.xlane v3, v0;
	_ =	sdelay $0x1  }
0x7f: {  	v3 =	vperm.xlane v3, v2;
	v4 =	vadd.s32 v1, v4;
	_ =	sdelay $0x1  }
0x80: {  	v3 =	vadd.s32 v1, v3;
	_ =	sdelay $0x2  }
0x81: {  	[tilespmem:s14], [sflag:$0x2] =	stream.indirect_vreg.gather [hbm4b:s3+s2], $0x80, v4, vm0, $0xb8;
	[tilespmem:$0x11880] =	vst v63  }
0x82: {  	_ = 	snop  }
0x83: {  	[tilespmem:s15], [sflag:$0x2] =	stream.indirect_vreg.gather [hbm4b:s3+s2], $0x80, v3, vm0, $0xb8;
	[tilespmem:$0x11880] =	vst v63  }
0x84: {  	v3 =	vld [tilespmem:s31+$0x20];
	_ =	sdelay $0x4  }
0x85: {  	v58 =	vshll.u32 v3, $0x1  }
0x86: {  	v3 =	vand.u32 $0x7, v3;
	v4 =	vand.u32 $0xFFFFFFF0, v58  }
0x87: {  	v3 =	vor.u32 v3, v4  }
0x88: {  	v4 =	vperm.xlane v3, v0;
	_ =	sdelay $0x1  }
0x89: {  	v3 =	vperm.xlane v3, v2;
	v4 =	vadd.s32 v1, v4;
	_ =	sdelay $0x1  }
0x8a: {  	v3 =	vadd.s32 v1, v3;
	_ =	sdelay $0x2  }
0x8b: {  	[tilespmem:s16], [sflag:$0x2] =	stream.indirect_vreg.gather [hbm4b:s3+s2], $0x80, v4, vm0, $0xb8;
	[tilespmem:$0x11880] =	vst v63  }
0x8c: {  	_ = 	snop  }
0x8d: {  	[tilespmem:s17], [sflag:$0x2] =	stream.indirect_vreg.gather [hbm4b:s3+s2], $0x80, v3, vm0, $0xb8;
	[tilespmem:$0x11880] =	vst v63  }
0x8e: {  	v3 =	vld [tilespmem:s31+$0x30];
	_ =	sdelay $0x4  }
0x8f: {  	v59 =	vshll.u32 v3, $0x1  }
0x90: {  	v3 =	vand.u32 $0x7, v3;
	v4 =	vand.u32 $0xFFFFFFF0, v59  }
0x91: {  	v3 =	vor.u32 v3, v4  }
0x92: {  	v4 =	vperm.xlane v3, v0;
	_ =	sdelay $0x1  }
0x93: {  	v3 =	vperm.xlane v3, v2;
	v4 =	vadd.s32 v1, v4;
	_ =	sdelay $0x1  }
0x94: {  	v3 =	vadd.s32 v1, v3;
	_ =	sdelay $0x2  }
0x95: {  	[tilespmem:s18], [sflag:$0x2] =	stream.indirect_vreg.gather [hbm4b:s3+s2], $0x80, v4, vm0, $0xb8;
	[tilespmem:$0x11880] =	vst v63  }
0x96: {  	_ = 	snop  }
0x97: {  	[tilespmem:s19], [sflag:$0x2] =	stream.indirect_vreg.gather [hbm4b:s3+s2], $0x80, v3, vm0, $0xb8;
	[tilespmem:$0x11880] =	vst v63  }
0x98: {  	v3 =	vld [tilespmem:s31+$0x40];
	_ =	sdelay $0x4  }
0x99: {  	v60 =	vshll.u32 v3, $0x1  }
0x9a: {  	v3 =	vand.u32 $0x7, v3;
	v4 =	vand.u32 $0xFFFFFFF0, v60  }
0x9b: {  	v3 =	vor.u32 v3, v4  }
0x9c: {  	v4 =	vperm.xlane v3, v0;
	_ =	sdelay $0x1  }
0x9d: {  	v3 =	vperm.xlane v3, v2;
	v4 =	vadd.s32 v1, v4;
	_ =	sdelay $0x1  }
0x9e: {  	v3 =	vadd.s32 v1, v3;
	_ =	sdelay $0x2  }
0x9f: {  	[tilespmem:s20], [sflag:$0x2] =	stream.indirect_vreg.gather [hbm4b:s3+s2], $0x80, v4, vm0, $0xb8;
	[tilespmem:$0x11880] =	vst v63  }
0xa0: {  	_ = 	snop  }
0xa1: {  	[tilespmem:s21], [sflag:$0x2] =	stream.indirect_vreg.gather [hbm4b:s3+s2], $0x80, v3, vm0, $0xb8;
	[tilespmem:$0x11880] =	vst v63  }
0xa2: {  	v3 =	vld [tilespmem:s31+$0x50];
	_ =	sdelay $0x4  }
0xa3: {  	v61 =	vshll.u32 v3, $0x1  }
0xa4: {  	v3 =	vand.u32 $0x7, v3;
	v4 =	vand.u32 $0xFFFFFFF0, v61  }
0xa5: {  	v3 =	vor.u32 v3, v4  }
0xa6: {  	v4 =	vperm.xlane v3, v0;
	_ =	sdelay $0x1  }
0xa7: {  	v3 =	vperm.xlane v3, v2;
	v4 =	vadd.s32 v1, v4;
	_ =	sdelay $0x1  }
0xa8: {  	v3 =	vadd.s32 v1, v3;
	_ =	sdelay $0x2  }
0xa9: {  	[tilespmem:s22], [sflag:$0x2] =	stream.indirect_vreg.gather [hbm4b:s3+s2], $0x80, v4, vm0, $0xb8;
	[tilespmem:$0x11880] =	vst v63  }
0xaa: {  	_ = 	snop  }
0xab: {  	[tilespmem:s23], [sflag:$0x2] =	stream.indirect_vreg.gather [hbm4b:s3+s2], $0x80, v3, vm0, $0xb8;
	[tilespmem:$0x11880] =	vst v63  }
0xac: {  	v3 =	vld [tilespmem:s31+$0x60];
	_ =	sdelay $0x4  }
0xad: {  	v62 =	vshll.u32 v3, $0x1  }
0xae: {  	v3 =	vand.u32 $0x7, v3;
	v4 =	vand.u32 $0xFFFFFFF0, v62  }
0xaf: {  	v3 =	vor.u32 v3, v4  }
0xb0: {  	v4 =	vperm.xlane v3, v0;
	_ =	sdelay $0x1  }
0xb1: {  	v3 =	vperm.xlane v3, v2;
	v4 =	vadd.s32 v1, v4;
	_ =	sdelay $0x1  }
0xb2: {  	v3 =	vadd.s32 v1, v3;
	_ =	sdelay $0x2  }
0xb3: {  	[tilespmem:s24], [sflag:$0x2] =	stream.indirect_vreg.gather [hbm4b:s3+s2], $0x80, v4, vm0, $0xb8;
	[tilespmem:$0x11880] =	vst v63  }
0xb4: {  	_ = 	snop  }
0xb5: {  	[tilespmem:s25], [sflag:$0x2] =	stream.indirect_vreg.gather [hbm4b:s3+s2], $0x80, v3, vm0, $0xb8;
	[tilespmem:$0x11880] =	vst v63  }
0xb6: {  	v3 =	vld.msk [tilespmem:s31+$0x70], $0xff;
	_ =	sdelay $0x4  }
0xb7: {  	v63 =	vshll.u32 v3, $0x1  }
0xb8: {  	v3 =	vand.u32 $0x7, v3;
	v4 =	vand.u32 $0xFFFFFFF0, v63  }
0xb9: {  	v3 =	vor.u32 v3, v4  }
0xba: {  	v3 =	vperm.xlane v3, v0;
	_ =	sdelay $0x1  }
0xbb: {  	v3 =	vadd.s32 v1, v3;
	_ =	sdelay $0x4  }
0xbc: {  	[tilespmem:s26], [sflag:$0x2] =	stream.indirect_vreg.gather [hbm4b:s3+s2], $0x80, v3, vm0, $0xb8;
	[tilespmem:$0x11880] =	vst v63  }
0xbd: {  	_ =	swait.ge [sflag:s28], $0x7800  }
0xbe: {  	s4 =	rddreg [dreg:$0x2];
	[sflag:s28] =	ssyncset.done $0x0  }
0xbf: {  	[sflag:s28] =	ssyncadd.s32 $0xFFFF8800;
	s0 =	sadd.s32 s1, s4  }
0xc0: {  	[hbm4b:s0+s2] =	stream.linear.scatter [tilespmem:s7], [sflag:$0x3], $0x7800, $0x38;
	[tilespmem:$0x11880] =	vst v63  }
0xc1: {  	_ =	swait.ge [sflag:s6], $0x7800  }
0xc2: {  	[sflag:s6] =	ssyncset.done $0x0  }
0xc3: {  	[sflag:s6] =	ssyncadd.s32 $0xFFFF8800  }
0xc4: {  	_ =	swait.ge [sflag:s29], $0x7800  }
0xc5: {  	p0 =	sne.s32 s1, $0x4EC00;
	[sflag:s29] =	ssyncset.done $0x0  }
.Ltmp0:
0xc6: {  	s0 =	sadd.s32 $0xF00, s0;
	[sflag:s29] =	ssyncadd.s32 $0xFFFF8800;
	(pc) =	sbr.rel @p0 .LBB2_2-.Ltmp0, $4  }
0xc7: {  	[hbm4b:s0+s2] =	stream.linear.scatter [tilespmem:s12], [sflag:$0x3], $0x7800, $0x38;
	[tilespmem:$0x11880] =	vst v63  }
0xc8: {  	_ =	swait.ge [sflag:s6], $0x7800  }
0xc9: {  	[sflag:s6] =	ssyncset.done $0x0  }
0xca: {  	s31 =	sadd.s32 $0xF0, s31;
	s1 =	sadd.s32 $0x1E00, s1;
	[sflag:s6] =	ssyncadd.s32 $0xFFFF8800  }
0xcb: {  	s30 =	sadd.s32 $0x1, s30  }
0xcc: {  	p0 =	sne.s32 s30, s5  }
.Ltmp1:
0xcd: {  	_ = 	snop;
	(pc) =	sbr.rel @p0 .LBB2_1-.Ltmp1, $1  }
0xce: {  	_ =	sdelay $0x3  }
0xcf: {  	_ =	sfence.sel $0x180000  }
0xd0: {  	[bflag:$0x0] =	sbarrier.arrive $0xFFFF  }
0xd1: {  	_ =	strace $0x9000004D  }
0xd2: {  	s0 =	stileid.u32;
	[bflag:$0x2] =	sbarrier.arrive $0xFFFF  }
0xd3: {  	p0 =	sne.s32 s0, $0x0;
	s0 =	rddreg [dreg:$0x1]  }
0xd4: {  	s0 =	sadd.s32 @!p0 $0x100000, s0  }
0xd5: {  	[sflag:s0] =	ssyncadd.tile.s32 @!p0 $0x1;
	_ =	shalt  }
.Lfunc_end2:
_tile_overlayer_lowered:
.L_overlay_start_2:
0xd6: {  	(tag) =	ssettag $0x2  }
0xd7: {  	s0 =	rddreg [dreg:$0x0];
	s2 =	stileid.u32  }
0xd8: {  	s1 =	rddreg [dreg:$0x1];
	p0 =	sne.s32 s2, $0x0  }
0xd9: {  	s3 =	rddreg [dreg:$0x2];
	[bflag:$0x3] =	sbarrier.arrive $0xFFFF;
	s2 =	simm.s32 @!p0 $0x1C03  }
0xda: {  	[timem:s3], [sflag:s2] =	dma.local @!p0 [hbm:s0], s1  }
0xdb: {  	s0 =	simm.s32 @!p0 $0x3  }
0xdc: {  	_ =	swait.ge @!p0 [sflag:s0], s1  }
0xdd: {  	s1 =	ssub.s32 @!p0 $0x0, s1;
	[sflag:s0] =	ssyncset.done @!p0 $0x0  }
0xde: {  	[sflag:s0] =	ssyncadd.s32 @!p0 s1  }
0xdf: {  	[bflag:$0x3] =	sbarrier.arrive $0xFFFF  }
0xe0: {  	_ =	shalt  }

// kernel: kernel.22.cloned.1.call-start
scs
__scs_entry_jumppad:
0x0: {  	(pc) =	sbr.rel $0x88, $3  }
0x1: {  	(tag) =	ssettag $0x0;
	lr =	simm.s32 $0x1  }
0x2: {  	[smem:$0x3F90] =	sst lr;
	_ =	strace $0xD0000000  }
0x3: {  	_ = 	snop  }
0x4: {  	_ = 	snop  }
0x5: {  	_ = 	snop  }
0x6: {  	_ = 	snop  }
0x7: {  	_ = 	snop  }
__scs_overlays_trampoline_lowered:
0x8: {  	[smem:$0x3F9F] =	sst s0  }
0x9: {  	[smem:$0x3FA0] =	sst s1  }
0xa: {  	[smem:$0x3FA1] =	sst s2  }
0xb: {  	[smem:$0x3FA2] =	sst s3  }
0xc: {  	[smem:$0x3FA3] =	sst s4  }
0xd: {  	[smem:$0x3FA4] =	sst s5  }
0xe: {  	[smem:$0x3FA5] =	sst s6  }
0xf: {  	[smem:$0x3FA6] =	sst s7  }
0x10: {  	[smem:$0x3FA7] =	sst s8  }
0x11: {  	[smem:$0x3FA8] =	sst s9;
	s0 =	simm.s32 @!p0 $0x0  }
0x12: {  	s1 =	sld [smem:$0x3F8E];
	s0 =	simm.s32 @p0 $0x1  }
0x13: {  	[smem:$0x3FA9] =	sst s0;
	s0 =	simm.s32 @!p1 $0x0  }
0x14: {  	s2 =	sld [smem:$0x3F8D];
	s0 =	simm.s32 @p1 $0x1  }
0x15: {  	[smem:$0x3FAA] =	sst s0;
	s0 =	simm.s32 @!p2 $0x0  }
0x16: {  	s3 =	sld [smem:$0x3FDB];
	s0 =	simm.s32 @p2 $0x1  }
0x17: {  	s4 =	simm.s32 $0x1BF5;
	[smem:$0x3FAC] =	sst s0  }
0x18: {  	s0 =	sld [smem:$0x3F8F];
	_ =	swait.ge [sflag:s4], $0x0  }
0x19: {  	s7 =	sld [smem:$0x3F90]  }
0x1a: {  	s8 =	sadd.s32 $0xFFFFE003, lr  }
0x1b: {  	s9 =	sadd.s32 $0xFFFFFEF7, lr;
	s5 =	simm.s32 $0xFFFFFFFF;
	p2 =	slt.u32 s8, $0xFFFFF086  }
0x1c: {  	p1 =	slt.u32 s9, $0xF7A;
	s5 =	simm.s32 @!p2 $0x0  }
0x1d: {  	s5 =	simm.s32 @p1 $0x1;
	p0 =	seq.s32 s7, s2  }
0x1e: {  	s7 =	smul.u32 @!p0 $0xF7A, s2;
	p2 =	seq.s32 @!p0 s5, $0x0  }
0x1f: {  	s9 =	smul.u32 $0xF7A, s1;
	s8 =	simm.s32 @!p0 $0x1BF5;
	p2 =	por !p2, p0  }
0x20: {  	[sflag:s8] =	ssyncset.s32 @!p0 $0xFFFFF086;
	s6 =	sadd.s32 @!p0 s3, s7;
	s7 =	simm.s32 @!p0 $0x108  }
0x21: {  	s3 =	sadd.s32 s3, s9;
	s6 =	sadd.s32 @!p0 $0x88, s6;
	s7 =	simm.s32 @p2 $0x1082  }
0x22: {  	[simem:s7], [sflag:s8] =	dma.local @!p0 [hbm:s6], $0xF7A  }
0x23: {  	s9 =	sor.u32 $0xD0000000, s2;
	s6 =	simm.s32 $0x108;
	_ =	swait.ge @!p0 [sflag:s8], $0x0  }
0x24: {  	s3 =	sadd.s32 $0x88, s3;
	s6 =	simm.s32 @!p1 $0x1082;
	[sflag:s4] =	ssyncset.s32 $0xFFFFF086  }
0x25: {  	[simem:s6], [sflag:s4] =	dma.local [hbm:s3], $0xF7A  }
0x26: {  	[smem:$0x3F90] =	sst s1;
	(tag) =	ssettag s2;
	_ =	strace s9  }
0x27: {  	s1 =	sld [smem:$0x3FA0]  }
0x28: {  	s2 =	sld [smem:$0x3FA1]  }
0x29: {  	s4 =	sld [smem:$0x3FA3]  }
0x2a: {  	p0 =	seq.s32 s5, $0x0;
	s5 =	sld [smem:$0x3FA4]  }
0x2b: {  	s6 =	sld [smem:$0x3FA5]  }
0x2c: {  	s7 =	sld [smem:$0x3FA6]  }
0x2d: {  	s3 =	simm.s32 $0x108;
	s8 =	sld [smem:$0x3FA7]  }
0x2e: {  	s3 =	simm.s32 @!p0 $0x1082;
	s9 =	sld [smem:$0x3FA8]  }
0x2f: {  	lr =	sadd.s32 s0, s3;
	s0 =	sld [smem:$0x3F9F]  }
0x30: {  	s3 =	sld [smem:$0x3FA2]  }
0x31: {  	[smem:$0x3FAB] =	sst s10  }
0x32: {  	s10 =	sld [smem:$0x3FA9];
	_ =	sdelay $0x3  }
0x33: {  	p0 =	seq.s32 s10, $0x1;
	s10 =	sld [smem:$0x3FAB];
	_ =	sdelay $0x3  }
0x34: {  	[smem:$0x3FAB] =	sst s10  }
0x35: {  	s10 =	sld [smem:$0x3FAA];
	_ =	sdelay $0x3  }
0x36: {  	p1 =	seq.s32 s10, $0x1;
	s10 =	sld [smem:$0x3FAB];
	_ =	sdelay $0x3  }
0x37: {  	[smem:$0x3FAB] =	sst s10  }
0x38: {  	s10 =	sld [smem:$0x3FAC]  }
0x39: {  	_ = 	snop;
	(pc) =	sbr.ind lr, $3  }
0x3a: {  	_ = 	snop  }
0x3b: {  	_ = 	snop  }
0x3c: {  	p2 =	seq.s32 s10, $0x1;
	s10 =	sld [smem:$0x3FAB]  }
0x3d: {  	_ =	shalt  }
0x3e: {  	_ =	shalt  }
0x3f: {  	_ =	shalt  }
0x40: {  	_ =	shalt  }
0x41: {  	_ =	shalt  }
0x42: {  	_ =	shalt  }
0x43: {  	_ =	shalt  }
0x44: {  	_ =	shalt  }
0x45: {  	_ =	shalt  }
0x46: {  	_ =	shalt  }
0x47: {  	_ =	shalt  }
0x48: {  	_ =	shalt  }
0x49: {  	_ =	shalt  }
0x4a: {  	_ =	shalt  }
0x4b: {  	_ =	shalt  }
0x4c: {  	_ =	shalt  }
0x4d: {  	_ =	shalt  }
0x4e: {  	_ =	shalt  }
0x4f: {  	_ =	shalt  }
0x50: {  	_ =	shalt  }
0x51: {  	_ =	shalt  }
0x52: {  	_ =	shalt  }
0x53: {  	_ =	shalt  }
0x54: {  	_ =	shalt  }
0x55: {  	_ =	shalt  }
0x56: {  	_ =	shalt  }
0x57: {  	_ =	shalt  }
0x58: {  	_ =	shalt  }
0x59: {  	_ =	shalt  }
0x5a: {  	_ =	shalt  }
0x5b: {  	_ =	shalt  }
0x5c: {  	_ =	shalt  }
0x5d: {  	_ =	shalt  }
0x5e: {  	_ =	shalt  }
0x5f: {  	_ =	shalt  }
0x60: {  	_ =	shalt  }
0x61: {  	_ =	shalt  }
0x62: {  	_ =	shalt  }
0x63: {  	_ =	shalt  }
0x64: {  	_ =	shalt  }
0x65: {  	_ =	shalt  }
0x66: {  	_ =	shalt  }
0x67: {  	_ =	shalt  }
0x68: {  	_ =	shalt  }
0x69: {  	_ =	shalt  }
0x6a: {  	_ =	shalt  }
0x6b: {  	_ =	shalt  }
0x6c: {  	_ =	shalt  }
0x6d: {  	_ =	shalt  }
0x6e: {  	_ =	shalt  }
0x6f: {  	_ =	shalt  }
0x70: {  	_ =	shalt  }
0x71: {  	_ =	shalt  }
0x72: {  	_ =	shalt  }
0x73: {  	_ =	shalt  }
0x74: {  	_ =	shalt  }
0x75: {  	_ =	shalt  }
0x76: {  	_ =	shalt  }
0x77: {  	_ =	shalt  }
0x78: {  	_ =	shalt  }
0x79: {  	_ =	shalt  }
0x7a: {  	_ =	shalt  }
0x7b: {  	_ =	shalt  }
0x7c: {  	_ =	shalt  }
0x7d: {  	_ =	shalt  }
0x7e: {  	_ =	shalt  }
0x7f: {  	_ =	shalt  }
0x80: {  	_ =	shalt  }
0x81: {  	_ =	shalt  }
0x82: {  	_ =	shalt  }
0x83: {  	_ =	shalt  }
0x84: {  	_ =	shalt  }
0x85: {  	_ =	shalt  }
0x86: {  	_ =	shalt  }
0x87: {  	_ =	shalt  }
.Lfunc_end0:
.L_simem_size_0:
called_computation.3_lowered:
.L_overlay_start_0:
0x88: {  	s2 =	sld [smem:$0x3FD9]  }
0x89: {  	s3 =	sld [smem:$0x3FFE];
	_ =	sdelay $0x1  }
0x8a: {  	s1 =	srdreg.scid  }
0x8b: {  	s0 =	sand.u32 $0x1, s1  }
0x8c: {  	s16 =	sshll.u32 s0, $0xA;
	s2 =	sadd.s32 s3, s2  }
0x8d: {  	s2 =	sadd.s32 s2, s16  }
0x8e: {  	[smem:$0x3FB7] =	sst s2  }
0x8f: {  	_ = 	snop  }
0x90: {  	(tm) =	ssettm $0x1  }
0x91: {  	s17 =	sld [smem:$0x3FFB];
	_ =	sdelay $0x3  }
0x92: {  	_ =	strace s17  }
0x93: {  	s2 =	sld [smem:$0x3FFC];
	_ =	sdelay $0x3  }
0x94: {  	_ =	strace s2  }
0x95: {  	s2 =	sld [smem:$0x3FFD];
	_ =	sdelay $0x3  }
0x96: {  	_ =	strace s2  }
0x97: {  	_ =	strace $0x8FFFFFFF  }
0x98: {  	s18 =	sld [smem:$0x3FDB];
	_ =	sdelay $0x1  }
0x99: {  	s19 =	simm.s32 $_scs_section_size  }
0x9a: {  	s4 =	simm.s32 $_size__tile_overlayer_lowered;
	s5 =	simm.s32 $_tile_overlayer_lowered  }
0x9b: {  	s22 =	simm.s32 $0x1BFF;
	s21 =	sshll.u32 s5, $0x1;
	s2 =	sadd.s32 s19, s18  }
0x9c: {  	s6 =	simm.s32 $0x0;
	s20 =	sshll.u32 s4, $0x1;
	s4 =	sadd.s32 s21, s2  }
0x9d: {  	[timem:s6], [sflag:s22] =	dma.local [hbm:s4], s20  }
0x9e: {  	_ =	swait.ge [sflag:s22], s20  }
0x9f: {  	s3 =	ssub.s32 $0x0, s20;
	[sflag:s22] =	ssyncset.done $0x0  }
0xa0: {  	[sflag:s22] =	ssyncadd.s32 s3;
	_ =	sdelay $0x1  }
0xa1: {  	s23 =	simm.s32 $0x1B8B  }
0xa2: {  	_ =	swait.ge [sflag:s23], $0x1  }
0xa3: {  	[sflag:s23] =	ssyncset.done $0x0  }
0xa4: {  	s25 =	simm.s32 $0x1B8E;
	s24 =	sld [smem:$0x3FFE];
	[sflag:s23] =	ssyncadd.s32 $0xFFFFFFFF  }
0xa5: {  	s26 =	simm.s32 $execute0_lowered;
	[smem:$0x3FD2] =	sst s25  }
0xa6: {  	s4 =	sshll.u32 s26, $0x1;
	_ =	strace $0x8000004F;
	[dreg:$0x1] =	wrdreg $0xFFFFFFFF  }
0xa7: {  	s28 =	simm.s32 $_size_execute0_lowered;
	s2 =	sadd.s32 s2, s4;
	[dreg:$0x0] =	wrdreg $0x0  }
0xa8: {  	s4 =	sshll.u32 s28, $0x1;
	[dreg:$0x2] =	wrdreg s2  }
0xa9: {  	[dreg:$0x3] =	wrdreg s4  }
0xaa: {  	[dreg:$0x4] =	wrdreg $0xC0  }
0xab: {  	_ =	task [dreg:s6], $0x5FFFF  }
0xac: {  	[dreg:$0x1] =	wrdreg $0xFFFFFFFF  }
0xad: {  	[dreg:$0x0] =	wrdreg $0x60  }
0xae: {  	[dreg:$0x2] =	wrdreg s24  }
0xaf: {  	[dreg:$0x3] =	wrdreg $0x9  }
0xb0: {  	_ =	task.clear_ibuf [dreg:s6], $0x4FFFF;
	_ =	strace $0x9000004F  }
0xb1: {  	s29 =	simm.s32 $0x9;
	_ =	strace $0x80000051  }
0xb2: {  	_ =	swait.ge [sflag:s29], $0x1  }
0xb3: {  	[sflag:s29] =	ssyncadd.s32 $0xFFFFFFFF  }
0xb4: {  	_ =	strace $0x90000051  }
0xb5: {  	_ =	sfence  }
0xb6: {  	s30 =	sld [smem:$0x0];
	_ =	sdelay $0x2  }
0xb7: {  	s31 =	sshll.u32 s1, $0xD;
	s1 =	sshrl.u32 s1, $0x2  }
0xb8: {  	s3 =	sand.u32 $0x4000, s31;
	s1 =	sadd.s32 s1, s30  }
0xb9: {  	s0 =	sor.u32 s3, s0;
	s1 =	sshll.u32 s1, $0x11  }
0xba: {  	s0 =	sor.u32 s1, s0  }
0xbb: {  	s0 =	sadd.s32 $0x8F2B, s0  }
0xbc: {  	[sflag:s0] =	ssyncadd.remote.s32 $0x1  }
0xbd: {  	_ =	sfence.sel $0xFFFF  }
0xbe: {  	[dreg:$0x0] =	wrdreg $0xFFFFFFFF;
	(pc) =	sbr.abs _section_cstart, $3  }
0xbf: {  	[dreg:$0x1] =	wrdreg $0xFFFFFFFF  }
0xc0: {  	_ =	task.clear_ibuf [dreg:s6], $0x2FFFF;
	_ =	strace $0x9FFFFFFF  }
0xc1: {  	(tm) =	ssettm $0x7FFFFFFF  }
tec
execute0_lowered:
.L_overlay_start_1:
0x0: {  	(tag) =	ssettag $0x1  }
0x1: {  	s1 =	srdreg.scid  }
0x2: {  	s0 =	stileid.u32;
	s4 =	rddreg [dreg:$0x0];
	s2 =	simm.s32 $0x0  }
0x3: {  	s9 =	simm.s32 $0x2880;
	s10 =	simm.s32 $0x6480;
	s11 =	simm.s32 $0x1  }
0x4: {  	s12 =	simm.s32 $0x2;
	s13 =	simm.s32 $0x0;
	s5 =	sand.u32 $0x1, s1  }
0x5: {  	s3 =	sshll.u32 s0, $0x1;
	[smem:$0x7FF] =	sst s2;
	s7 =	smul.u32 $0x50A00, s0  }
0x6: {  	s3 =	sor.u32 s5, s3;
	s8 =	ssub.s32 $0x2, s5;
	s5 =	smul.u32 $0x28500, s5  }
0x7: {  	s1 =	rddreg [dreg:$0x1];
	_ =	strace $0x80000050;
	s6 =	smul.u32 $0x2850, s3  }
0x8: {  	s3 =	sadd.s32 $0x84800, s4;
	s7 =	sadd.s32 s7, s4;
	s30 =	sshrl.u32 s8, $0x1  }
0x9: {  	s8 =	ssub.s32 s8, s30;
	s31 =	sadd.s32 s5, s7;
	s6 =	sshrl.u32 s6, $0x3  }
0xa: {  	s7 =	simm.s32 $0x3;
	s5 =	smax.u32 s8, $0x1;
	s6 =	sadd.s32 s6, s4  }
0xb: {  	s8 =	simm.s32 $0x78;
	s4 =	sadd.s32 $0x3C00, s6;
	s6 =	sadd.s32 $0xAC180, s31  }
.LBB2_1:
0xc: {  	[tilespmem:s2], [sflag:$0x3] =	stream.linear.gather [hbm4b:s4+s2], $0x2850, $0x38;
	[tilespmem:$0xA080] =	vst v63  }
0xd: {  	_ =	swait.ge [sflag:s7], $0x2850  }
0xe: {  	[sflag:s7] =	ssyncset.done $0x0  }
0xf: {  	s14 =	simm.s32 $0x0;
	[sflag:s7] =	ssyncadd.s32 $0xFFFFD7B0  }
0x10: {  	[tilespmem:s9], [sflag:$0x1] =	stream.indirect.gather [hbm4b:s3+s8], $0x80, s14, s8, $0xb8;
	[tilespmem:$0xA080] =	vst v63  }
0x11: {  	s30 =	simm.s32 $0x78  }
0x12: {  	[tilespmem:s10], [sflag:$0x2] =	stream.indirect.gather [hbm4b:s3+s8], $0x80, s30, s8, $0xb8;
	[tilespmem:$0xA080] =	vst v63  }
0x13: {  	_ =	swait.ge [sflag:s11], $0x3C00  }
0x14: {  	[sflag:s11] =	ssyncset.done $0x0  }
0x15: {  	s31 =	sadd.s32 $0xFFFFF880, s6;
	[sflag:s11] =	ssyncadd.s32 $0xFFFFC400  }
0x16: {  	[hbm4b:s31+s2] =	stream.linear.scatter [tilespmem:s9], [sflag:$0x3], $0x3C00, $0x38;
	[tilespmem:$0xA080] =	vst v63  }
0x17: {  	_ =	swait.ge [sflag:s7], $0x3C00  }
0x18: {  	[sflag:s7] =	ssyncset.done $0x0  }
0x19: {  	[sflag:s7] =	ssyncadd.s32 $0xFFFFC400  }
0x1a: {  	_ =	swait.ge [sflag:s12], $0x3C00  }
0x1b: {  	[sflag:s12] =	ssyncset.done $0x0  }
0x1c: {  	[sflag:s12] =	ssyncadd.s32 $0xFFFFC400  }
0x1d: {  	[hbm4b:s6+s2] =	stream.linear.scatter [tilespmem:s10], [sflag:$0x3], $0x3C00, $0x38;
	[tilespmem:$0xA080] =	vst v63  }
0x1e: {  	s15 =	simm.s32 $0x3C0;
	_ =	swait.ge [sflag:s7], $0x3C00  }
0x1f: {  	s16 =	simm.s32 $0x780;
	s14 =	sadd.s32 $0xF00, s6;
	[sflag:s7] =	ssyncset.done $0x0  }
.LBB2_2:
0x20: {  	s17 =	sshra.s32 s15, $0x2  }
0x21: {  	[sflag:s7] =	ssyncadd.s32 $0xFFFFC400;
	s15 =	smov.u32 s16;
	s18 =	sadd.s32 $0x3C0, s16  }
0x22: {  	[tilespmem:s9], [sflag:$0x1] =	stream.indirect.gather [hbm4b:s3+s8], $0x80, s17, s8, $0xb8;
	[tilespmem:$0xA080] =	vst v63  }
0x23: {  	p0 =	sne.s32 s16, $0x9D80;
	s16 =	sadd.s32 $0x78, s17  }
0x24: {  	[tilespmem:s10], [sflag:$0x2] =	stream.indirect.gather [hbm4b:s3+s8], $0x80, s16, s8, $0xb8;
	[tilespmem:$0xA080] =	vst v63  }
0x25: {  	_ =	swait.ge [sflag:s11], $0x3C00  }
0x26: {  	[sflag:s11] =	ssyncset.done $0x0  }
0x27: {  	s16 =	sadd.s32 $0xFFFFF880, s14;
	[sflag:s11] =	ssyncadd.s32 $0xFFFFC400  }
0x28: {  	[hbm4b:s16+s2] =	stream.linear.scatter [tilespmem:s9], [sflag:$0x3], $0x3C00, $0x38;
	[tilespmem:$0xA080] =	vst v63  }
0x29: {  	_ =	swait.ge [sflag:s7], $0x3C00  }
0x2a: {  	[sflag:s7] =	ssyncset.done $0x0  }
0x2b: {  	[sflag:s7] =	ssyncadd.s32 $0xFFFFC400  }
0x2c: {  	_ =	swait.ge [sflag:s12], $0x3C00  }
.Ltmp0:
0x2d: {  	[sflag:s12] =	ssyncset.done $0x0;
	(pc) =	sbr.rel @p0 .LBB2_2-.Ltmp0, $4  }
0x2e: {  	[sflag:s12] =	ssyncadd.s32 $0xFFFFC400  }
0x2f: {  	[hbm4b:s14+s2] =	stream.linear.scatter [tilespmem:s10], [sflag:$0x3], $0x3C00, $0x38;
	[tilespmem:$0xA080] =	vst v63  }
0x30: {  	_ =	swait.ge [sflag:s7], $0x3C00  }
0x31: {  	s16 =	smov.u32 s18;
	s14 =	sadd.s32 $0xF00, s14;
	[sflag:s7] =	ssyncset.done $0x0  }
0x32: {  	s15 =	sshra.s32 s15, $0x2;
	[sflag:s7] =	ssyncadd.s32 $0xFFFFC400  }
0x33: {  	[tilespmem:s9], [sflag:$0x1] =	stream.indirect.gather [hbm4b:s3+s8], $0x80, s15, s8, $0xb8;
	[tilespmem:$0xA080] =	vst v63  }
0x34: {  	s15 =	sadd.s32 $0x78, s15  }
0x35: {  	[tilespmem:s10], [sflag:$0x2] =	stream.indirect.gather [hbm4b:s3+s8], $0x80, s15, s8, $0xb8;
	[tilespmem:$0xA080] =	vst v63  }
0x36: {  	_ =	swait.ge [sflag:s11], $0x3C00  }
0x37: {  	[sflag:s11] =	ssyncset.done $0x0  }
0x38: {  	s31 =	sadd.s32 $0xFFFFF880, s14;
	[sflag:s11] =	ssyncadd.s32 $0xFFFFC400  }
0x39: {  	[hbm4b:s31+s2] =	stream.linear.scatter [tilespmem:s9], [sflag:$0x3], $0x3C00, $0x38;
	[tilespmem:$0xA080] =	vst v63  }
0x3a: {  	_ =	swait.ge [sflag:s7], $0x3C00  }
0x3b: {  	[sflag:s7] =	ssyncset.done $0x0  }
0x3c: {  	[sflag:s7] =	ssyncadd.s32 $0xFFFFC400  }
0x3d: {  	s13 =	sadd.s32 $0x1, s13;
	_ =	swait.ge [sflag:s12], $0x3C00  }
0x3e: {  	p0 =	sne.s32 s13, s5;
	[sflag:s12] =	ssyncset.done $0x0  }
.Ltmp1:
0x3f: {  	[sflag:s12] =	ssyncadd.s32 $0xFFFFC400;
	(pc) =	sbr.rel @p0 .LBB2_1-.Ltmp1, $4  }
0x40: {  	[hbm4b:s14+s2] =	stream.linear.scatter [tilespmem:s10], [sflag:$0x3], $0x3C00, $0x38;
	[tilespmem:$0xA080] =	vst v63  }
0x41: {  	_ =	swait.ge [sflag:s7], $0x3C00  }
0x42: {  	[sflag:s7] =	ssyncset.done $0x0  }
0x43: {  	[sflag:s7] =	ssyncadd.s32 $0xFFFFC400  }
0x44: {  	_ =	sfence.sel $0x180000  }
0x45: {  	[bflag:$0x0] =	sbarrier.arrive $0xFFFF  }
0x46: {  	p0 =	sne.s32 s0, $0x0;
	_ =	strace $0x90000050  }
0x47: {  	s0 =	sadd.s32 @!p0 $0x100000, s1;
	[bflag:$0x2] =	sbarrier.arrive $0xFFFF  }
0x48: {  	[sflag:s0] =	ssyncadd.tile.s32 @!p0 $0x1;
	_ =	shalt  }
.Lfunc_end2:
_tile_overlayer_lowered:
.L_overlay_start_2:
0x49: {  	(tag) =	ssettag $0x2  }
0x4a: {  	s0 =	rddreg [dreg:$0x0];
	s2 =	stileid.u32  }
0x4b: {  	s1 =	rddreg [dreg:$0x1];
	p0 =	sne.s32 s2, $0x0  }
0x4c: {  	s3 =	rddreg [dreg:$0x2];
	[bflag:$0x3] =	sbarrier.arrive $0xFFFF;
	s2 =	simm.s32 @!p0 $0x1C03  }
0x4d: {  	[timem:s3], [sflag:s2] =	dma.local @!p0 [hbm:s0], s1  }
0x4e: {  	s0 =	simm.s32 @!p0 $0x3  }
0x4f: {  	_ =	swait.ge @!p0 [sflag:s0], s1  }
0x50: {  	s1 =	ssub.s32 @!p0 $0x0, s1;
	[sflag:s0] =	ssyncset.done @!p0 $0x0  }
0x51: {  	[sflag:s0] =	ssyncadd.s32 @!p0 s1  }
0x52: {  	[bflag:$0x3] =	sbarrier.arrive $0xFFFF  }
0x53: {  	_ =	shalt  }

// kernel: kernel.25.cloned.1.call-start
scs
__scs_entry_jumppad:
0x0: {  	(pc) =	sbr.rel $0x88, $3  }
0x1: {  	(tag) =	ssettag $0x0;
	lr =	simm.s32 $0x1  }
0x2: {  	[smem:$0x3F90] =	sst lr;
	_ =	strace $0xD0000000  }
0x3: {  	_ = 	snop  }
0x4: {  	_ = 	snop  }
0x5: {  	_ = 	snop  }
0x6: {  	_ = 	snop  }
0x7: {  	_ = 	snop  }
__scs_overlays_trampoline_lowered:
0x8: {  	[smem:$0x3F9F] =	sst s0  }
0x9: {  	[smem:$0x3FA0] =	sst s1  }
0xa: {  	[smem:$0x3FA1] =	sst s2  }
0xb: {  	[smem:$0x3FA2] =	sst s3  }
0xc: {  	[smem:$0x3FA3] =	sst s4  }
0xd: {  	[smem:$0x3FA4] =	sst s5  }
0xe: {  	[smem:$0x3FA5] =	sst s6  }
0xf: {  	[smem:$0x3FA6] =	sst s7  }
0x10: {  	[smem:$0x3FA7] =	sst s8  }
0x11: {  	[smem:$0x3FA8] =	sst s9;
	s0 =	simm.s32 @!p0 $0x0  }
0x12: {  	s1 =	sld [smem:$0x3F8E];
	s0 =	simm.s32 @p0 $0x1  }
0x13: {  	[smem:$0x3FA9] =	sst s0;
	s0 =	simm.s32 @!p1 $0x0  }
0x14: {  	s2 =	sld [smem:$0x3F8D];
	s0 =	simm.s32 @p1 $0x1  }
0x15: {  	[smem:$0x3FAA] =	sst s0;
	s0 =	simm.s32 @!p2 $0x0  }
0x16: {  	s3 =	sld [smem:$0x3FDB];
	s0 =	simm.s32 @p2 $0x1  }
0x17: {  	s4 =	simm.s32 $0x1BF5;
	[smem:$0x3FAC] =	sst s0  }
0x18: {  	s0 =	sld [smem:$0x3F8F];
	_ =	swait.ge [sflag:s4], $0x0  }
0x19: {  	s7 =	sld [smem:$0x3F90]  }
0x1a: {  	s8 =	sadd.s32 $0xFFFFE003, lr  }
0x1b: {  	s9 =	sadd.s32 $0xFFFFFEF7, lr;
	s5 =	simm.s32 $0xFFFFFFFF;
	p2 =	slt.u32 s8, $0xFFFFF086  }
0x1c: {  	p1 =	slt.u32 s9, $0xF7A;
	s5 =	simm.s32 @!p2 $0x0  }
0x1d: {  	s5 =	simm.s32 @p1 $0x1;
	p0 =	seq.s32 s7, s2  }
0x1e: {  	s7 =	smul.u32 @!p0 $0xF7A, s2;
	p2 =	seq.s32 @!p0 s5, $0x0  }
0x1f: {  	s9 =	smul.u32 $0xF7A, s1;
	s8 =	simm.s32 @!p0 $0x1BF5;
	p2 =	por !p2, p0  }
0x20: {  	[sflag:s8] =	ssyncset.s32 @!p0 $0xFFFFF086;
	s6 =	sadd.s32 @!p0 s3, s7;
	s7 =	simm.s32 @!p0 $0x108  }
0x21: {  	s3 =	sadd.s32 s3, s9;
	s6 =	sadd.s32 @!p0 $0x88, s6;
	s7 =	simm.s32 @p2 $0x1082  }
0x22: {  	[simem:s7], [sflag:s8] =	dma.local @!p0 [hbm:s6], $0xF7A  }
0x23: {  	s9 =	sor.u32 $0xD0000000, s2;
	s6 =	simm.s32 $0x108;
	_ =	swait.ge @!p0 [sflag:s8], $0x0  }
0x24: {  	s3 =	sadd.s32 $0x88, s3;
	s6 =	simm.s32 @!p1 $0x1082;
	[sflag:s4] =	ssyncset.s32 $0xFFFFF086  }
0x25: {  	[simem:s6], [sflag:s4] =	dma.local [hbm:s3], $0xF7A  }
0x26: {  	[smem:$0x3F90] =	sst s1;
	(tag) =	ssettag s2;
	_ =	strace s9  }
0x27: {  	s1 =	sld [smem:$0x3FA0]  }
0x28: {  	s2 =	sld [smem:$0x3FA1]  }
0x29: {  	s4 =	sld [smem:$0x3FA3]  }
0x2a: {  	p0 =	seq.s32 s5, $0x0;
	s5 =	sld [smem:$0x3FA4]  }
0x2b: {  	s6 =	sld [smem:$0x3FA5]  }
0x2c: {  	s7 =	sld [smem:$0x3FA6]  }
0x2d: {  	s3 =	simm.s32 $0x108;
	s8 =	sld [smem:$0x3FA7]  }
0x2e: {  	s3 =	simm.s32 @!p0 $0x1082;
	s9 =	sld [smem:$0x3FA8]  }
0x2f: {  	lr =	sadd.s32 s0, s3;
	s0 =	sld [smem:$0x3F9F]  }
0x30: {  	s3 =	sld [smem:$0x3FA2]  }
0x31: {  	[smem:$0x3FAB] =	sst s10  }
0x32: {  	s10 =	sld [smem:$0x3FA9];
	_ =	sdelay $0x3  }
0x33: {  	p0 =	seq.s32 s10, $0x1;
	s10 =	sld [smem:$0x3FAB];
	_ =	sdelay $0x3  }
0x34: {  	[smem:$0x3FAB] =	sst s10  }
0x35: {  	s10 =	sld [smem:$0x3FAA];
	_ =	sdelay $0x3  }
0x36: {  	p1 =	seq.s32 s10, $0x1;
	s10 =	sld [smem:$0x3FAB];
	_ =	sdelay $0x3  }
0x37: {  	[smem:$0x3FAB] =	sst s10  }
0x38: {  	s10 =	sld [smem:$0x3FAC]  }
0x39: {  	_ = 	snop;
	(pc) =	sbr.ind lr, $3  }
0x3a: {  	_ = 	snop  }
0x3b: {  	_ = 	snop  }
0x3c: {  	p2 =	seq.s32 s10, $0x1;
	s10 =	sld [smem:$0x3FAB]  }
0x3d: {  	_ =	shalt  }
0x3e: {  	_ =	shalt  }
0x3f: {  	_ =	shalt  }
0x40: {  	_ =	shalt  }
0x41: {  	_ =	shalt  }
0x42: {  	_ =	shalt  }
0x43: {  	_ =	shalt  }
0x44: {  	_ =	shalt  }
0x45: {  	_ =	shalt  }
0x46: {  	_ =	shalt  }
0x47: {  	_ =	shalt  }
0x48: {  	_ =	shalt  }
0x49: {  	_ =	shalt  }
0x4a: {  	_ =	shalt  }
0x4b: {  	_ =	shalt  }
0x4c: {  	_ =	shalt  }
0x4d: {  	_ =	shalt  }
0x4e: {  	_ =	shalt  }
0x4f: {  	_ =	shalt  }
0x50: {  	_ =	shalt  }
0x51: {  	_ =	shalt  }
0x52: {  	_ =	shalt  }
0x53: {  	_ =	shalt  }
0x54: {  	_ =	shalt  }
0x55: {  	_ =	shalt  }
0x56: {  	_ =	shalt  }
0x57: {  	_ =	shalt  }
0x58: {  	_ =	shalt  }
0x59: {  	_ =	shalt  }
0x5a: {  	_ =	shalt  }
0x5b: {  	_ =	shalt  }
0x5c: {  	_ =	shalt  }
0x5d: {  	_ =	shalt  }
0x5e: {  	_ =	shalt  }
0x5f: {  	_ =	shalt  }
0x60: {  	_ =	shalt  }
0x61: {  	_ =	shalt  }
0x62: {  	_ =	shalt  }
0x63: {  	_ =	shalt  }
0x64: {  	_ =	shalt  }
0x65: {  	_ =	shalt  }
0x66: {  	_ =	shalt  }
0x67: {  	_ =	shalt  }
0x68: {  	_ =	shalt  }
0x69: {  	_ =	shalt  }
0x6a: {  	_ =	shalt  }
0x6b: {  	_ =	shalt  }
0x6c: {  	_ =	shalt  }
0x6d: {  	_ =	shalt  }
0x6e: {  	_ =	shalt  }
0x6f: {  	_ =	shalt  }
0x70: {  	_ =	shalt  }
0x71: {  	_ =	shalt  }
0x72: {  	_ =	shalt  }
0x73: {  	_ =	shalt  }
0x74: {  	_ =	shalt  }
0x75: {  	_ =	shalt  }
0x76: {  	_ =	shalt  }
0x77: {  	_ =	shalt  }
0x78: {  	_ =	shalt  }
0x79: {  	_ =	shalt  }
0x7a: {  	_ =	shalt  }
0x7b: {  	_ =	shalt  }
0x7c: {  	_ =	shalt  }
0x7d: {  	_ =	shalt  }
0x7e: {  	_ =	shalt  }
0x7f: {  	_ =	shalt  }
0x80: {  	_ =	shalt  }
0x81: {  	_ =	shalt  }
0x82: {  	_ =	shalt  }
0x83: {  	_ =	shalt  }
0x84: {  	_ =	shalt  }
0x85: {  	_ =	shalt  }
0x86: {  	_ =	shalt  }
0x87: {  	_ =	shalt  }
.Lfunc_end0:
.L_simem_size_0:
called_computation.4_lowered:
.L_overlay_start_0:
0x88: {  	s2 =	sld [smem:$0x3FD9]  }
0x89: {  	s3 =	sld [smem:$0x3FFE];
	_ =	sdelay $0x1  }
0x8a: {  	s1 =	srdreg.scid  }
0x8b: {  	s0 =	sand.u32 $0x1, s1  }
0x8c: {  	s16 =	sshll.u32 s0, $0xA;
	s2 =	sadd.s32 s3, s2  }
0x8d: {  	s2 =	sadd.s32 s2, s16  }
0x8e: {  	[smem:$0x3FB7] =	sst s2  }
0x8f: {  	_ = 	snop  }
0x90: {  	(tm) =	ssettm $0x1  }
0x91: {  	s17 =	sld [smem:$0x3FFB];
	_ =	sdelay $0x3  }
0x92: {  	_ =	strace s17  }
0x93: {  	s2 =	sld [smem:$0x3FFC];
	_ =	sdelay $0x3  }
0x94: {  	_ =	strace s2  }
0x95: {  	s2 =	sld [smem:$0x3FFD];
	_ =	sdelay $0x3  }
0x96: {  	_ =	strace s2  }
0x97: {  	_ =	strace $0x8FFFFFFF  }
0x98: {  	s18 =	sld [smem:$0x3FDB];
	_ =	sdelay $0x1  }
0x99: {  	s19 =	simm.s32 $_scs_section_size  }
0x9a: {  	s4 =	simm.s32 $_size__tile_overlayer_lowered;
	s5 =	simm.s32 $_tile_overlayer_lowered  }
0x9b: {  	s22 =	simm.s32 $0x1BFF;
	s21 =	sshll.u32 s5, $0x1;
	s2 =	sadd.s32 s19, s18  }
0x9c: {  	s6 =	simm.s32 $0x0;
	s20 =	sshll.u32 s4, $0x1;
	s4 =	sadd.s32 s21, s2  }
0x9d: {  	[timem:s6], [sflag:s22] =	dma.local [hbm:s4], s20  }
0x9e: {  	_ =	swait.ge [sflag:s22], s20  }
0x9f: {  	s3 =	ssub.s32 $0x0, s20;
	[sflag:s22] =	ssyncset.done $0x0  }
0xa0: {  	[sflag:s22] =	ssyncadd.s32 s3;
	_ =	sdelay $0x1  }
0xa1: {  	s23 =	simm.s32 $0x1B8B  }
0xa2: {  	_ =	swait.ge [sflag:s23], $0x1  }
0xa3: {  	[sflag:s23] =	ssyncset.done $0x0  }
0xa4: {  	s25 =	simm.s32 $0x1B8E;
	s24 =	sld [smem:$0x3FFE];
	[sflag:s23] =	ssyncadd.s32 $0xFFFFFFFF  }
0xa5: {  	s26 =	simm.s32 $execute0_lowered;
	[smem:$0x3FD2] =	sst s25  }
0xa6: {  	s4 =	sshll.u32 s26, $0x1;
	_ =	strace $0x80000052;
	[dreg:$0x1] =	wrdreg $0xFFFFFFFF  }
0xa7: {  	s28 =	simm.s32 $_size_execute0_lowered;
	s2 =	sadd.s32 s2, s4;
	[dreg:$0x0] =	wrdreg $0x0  }
0xa8: {  	s4 =	sshll.u32 s28, $0x1;
	[dreg:$0x2] =	wrdreg s2  }
0xa9: {  	[dreg:$0x3] =	wrdreg s4  }
0xaa: {  	[dreg:$0x4] =	wrdreg $0xC0  }
0xab: {  	_ =	task [dreg:s6], $0x5FFFF  }
0xac: {  	[dreg:$0x1] =	wrdreg $0xFFFFFFFF  }
0xad: {  	[dreg:$0x0] =	wrdreg $0x60  }
0xae: {  	[dreg:$0x2] =	wrdreg s24  }
0xaf: {  	[dreg:$0x3] =	wrdreg $0x9  }
0xb0: {  	_ =	task.clear_ibuf [dreg:s6], $0x4FFFF;
	_ =	strace $0x90000052  }
0xb1: {  	s29 =	simm.s32 $0x9;
	_ =	strace $0x80000054  }
0xb2: {  	_ =	swait.ge [sflag:s29], $0x1  }
0xb3: {  	[sflag:s29] =	ssyncadd.s32 $0xFFFFFFFF  }
0xb4: {  	_ =	strace $0x90000054  }
0xb5: {  	_ =	sfence  }
0xb6: {  	s30 =	sld [smem:$0x0];
	_ =	sdelay $0x2  }
0xb7: {  	s31 =	sshll.u32 s1, $0xD;
	s1 =	sshrl.u32 s1, $0x2  }
0xb8: {  	s3 =	sand.u32 $0x4000, s31;
	s1 =	sadd.s32 s1, s30  }
0xb9: {  	s0 =	sor.u32 s3, s0;
	s1 =	sshll.u32 s1, $0x11  }
0xba: {  	s0 =	sor.u32 s1, s0  }
0xbb: {  	s0 =	sadd.s32 $0x8F2B, s0  }
0xbc: {  	[sflag:s0] =	ssyncadd.remote.s32 $0x1  }
0xbd: {  	_ =	sfence.sel $0xFFFF  }
0xbe: {  	[dreg:$0x0] =	wrdreg $0xFFFFFFFF;
	(pc) =	sbr.abs _section_cstart, $3  }
0xbf: {  	[dreg:$0x1] =	wrdreg $0xFFFFFFFF  }
0xc0: {  	_ =	task.clear_ibuf [dreg:s6], $0x2FFFF;
	_ =	strace $0x9FFFFFFF  }
0xc1: {  	(tm) =	ssettm $0x7FFFFFFF  }
tec
execute0_lowered:
.L_overlay_start_1:
0x0: {  	(tag) =	ssettag $0x1  }
0x1: {  	s1 =	srdreg.scid  }
0x2: {  	s0 =	stileid.u32;
	s4 =	rddreg [dreg:$0x0];
	s2 =	simm.s32 $0x0  }
0x3: {  	s9 =	simm.s32 $0x2880;
	s10 =	simm.s32 $0x6480;
	s11 =	simm.s32 $0x1  }
0x4: {  	s12 =	simm.s32 $0x2;
	s13 =	simm.s32 $0x0;
	s5 =	sand.u32 $0x1, s1  }
0x5: {  	s3 =	sshll.u32 s0, $0x1;
	[smem:$0x7FF] =	sst s2;
	s7 =	smul.u32 $0x50A00, s0  }
0x6: {  	s3 =	sor.u32 s5, s3;
	s8 =	ssub.s32 $0x2, s5;
	s5 =	smul.u32 $0x28500, s5  }
0x7: {  	s1 =	rddreg [dreg:$0x1];
	_ =	strace $0x80000053;
	s6 =	smul.u32 $0x2850, s3  }
0x8: {  	s3 =	sadd.s32 $0x35000, s4;
	s7 =	sadd.s32 s7, s4;
	s30 =	sshrl.u32 s8, $0x1  }
0x9: {  	s8 =	ssub.s32 s8, s30;
	s31 =	sadd.s32 s5, s7;
	s6 =	sshrl.u32 s6, $0x3  }
0xa: {  	s7 =	simm.s32 $0x3;
	s5 =	smax.u32 s8, $0x1;
	s6 =	sadd.s32 s6, s4  }
0xb: {  	s8 =	simm.s32 $0x78;
	s4 =	sadd.s32 $0x3C00, s6;
	s6 =	sadd.s32 $0x84F80, s31  }
.LBB2_1:
0xc: {  	[tilespmem:s2], [sflag:$0x3] =	stream.linear.gather [hbm4b:s4+s2], $0x2850, $0x38;
	[tilespmem:$0xA080] =	vst v63  }
0xd: {  	_ =	swait.ge [sflag:s7], $0x2850  }
0xe: {  	[sflag:s7] =	ssyncset.done $0x0  }
0xf: {  	s14 =	simm.s32 $0x0;
	[sflag:s7] =	ssyncadd.s32 $0xFFFFD7B0  }
0x10: {  	[tilespmem:s9], [sflag:$0x1] =	stream.indirect.gather [hbm4b:s3+s8], $0x80, s14, s8, $0xb8;
	[tilespmem:$0xA080] =	vst v63  }
0x11: {  	s30 =	simm.s32 $0x78  }
0x12: {  	[tilespmem:s10], [sflag:$0x2] =	stream.indirect.gather [hbm4b:s3+s8], $0x80, s30, s8, $0xb8;
	[tilespmem:$0xA080] =	vst v63  }
0x13: {  	_ =	swait.ge [sflag:s11], $0x3C00  }
0x14: {  	[sflag:s11] =	ssyncset.done $0x0  }
0x15: {  	s31 =	sadd.s32 $0xFFFFF880, s6;
	[sflag:s11] =	ssyncadd.s32 $0xFFFFC400  }
0x16: {  	[hbm4b:s31+s2] =	stream.linear.scatter [tilespmem:s9], [sflag:$0x3], $0x3C00, $0x38;
	[tilespmem:$0xA080] =	vst v63  }
0x17: {  	_ =	swait.ge [sflag:s7], $0x3C00  }
0x18: {  	[sflag:s7] =	ssyncset.done $0x0  }
0x19: {  	[sflag:s7] =	ssyncadd.s32 $0xFFFFC400  }
0x1a: {  	_ =	swait.ge [sflag:s12], $0x3C00  }
0x1b: {  	[sflag:s12] =	ssyncset.done $0x0  }
0x1c: {  	[sflag:s12] =	ssyncadd.s32 $0xFFFFC400  }
0x1d: {  	[hbm4b:s6+s2] =	stream.linear.scatter [tilespmem:s10], [sflag:$0x3], $0x3C00, $0x38;
	[tilespmem:$0xA080] =	vst v63  }
0x1e: {  	s15 =	simm.s32 $0x3C0;
	_ =	swait.ge [sflag:s7], $0x3C00  }
0x1f: {  	s16 =	simm.s32 $0x780;
	s14 =	sadd.s32 $0xF00, s6;
	[sflag:s7] =	ssyncset.done $0x0  }
.LBB2_2:
0x20: {  	s17 =	sshra.s32 s15, $0x2  }
0x21: {  	[sflag:s7] =	ssyncadd.s32 $0xFFFFC400;
	s15 =	smov.u32 s16;
	s18 =	sadd.s32 $0x3C0, s16  }
0x22: {  	[tilespmem:s9], [sflag:$0x1] =	stream.indirect.gather [hbm4b:s3+s8], $0x80, s17, s8, $0xb8;
	[tilespmem:$0xA080] =	vst v63  }
0x23: {  	p0 =	sne.s32 s16, $0x9D80;
	s16 =	sadd.s32 $0x78, s17  }
0x24: {  	[tilespmem:s10], [sflag:$0x2] =	stream.indirect.gather [hbm4b:s3+s8], $0x80, s16, s8, $0xb8;
	[tilespmem:$0xA080] =	vst v63  }
0x25: {  	_ =	swait.ge [sflag:s11], $0x3C00  }
0x26: {  	[sflag:s11] =	ssyncset.done $0x0  }
0x27: {  	s16 =	sadd.s32 $0xFFFFF880, s14;
	[sflag:s11] =	ssyncadd.s32 $0xFFFFC400  }
0x28: {  	[hbm4b:s16+s2] =	stream.linear.scatter [tilespmem:s9], [sflag:$0x3], $0x3C00, $0x38;
	[tilespmem:$0xA080] =	vst v63  }
0x29: {  	_ =	swait.ge [sflag:s7], $0x3C00  }
0x2a: {  	[sflag:s7] =	ssyncset.done $0x0  }
0x2b: {  	[sflag:s7] =	ssyncadd.s32 $0xFFFFC400  }
0x2c: {  	_ =	swait.ge [sflag:s12], $0x3C00  }
.Ltmp0:
0x2d: {  	[sflag:s12] =	ssyncset.done $0x0;
	(pc) =	sbr.rel @p0 .LBB2_2-.Ltmp0, $4  }
0x2e: {  	[sflag:s12] =	ssyncadd.s32 $0xFFFFC400  }
0x2f: {  	[hbm4b:s14+s2] =	stream.linear.scatter [tilespmem:s10], [sflag:$0x3], $0x3C00, $0x38;
	[tilespmem:$0xA080] =	vst v63  }
0x30: {  	_ =	swait.ge [sflag:s7], $0x3C00  }
0x31: {  	s16 =	smov.u32 s18;
	s14 =	sadd.s32 $0xF00, s14;
	[sflag:s7] =	ssyncset.done $0x0  }
0x32: {  	s15 =	sshra.s32 s15, $0x2;
	[sflag:s7] =	ssyncadd.s32 $0xFFFFC400  }
0x33: {  	[tilespmem:s9], [sflag:$0x1] =	stream.indirect.gather [hbm4b:s3+s8], $0x80, s15, s8, $0xb8;
	[tilespmem:$0xA080] =	vst v63  }
0x34: {  	s15 =	sadd.s32 $0x78, s15  }
0x35: {  	[tilespmem:s10], [sflag:$0x2] =	stream.indirect.gather [hbm4b:s3+s8], $0x80, s15, s8, $0xb8;
	[tilespmem:$0xA080] =	vst v63  }
0x36: {  	_ =	swait.ge [sflag:s11], $0x3C00  }
0x37: {  	[sflag:s11] =	ssyncset.done $0x0  }
0x38: {  	s31 =	sadd.s32 $0xFFFFF880, s14;
	[sflag:s11] =	ssyncadd.s32 $0xFFFFC400  }
0x39: {  	[hbm4b:s31+s2] =	stream.linear.scatter [tilespmem:s9], [sflag:$0x3], $0x3C00, $0x38;
	[tilespmem:$0xA080] =	vst v63  }
0x3a: {  	_ =	swait.ge [sflag:s7], $0x3C00  }
0x3b: {  	[sflag:s7] =	ssyncset.done $0x0  }
0x3c: {  	[sflag:s7] =	ssyncadd.s32 $0xFFFFC400  }
0x3d: {  	s13 =	sadd.s32 $0x1, s13;
	_ =	swait.ge [sflag:s12], $0x3C00  }
0x3e: {  	p0 =	sne.s32 s13, s5;
	[sflag:s12] =	ssyncset.done $0x0  }
.Ltmp1:
0x3f: {  	[sflag:s12] =	ssyncadd.s32 $0xFFFFC400;
	(pc) =	sbr.rel @p0 .LBB2_1-.Ltmp1, $4  }
0x40: {  	[hbm4b:s14+s2] =	stream.linear.scatter [tilespmem:s10], [sflag:$0x3], $0x3C00, $0x38;
	[tilespmem:$0xA080] =	vst v63  }
0x41: {  	_ =	swait.ge [sflag:s7], $0x3C00  }
0x42: {  	[sflag:s7] =	ssyncset.done $0x0  }
0x43: {  	[sflag:s7] =	ssyncadd.s32 $0xFFFFC400  }
0x44: {  	_ =	sfence.sel $0x180000  }
0x45: {  	[bflag:$0x0] =	sbarrier.arrive $0xFFFF  }
0x46: {  	p0 =	sne.s32 s0, $0x0;
	_ =	strace $0x90000053  }
0x47: {  	s0 =	sadd.s32 @!p0 $0x100000, s1;
	[bflag:$0x2] =	sbarrier.arrive $0xFFFF  }
0x48: {  	[sflag:s0] =	ssyncadd.tile.s32 @!p0 $0x1;
	_ =	shalt  }
.Lfunc_end2:
_tile_overlayer_lowered:
.L_overlay_start_2:
0x49: {  	(tag) =	ssettag $0x2  }
0x4a: {  	s0 =	rddreg [dreg:$0x0];
	s2 =	stileid.u32  }
0x4b: {  	s1 =	rddreg [dreg:$0x1];
	p0 =	sne.s32 s2, $0x0  }
0x4c: {  	s3 =	rddreg [dreg:$0x2];
	[bflag:$0x3] =	sbarrier.arrive $0xFFFF;
	s2 =	simm.s32 @!p0 $0x1C03  }
0x4d: {  	[timem:s3], [sflag:s2] =	dma.local @!p0 [hbm:s0], s1  }
0x4e: {  	s0 =	simm.s32 @!p0 $0x3  }
0x4f: {  	_ =	swait.ge @!p0 [sflag:s0], s1  }
0x50: {  	s1 =	ssub.s32 @!p0 $0x0, s1;
	[sflag:s0] =	ssyncset.done @!p0 $0x0  }
0x51: {  	[sflag:s0] =	ssyncadd.s32 @!p0 s1  }
0x52: {  	[bflag:$0x3] =	sbarrier.arrive $0xFFFF  }
0x53: {  	_ =	shalt  }

</sc_bundles>
